<compile_context>
chip_gen: v7x
topology: tpu7x:2x2x1
jax: 0.10.2.dev20260603
libtpu: 0.0.44.dev20260713+nightly
codegen_flags: <defaults>
</compile_context>

<pallas_src>
import functools

import jax
import jax.numpy as jnp
from jax import lax
from jax.experimental import pallas as pl
from jax.experimental.pallas import tpu as pltpu
from jax.experimental.pallas import tpu_sc as plsc

_B, _N, _K = 4, 2048, 16
_BN = _B * _N
_RANK = 32
_OUT = 128
_NG = 32


_TOPK_ROWS = 256


def _topk_body(dist_ref, idx_ref):
    x = dist_ref[...]
    r = x.shape[0]
    colf = lax.broadcasted_iota(jnp.int32, (r, _N), 1).astype(jnp.float32)
    lane = lax.broadcasted_iota(jnp.int32, (r, _K), 1)
    acc = jnp.zeros((r, _K), jnp.int32)
    for j in range(_K):
        m = jnp.min(x, axis=1, keepdims=True)
        i = jnp.min(jnp.where(x == m, colf, jnp.float32(_N)),
                    axis=1)
        acc = jnp.where(lane == j, i[:, None].astype(jnp.int32), acc)
        x = jnp.where(colf == i[:, None], jnp.inf, x)
    base = pl.program_id(0) * _TOPK_ROWS // _N * _N
    idx_ref[...] = acc + base


def _topk(dist2):
    return pl.pallas_call(
        _topk_body,
        grid=(_BN // _TOPK_ROWS,),
        in_specs=[pl.BlockSpec((_TOPK_ROWS, _N), lambda i: (i, 0))],
        out_specs=pl.BlockSpec((_TOPK_ROWS, _K), lambda i: (i, 0)),
        out_shape=jax.ShapeDtypeStruct((_BN, _K), jnp.int32),
    )(dist2)



_NW = 32
_CH = 128
_GW = 128


def _sc_sqrt(x):
    xi = lax.bitcast_convert_type(x, jnp.int32)
    s = lax.bitcast_convert_type((xi >> 1) + 0x1FBD1DF6, jnp.float32)
    for _ in range(3):
        s = 0.5 * (s + x / s)
    return s


def _sc_geom(table_flat, gidx_flat):
    m = gidx_flat.shape[0]
    per_w = m // _NW
    npts = per_w // _K
    tlen = table_flat.shape[0]
    mesh = plsc.VectorSubcoreMesh(core_axis_name="c", subcore_axis_name="s")

    @functools.partial(
        pl.kernel,
        mesh=mesh,
        out_type=jax.ShapeDtypeStruct((m * 8,), jnp.float32),
        scratch_types=[
            pltpu.VMEM((tlen,), jnp.float32),
            pltpu.VMEM((per_w,), jnp.int32),
            pltpu.VMEM((per_w * 8,), jnp.float32),
        ],
        compiler_params=pltpu.CompilerParams(needs_layout_passes=False),
    )
    def k(table_hbm, idx_hbm, out_hbm, table_v, idx_v, obuf):
        wid = lax.axis_index("s") * 2 + lax.axis_index("c")
        pltpu.sync_copy(table_hbm, table_v)
        pltpu.sync_copy(idx_hbm.at[pl.ds(wid * per_w, per_w)], idx_v)
        lanes = lax.iota(jnp.int32, 16)

        def body(p, carry):
            idx16 = idx_v[pl.ds(p * _K, _K)]
            pg = wid * npts + p

            def nbr(c):
                return plsc.load_gather(table_v, [idx16 * 8 + c])

            def cen(c):
                return plsc.load_gather(
                    table_v, [jnp.full((16,), pg * 8 + c, jnp.int32)])

            px, py, pz = nbr(0), nbr(1), nbr(2)
            nx, ny, nz = nbr(3), nbr(4), nbr(5)
            cx, cy, cz = cen(0), cen(1), cen(2)
            wx, wy, wz = cen(3), cen(4), cen(5)
            mx = jnp.broadcast_to(jnp.sum(px) * (1.0 / _K), (16,))
            my = jnp.broadcast_to(jnp.sum(py) * (1.0 / _K), (16,))
            mz = jnp.broadcast_to(jnp.sum(pz) * (1.0 / _K), (16,))
            l1x, l1y, l1z = mx - px, my - py, mz - pz
            l2x, l2y, l2z = px - cx, py - cy, pz - cz
            l3x, l3y, l3z = cx - mx, cy - my, cz - mz
            l1n = _sc_sqrt(l1x * l1x + l1y * l1y + l1z * l1z)
            l2n = _sc_sqrt(l2x * l2x + l2y * l2y + l2z * l2z)
            l3n = _sc_sqrt(l3x * l3x + l3y * l3y + l3z * l3z)
            t1 = (l1x * l2x + l1y * l2y + l1z * l2z) / (l1n * l2n + 1e-7)
            t2 = (l2x * l3x + l2y * l3y + l2z * l3z) / (l2n * l3n + 1e-7)
            t3 = (l3x * l1x + l3y * l1y + l3z * l1z) / (l3n * l1n + 1e-7)
            cosv = nx * wx + ny * wy + nz * wz
            zero = jnp.zeros((16,), jnp.float32)
            obase = p * (_K * 8)
            for c, val in enumerate([l1n, l2n, l3n, t1, t2, t3, cosv, zero]):
                plsc.store_scatter(obuf, [obase + lanes * 8 + c], val)
            return carry

        lax.fori_loop(0, npts, body, 0)
        pltpu.sync_copy(obuf, out_hbm.at[pl.ds(wid * per_w * 8, per_w * 8)])

    return k(table_flat, gidx_flat)


def _sc_gather(table, gidx2, d):
    m = gidx2.shape[0] * _CH
    per_w = m // _NW
    nch = per_w // _CH
    mesh = plsc.VectorSubcoreMesh(core_axis_name="c", subcore_axis_name="s")

    @functools.partial(
        pl.kernel,
        mesh=mesh,
        out_type=jax.ShapeDtypeStruct((m, d), jnp.float32),
        scratch_types=[
            pltpu.VMEM((nch, _CH), jnp.int32),
            pltpu.VMEM((2, _CH, d), jnp.float32),
            pltpu.SemaphoreType.DMA,
        ],
    )
    def k(table_hbm, idx_hbm, out_hbm, idx_v, buf, sem):
        wid = lax.axis_index("s") * 2 + lax.axis_index("c")
        base = wid * per_w
        pltpu.sync_copy(idx_hbm.at[pl.ds(wid * nch, nch)], idx_v)
        pltpu.async_copy(table_hbm.at[idx_v.at[0]], buf.at[0], sem)

        def body(j, _):
            pltpu.make_async_copy(
                table_hbm.at[idx_v.at[0]], buf.at[0], sem).wait()

            @pl.when(j + 1 < nch)
            def _fire():
                pltpu.async_copy(
                    table_hbm.at[idx_v.at[j + 1]],
                    buf.at[lax.rem(j + 1, 2)], sem)

            pltpu.sync_copy(buf.at[lax.rem(j, 2)],
                            out_hbm.at[pl.ds(base + j * _CH, _CH)])
            return _

        lax.fori_loop(0, nch, body, 0)

    return k(table, gidx2)




def _ln_mx(x, g, b, c):
    mu = jnp.mean(x, axis=-1, keepdims=True)
    xc = x - mu
    v = jnp.mean(xc * xc, axis=-1, keepdims=True)
    return xc / jnp.sqrt(v + 1e-5) * g + b


def _mlp_kern(ri, w):
    h = jnp.dot(ri, w["kw0T"], preferred_element_type=jnp.float32) + w["kb0"]
    h = jnp.maximum(_ln_mx(h, w["kg0"], w["kbt0"], 32), 0.0)
    h = jnp.dot(h, w["kw1T"], preferred_element_type=jnp.float32) + w["kb1"]
    h = jnp.maximum(_ln_mx(h, w["kg1"], w["kbt1"], 32), 0.0)
    return jnp.dot(h, w["kw2T"], preferred_element_type=jnp.float32) + w["kb2"]



_P1 = 256


def _stage1_body(ri_ref, kw0T, kb0, kg0, kbt0, kw1T, kb1, kg1,
                 kbt1, kw2T, kb2, owTe, owTo, ob, lng, lnb, awT, ab,
                 f_ref, glob_ref, acc):
    i = pl.program_id(0)
    per_batch = pl.num_programs(0) // _B

    @pl.when(i % per_batch == 0)
    def _():
        acc[...] = jnp.full((1, _NG), -jnp.inf, jnp.float32)

    p = _P1
    ri = ri_ref[...]
    l2n = ri[:, 1:2].reshape(p, _K, 1)
    cosv = ri[:, 6:7].reshape(p, _K, 1)
    w = dict(kw0T=kw0T[...], kb0=kb0[...], kg0=kg0[...], kbt0=kbt0[...],
             kw1T=kw1T[...], kb1=kb1[...], kg1=kg1[...], kbt1=kbt1[...],
             kw2T=kw2T[...], kb2=kb2[...])
    kern = _mlp_kern(ri, w).reshape(p, _K, _RANK)
    a0 = jnp.sum(kern * l2n, axis=1)
    a1 = jnp.sum(kern * cosv, axis=1)
    out = (jnp.dot(a0, owTe[...], preferred_element_type=jnp.float32)
           + jnp.dot(a1, owTo[...], preferred_element_type=jnp.float32)
           + ob[...])
    out = _ln_mx(out, lng[...], lnb[...], _OUT)
    f_ref[...] = out
    tran = jnp.dot(out, awT[...], preferred_element_type=jnp.float32) + ab[...]
    acc[...] = jnp.maximum(acc[...], jnp.max(tran, axis=0, keepdims=True))
    glob_ref[...] = acc[...].reshape(1, 1, _NG)


def _stage1(ri, spc, aw, ab):
    full = lambda a: pl.BlockSpec(a.shape, lambda i: tuple(0 for _ in a.shape))
    weights = [spc["kw0T"], spc["kb0"], spc["kg0"], spc["kbt0"], spc["kw1T"],
               spc["kb1"], spc["kg1"], spc["kbt1"], spc["kw2T"], spc["kb2"],
               spc["owTe"], spc["owTo"], spc["ob"], spc["lng"], spc["lnb"],
               aw, ab]
    nb = _BN // _P1
    per_batch = nb // _B
    return pl.pallas_call(
        _stage1_body,
        grid=(nb,),
        in_specs=[pl.BlockSpec((_P1 * _K, 8), lambda i: (i, 0))]
                 + [full(a) for a in weights],
        out_specs=[pl.BlockSpec((_P1, _OUT), lambda i: (i, 0)),
                   pl.BlockSpec((1, 1, _NG), lambda i: (i // per_batch, 0, 0))],
        out_shape=[jax.ShapeDtypeStruct((_BN, _OUT), jnp.float32),
                   jax.ShapeDtypeStruct((_B, 1, _NG), jnp.float32)],
        scratch_shapes=[pltpu.VMEM((1, _NG), jnp.float32)],
    )(ri, *weights)



_P2 = 256
_G = 8


def _stage2_body(ri_ref, fn_ref, glob1_ref, kw0T, kb0, kg0, kbt0, kw1T,
                 kb1, kg1, kbt1, kw2T, kb2, w2_ref, ob, lng, lnb, awT, ab,
                 f_ref, glob_ref, acc, c_scr):
    i = pl.program_id(0)
    per_batch = pl.num_programs(0) // _B
    b = i // per_batch

    @pl.when(i % per_batch == 0)
    def _():
        acc[...] = jnp.full((1, _NG), -jnp.inf, jnp.float32)

    p = _P2
    w = dict(kw0T=kw0T[...], kb0=kb0[...], kg0=kg0[...], kbt0=kbt0[...],
             kw1T=kw1T[...], kb1=kb1[...], kg1=kg1[...], kbt1=kbt1[...],
             kw2T=kw2T[...], kb2=kb2[...])
    kern = _mlp_kern(ri_ref[...], w)
    kernT = kern.T

    globrow = glob1_ref[pl.ds(b, 1), 0, :]
    fne = jnp.concatenate(
        [fn_ref[...], jnp.broadcast_to(globrow, (p * _K, _NG))], axis=1)

    rows = lax.broadcasted_iota(jnp.int32, (_RANK * _G, _G * _K), 0)
    cols = lax.broadcasted_iota(jnp.int32, (_RANK * _G, _G * _K), 1)
    bd_mask = (rows % _G) == (cols // _K)

    for gi in range(p // _G):
        kt = kernT[:, gi * _G * _K:(gi + 1) * _G * _K]
        tbig = jnp.broadcast_to(kt[:, None, :], (_RANK, _G, _G * _K))
        tbig = tbig.reshape(_RANK * _G, _G * _K)
        a_bd = jnp.where(bd_mask, tbig, 0.0)
        fc = fne[gi * _G * _K:(gi + 1) * _G * _K, :]
        cchunk = jnp.dot(a_bd, fc, preferred_element_type=jnp.float32)
        c_scr[:, pl.ds(gi * _G, _G), :] = cchunk.reshape(_RANK, _G, 160)

    out = ob[...] * jnp.ones((p, _OUT), jnp.float32)
    for r in range(_RANK):
        out = out + jnp.dot(c_scr[r], w2_ref[r],
                            preferred_element_type=jnp.float32)
    out = _ln_mx(out, lng[...], lnb[...], _OUT)
    f_ref[...] = out
    tran = jnp.dot(out, awT[...], preferred_element_type=jnp.float32) + ab[...]
    acc[...] = jnp.maximum(acc[...], jnp.max(tran, axis=0, keepdims=True))
    glob_ref[...] = acc[...].reshape(1, 1, _NG)


def _stage2(ri, fn, glob1, spc, aw, ab):
    full = lambda a: pl.BlockSpec(a.shape, lambda i: tuple(0 for _ in a.shape))
    weights = [spc["kw0T"], spc["kb0"], spc["kg0"], spc["kbt0"], spc["kw1T"],
               spc["kb1"], spc["kg1"], spc["kbt1"], spc["kw2T"], spc["kb2"],
               spc["w2"], spc["ob"], spc["lng"], spc["lnb"], aw, ab]
    nb = _BN // _P2
    per_batch = nb // _B
    return pl.pallas_call(
        _stage2_body,
        grid=(nb,),
        in_specs=[pl.BlockSpec((_P2 * _K, 8), lambda i: (i, 0)),
                  pl.BlockSpec((_P2 * _K, _OUT), lambda i: (i, 0)),
                  full(glob1)]
                 + [full(a) for a in weights],
        out_specs=[pl.BlockSpec((_P2, _OUT), lambda i: (i, 0)),
                   pl.BlockSpec((1, 1, _NG), lambda i: (i // per_batch, 0, 0))],
        out_shape=[jax.ShapeDtypeStruct((_BN, _OUT), jnp.float32),
                   jax.ShapeDtypeStruct((_B, 1, _NG), jnp.float32)],
        scratch_shapes=[pltpu.VMEM((1, _NG), jnp.float32),
                        pltpu.VMEM((_RANK, _P2, 160), jnp.float32)],
    )(ri, fn, glob1, *weights)



_PC = 256


def _concat_body(f_ref, glob_ref, out_ref):
    gl = glob_ref[...].reshape(1, _NG)
    out_ref[...] = jnp.concatenate(
        [f_ref[...], jnp.broadcast_to(gl, (_PC, _NG))], axis=1)


def _concat(f2, glob2):
    nb = _BN // _PC
    per_batch = nb // _B
    return pl.pallas_call(
        _concat_body,
        grid=(nb,),
        in_specs=[pl.BlockSpec((_PC, _OUT), lambda i: (i, 0)),
                  pl.BlockSpec((1, 1, _NG), lambda i: (i // per_batch, 0, 0))],
        out_specs=pl.BlockSpec((_PC, _OUT + _NG), lambda i: (i, 0)),
        out_shape=jax.ShapeDtypeStruct((_BN, _OUT + _NG), jnp.float32),
    )(f2, glob2)




def _prep_spc0(p):
    owT = p["ow"].T
    return dict(
        kw0T=jnp.pad(p["kw0"].T, ((0, 2), (0, 0))), kb0=p["kb0"],
        kg0=p["kg0"], kbt0=p["kbt0"],
        kw1T=p["kw1"].T, kb1=p["kb1"], kg1=p["kg1"], kbt1=p["kbt1"],
        kw2T=p["kw2"].T, kb2=p["kb2"],
        owTe=owT[0::2], owTo=owT[1::2],
        ob=p["ob"], lng=p["lng"], lnb=p["lnb"])


def _prep_spc1(p):
    w2 = p["ow"].reshape(_OUT, _RANK, 160).transpose(1, 2, 0)
    return dict(
        kw0T=jnp.pad(p["kw0"].T, ((0, 2), (0, 0))), kb0=p["kb0"],
        kg0=p["kg0"], kbt0=p["kbt0"],
        kw1T=p["kw1"].T, kb1=p["kb1"], kg1=p["kg1"], kbt1=p["kbt1"],
        kw2T=p["kw2"].T, kb2=p["kb2"],
        w2=w2, ob=p["ob"], lng=p["lng"], lnb=p["lnb"])




def kernel(pc, pc_normal, dist, params):
    b, n, _ = pc.shape
    pcf = pc.reshape(_BN, 3)
    pcnf = pc_normal.reshape(_BN, 3)
    dist2 = dist.reshape(_BN, _N)

    gidx = _topk(dist2)
    gidx2 = gidx.reshape(_BN * _K // _CH, _CH)

    geom8 = jnp.concatenate(
        [pcf, pcnf, jnp.zeros((_BN, 2), jnp.float32)], axis=1).reshape(-1)
    ri = _sc_geom(geom8, gidx.reshape(-1)).reshape(_BN * _K, 8)

    spc0 = _prep_spc0(params["spc0"])
    f1, glob1 = _stage1(ri, spc0, params["aggr0_w"].T, params["aggr0_b"])

    fn = _sc_gather(f1, gidx2, _OUT)

    spc1 = _prep_spc1(params["spc1"])
    f2, glob2 = _stage2(ri, fn, glob1, spc1, params["aggr1_w"].T,
                        params["aggr1_b"])

    out = _concat(f2, glob2)
    return out.reshape(b, n, _OUT + _NG)

# --- scband reference (transcript-rebuilt; emitter-appended) ---
"""Pipeline reference for scband-point-encoder-raw-74680891342897 (READ-ONLY COPY).

The authoritative reference and input builder live on the scoring server;
editing this copy changes nothing except your own understanding.
"""

import jax, jax.numpy as jnp
import numpy as np

K = 16
RANK = 32
OUT = 128
NG = 32  # out_dim // 4


def _p(key, shape):
    return jax.random.normal(key, shape, dtype=jnp.float32) * 0.02


def _spc_params(key, n_in):
    ks = jax.random.split(key, 4)
    return {
        'kw0': _p(ks[0], (32, 6)), 'kb0': jnp.zeros((32,), jnp.float32),
        'kg0': jnp.ones((32,), jnp.float32), 'kbt0': jnp.zeros((32,), jnp.float32),
        'kw1': _p(ks[1], (32, 32)), 'kb1': jnp.zeros((32,), jnp.float32),
        'kg1': jnp.ones((32,), jnp.float32), 'kbt1': jnp.zeros((32,), jnp.float32),
        'kw2': _p(ks[2], (RANK, 32)), 'kb2': jnp.zeros((RANK,), jnp.float32),
        'ow': _p(ks[3], (OUT, RANK * n_in)), 'ob': jnp.zeros((OUT,), jnp.float32),
        'lng': jnp.ones((OUT,), jnp.float32), 'lnb': jnp.zeros((OUT,), jnp.float32),
    }


def setup_inputs(seed: int = 0):
    key = jax.random.key(seed)
    k1, k2, k3, k4, k5, k6, k7 = jax.random.split(key, 7)
    B, N = 4, 2048
    pc = jax.random.normal(k1, (B, N, 3), jnp.float32)
    pcn = jax.random.normal(k2, (B, N, 3), jnp.float32)
    pcn = pcn / (jnp.linalg.norm(pcn, axis=-1, keepdims=True) + 1e-8)
    dist = jax.random.uniform(k3, (B, N, N), jnp.float32)
    params = {
        'spc0': _spc_params(k4, 2),
        'spc1': _spc_params(k5, OUT + NG),
        'aggr0_w': _p(k6, (NG, OUT)), 'aggr0_b': jnp.zeros((NG,), jnp.float32),
        'aggr1_w': _p(k7, (NG, OUT)), 'aggr1_b': jnp.zeros((NG,), jnp.float32),
    }
    return {'pc': pc, 'pc_normal': pcn, 'dist': dist, 'params': params}


def _lin(x, w, b):
    return x @ w.T + b


def _ln(x, g, b):
    m = jnp.mean(x, axis=-1, keepdims=True)
    v = jnp.var(x, axis=-1, keepdims=True)
    return (x - m) / jnp.sqrt(v + 1e-5) * g + b


def _rifeat(points_r, points_s):
    r_mean = jnp.mean(points_r, axis=-2, keepdims=True)
    l1 = r_mean - points_r
    l2 = points_r - points_s
    l3 = points_s - r_mean
    l1n = jnp.linalg.norm(l1, axis=-1, keepdims=True)
    l2n = jnp.linalg.norm(l2, axis=-1, keepdims=True)
    l3n = jnp.broadcast_to(jnp.linalg.norm(l3, axis=-1, keepdims=True), l2n.shape)
    t1 = jnp.sum(l1 * l2, axis=-1, keepdims=True) / (l1n * l2n + 1e-07)
    t2 = jnp.sum(l2 * l3, axis=-1, keepdims=True) / (l2n * l3n + 1e-07)
    t3 = jnp.sum(l3 * l1, axis=-1, keepdims=True) / (l3n * l1n + 1e-07)
    return jnp.concatenate([l1n, l2n, l3n, t1, t2, t3], axis=-1)


def _spconv(feat_points, feat, eval_points, p):
    ri = _rifeat(feat_points, eval_points[..., None, :])
    h = jax.nn.relu(_ln(_lin(ri, p['kw0'], p['kb0']), p['kg0'], p['kbt0']))
    h = jax.nn.relu(_ln(_lin(h, p['kw1'], p['kb1']), p['kg1'], p['kbt1']))
    kern = _lin(h, p['kw2'], p['kb2'])
    contracted = jnp.einsum('bnkr,bnki->bnri', kern, feat)
    contracted = contracted.reshape(*contracted.shape[:-2], -1)
    out = _lin(contracted, p['ow'], p['ob'])
    return _ln(out, p['lng'], p['lnb'])


def _aggr(feat, w, b):
    tran = _lin(feat, w, b)
    glob = jnp.max(tran, axis=-2, keepdims=True)
    glob = jnp.broadcast_to(glob, feat.shape[:-1] + (tran.shape[-1],))
    return jnp.concatenate([feat, glob], axis=-1)


def _forward(pc, pc_normal, dist, params):
    idx = jax.lax.top_k(-dist, K)[1]  # [B, N, K] smallest-distance neighbors
    b_idx = jnp.arange(pc.shape[0])[:, None, None]
    pc_nbrs = pc[b_idx, idx]  # [B, N, K, 3]
    pc_c = pc_nbrs - pc[:, :, None, :]
    pc_nbrs_norm = jnp.linalg.norm(pc_c, axis=-1, keepdims=True)
    pcn_nbrs = pc_normal[b_idx, idx]
    pcn_cos = jnp.sum(pcn_nbrs * pc_normal[:, :, None, :], axis=-1, keepdims=True)
    feat0 = jnp.concatenate([pc_nbrs_norm, pcn_cos], axis=-1)  # [B, N, K, 2]
    feat = _aggr(_spconv(pc_nbrs, feat0, pc, params['spc0']),
                 params['aggr0_w'], params['aggr0_b'])
    feat_nbrs = feat[b_idx, idx]  # [B, N, K, 160]
    feat = _aggr(_spconv(pc_nbrs, feat_nbrs, pc, params['spc1']),
                 params['aggr1_w'], params['aggr1_b'])
    return feat  # [B, N, 160]


def reference(pc, pc_normal, dist, params):
    return _forward(pc, pc_normal, dist, params)

if __name__ == "__main__":
    import jax
    _d = setup_inputs()
    print(jax.jit(kernel)(*tuple(_d.values())))

</pallas_src>

<mosaic_0001>
#map = affine_map<(d0, d1) -> (0)>
module attributes {stable_mosaic.version = 14 : i64} {
  func.func @k(%arg0: i32, %arg1: i32, %arg2: memref<65536xf32, #tpu.memory_space<hbm>>, %arg3: memref<131072xi32, #tpu.memory_space<hbm>>, %arg4: memref<1048576xf32, #tpu.memory_space<hbm>>, %arg5: memref<65536xf32, #tpu.memory_space<vmem>>, %arg6: memref<4096xi32, #tpu.memory_space<vmem>>, %arg7: memref<32768xf32, #tpu.memory_space<vmem>>) attributes {dimension_semantics = [#tpu.dimension_semantics<core_parallel>, #tpu.dimension_semantics<subcore_parallel>], iteration_bounds = array<i64: 2, 16>, scalar_prefetch = 0 : i64, scratch_operands = 3 : i64, tpu.core_type = #tpu.core_type<sc_vector_subcore>, window_params = [{transform_indices = #map}, {transform_indices = #map}, {transform_indices = #map}]} {
    %mul3A = arith.constant 2 : i32
    %mul3A_0 = arith.muli %arg1, %mul3A : i32
    %add3A = arith.addi %mul3A_0, %arg0 : i32
    "tpu.region"() ({
      %run_scoped3A = tpu.sem_alloc : memref<!tpu.dma_semaphore, #tpu.memory_space<semaphore_mem>>
      tpu.enqueue_dma source(%arg2 : memref<65536xf32, #tpu.memory_space<hbm>>) target(%arg5 : memref<65536xf32, #tpu.memory_space<vmem>>) target_semaphore(%run_scoped3A : memref<!tpu.dma_semaphore, #tpu.memory_space<semaphore_mem>>)
      tpu.wait_dma2 semaphore(%run_scoped3A : memref<!tpu.dma_semaphore, #tpu.memory_space<semaphore_mem>>) src(%arg2 : memref<65536xf32, #tpu.memory_space<hbm>>) dst(%arg5 : memref<65536xf32, #tpu.memory_space<vmem>>)
      tpu.yield
    }) : () -> ()
    %mul3A_1 = arith.constant 4096 : i32
    %mul3A_2 = arith.muli %add3A, %mul3A_1 : i32
    "tpu.region"() ({
      %run_scoped3A = tpu.sem_alloc : memref<!tpu.dma_semaphore, #tpu.memory_space<semaphore_mem>>
      %dma_start3A = tpu.memref_slice %arg3[%mul3A_2] : memref<131072xi32, #tpu.memory_space<hbm>> -> memref<4096xi32, #tpu.memory_space<hbm>>
      %dma_start3A_12 = tpu.memref_slice %arg3[%mul3A_2] : memref<131072xi32, #tpu.memory_space<hbm>> -> memref<4096xi32, #tpu.memory_space<hbm>>
      tpu.enqueue_dma source(%dma_start3A_12 : memref<4096xi32, #tpu.memory_space<hbm>>) target(%arg6 : memref<4096xi32, #tpu.memory_space<vmem>>) target_semaphore(%run_scoped3A : memref<!tpu.dma_semaphore, #tpu.memory_space<semaphore_mem>>)
      %dma_wait3A = tpu.memref_slice %arg3[%mul3A_2] : memref<131072xi32, #tpu.memory_space<hbm>> -> memref<4096xi32, #tpu.memory_space<hbm>>
      %dma_wait3A_13 = tpu.memref_slice %arg3[%mul3A_2] : memref<131072xi32, #tpu.memory_space<hbm>> -> memref<4096xi32, #tpu.memory_space<hbm>>
      tpu.wait_dma2 semaphore(%run_scoped3A : memref<!tpu.dma_semaphore, #tpu.memory_space<semaphore_mem>>) src(%dma_wait3A_13 : memref<4096xi32, #tpu.memory_space<hbm>>) dst(%arg6 : memref<4096xi32, #tpu.memory_space<vmem>>)
      tpu.yield
    }) : () -> ()
    %iota3A = tpu.iota {dimensions = array<i32: 0>} : vector<16xi32>
    %scan3A = arith.constant 0 : i32
    %scan3A_3 = arith.constant 0 : i32
    %scan3A_4 = arith.constant 256 : i32
    %scan3A_5 = arith.addi %scan3A_3, %scan3A_4 : i32
    %scan3A_6 = arith.constant 1 : i32
    scf.for %scan3A_12 = %scan3A_3 to %scan3A_5 step %scan3A_6  : i32 {
      %mul3A_13 = arith.constant 16 : i32
      %mul3A_14 = arith.muli %scan3A_12, %mul3A_13 : i32
      %get3A = arith.index_cast %mul3A_14 : i32 to index
      %get3A_15 = tpu.vector_load %arg6[%get3A] {strides = array<i32>} : memref<4096xi32, #tpu.memory_space<vmem>>, vector<16xi32>,
      %mul3A_16 = arith.constant 256 : i32
      %mul3A_17 = arith.muli %add3A, %mul3A_16 : i32
      %add3A_18 = arith.addi %mul3A_17, %scan3A_12 : i32
      %mul3A_19 = arith.constant 8 : i32
      %mul3A_20 = vector.broadcast %mul3A_19 : i32 to vector<16xi32>
      %mul3A_21 = arith.muli %get3A_15, %mul3A_20 : vector<16xi32>
      %add3A_22 = arith.constant 0 : i32
      %add3A_23 = vector.broadcast %add3A_22 : i32 to vector<16xi32>
      %add3A_24 = arith.addi %mul3A_21, %add3A_23 : vector<16xi32>
      %gather3A = tpu.vector_load_idx %arg5[%add3A_24] : memref<65536xf32, #tpu.memory_space<vmem>>[vector<16xi32>], vector<16xf32>,
      %mul3A_25 = arith.constant 8 : i32
      %mul3A_26 = vector.broadcast %mul3A_25 : i32 to vector<16xi32>
      %mul3A_27 = arith.muli %get3A_15, %mul3A_26 : vector<16xi32>
      %add3A_28 = arith.constant 1 : i32
      %add3A_29 = vector.broadcast %add3A_28 : i32 to vector<16xi32>
      %add3A_30 = arith.addi %mul3A_27, %add3A_29 : vector<16xi32>
      %gather3A_31 = tpu.vector_load_idx %arg5[%add3A_30] : memref<65536xf32, #tpu.memory_space<vmem>>[vector<16xi32>], vector<16xf32>,
      %mul3A_32 = arith.constant 8 : i32
      %mul3A_33 = vector.broadcast %mul3A_32 : i32 to vector<16xi32>
      %mul3A_34 = arith.muli %get3A_15, %mul3A_33 : vector<16xi32>
      %add3A_35 = arith.constant 2 : i32
      %add3A_36 = vector.broadcast %add3A_35 : i32 to vector<16xi32>
      %add3A_37 = arith.addi %mul3A_34, %add3A_36 : vector<16xi32>
      %gather3A_38 = tpu.vector_load_idx %arg5[%add3A_37] : memref<65536xf32, #tpu.memory_space<vmem>>[vector<16xi32>], vector<16xf32>,
      %mul3A_39 = arith.constant 8 : i32
      %mul3A_40 = vector.broadcast %mul3A_39 : i32 to vector<16xi32>
      %mul3A_41 = arith.muli %get3A_15, %mul3A_40 : vector<16xi32>
      %add3A_42 = arith.constant 3 : i32
      %add3A_43 = vector.broadcast %add3A_42 : i32 to vector<16xi32>
      %add3A_44 = arith.addi %mul3A_41, %add3A_43 : vector<16xi32>
      %gather3A_45 = tpu.vector_load_idx %arg5[%add3A_44] : memref<65536xf32, #tpu.memory_space<vmem>>[vector<16xi32>], vector<16xf32>,
      %mul3A_46 = arith.constant 8 : i32
      %mul3A_47 = vector.broadcast %mul3A_46 : i32 to vector<16xi32>
      %mul3A_48 = arith.muli %get3A_15, %mul3A_47 : vector<16xi32>
      %add3A_49 = arith.constant 4 : i32
      %add3A_50 = vector.broadcast %add3A_49 : i32 to vector<16xi32>
      %add3A_51 = arith.addi %mul3A_48, %add3A_50 : vector<16xi32>
      %gather3A_52 = tpu.vector_load_idx %arg5[%add3A_51] : memref<65536xf32, #tpu.memory_space<vmem>>[vector<16xi32>], vector<16xf32>,
      %mul3A_53 = arith.constant 8 : i32
      %mul3A_54 = vector.broadcast %mul3A_53 : i32 to vector<16xi32>
      %mul3A_55 = arith.muli %get3A_15, %mul3A_54 : vector<16xi32>
      %add3A_56 = arith.constant 5 : i32
      %add3A_57 = vector.broadcast %add3A_56 : i32 to vector<16xi32>
      %add3A_58 = arith.addi %mul3A_55, %add3A_57 : vector<16xi32>
      %gather3A_59 = tpu.vector_load_idx %arg5[%add3A_58] : memref<65536xf32, #tpu.memory_space<vmem>>[vector<16xi32>], vector<16xf32>,
      %mul3A_60 = arith.constant 8 : i32
      %mul3A_61 = arith.muli %add3A_18, %mul3A_60 : i32
      %add3A_62 = arith.constant 0 : i32
      %add3A_63 = arith.addi %mul3A_61, %add3A_62 : i32
      %broadcast_in_dim3A = vector.broadcast %add3A_63 : i32 to vector<16xi32>
      %gather3A_64 = tpu.vector_load_idx %arg5[%broadcast_in_dim3A] : memref<65536xf32, #tpu.memory_space<vmem>>[vector<16xi32>], vector<16xf32>,
      %mul3A_65 = arith.constant 8 : i32
      %mul3A_66 = arith.muli %add3A_18, %mul3A_65 : i32
      %add3A_67 = arith.constant 1 : i32
      %add3A_68 = arith.addi %mul3A_66, %add3A_67 : i32
      %broadcast_in_dim3A_69 = vector.broadcast %add3A_68 : i32 to vector<16xi32>
      %gather3A_70 = tpu.vector_load_idx %arg5[%broadcast_in_dim3A_69] : memref<65536xf32, #tpu.memory_space<vmem>>[vector<16xi32>], vector<16xf32>,
      %mul3A_71 = arith.constant 8 : i32
      %mul3A_72 = arith.muli %add3A_18, %mul3A_71 : i32
      %add3A_73 = arith.constant 2 : i32
      %add3A_74 = arith.addi %mul3A_72, %add3A_73 : i32
      %broadcast_in_dim3A_75 = vector.broadcast %add3A_74 : i32 to vector<16xi32>
      %gather3A_76 = tpu.vector_load_idx %arg5[%broadcast_in_dim3A_75] : memref<65536xf32, #tpu.memory_space<vmem>>[vector<16xi32>], vector<16xf32>,
      %mul3A_77 = arith.constant 8 : i32
      %mul3A_78 = arith.muli %add3A_18, %mul3A_77 : i32
      %add3A_79 = arith.constant 3 : i32
      %add3A_80 = arith.addi %mul3A_78, %add3A_79 : i32
      %broadcast_in_dim3A_81 = vector.broadcast %add3A_80 : i32 to vector<16xi32>
      %gather3A_82 = tpu.vector_load_idx %arg5[%broadcast_in_dim3A_81] : memref<65536xf32, #tpu.memory_space<vmem>>[vector<16xi32>], vector<16xf32>,
      %mul3A_83 = arith.constant 8 : i32
      %mul3A_84 = arith.muli %add3A_18, %mul3A_83 : i32
      %add3A_85 = arith.constant 4 : i32
      %add3A_86 = arith.addi %mul3A_84, %add3A_85 : i32
      %broadcast_in_dim3A_87 = vector.broadcast %add3A_86 : i32 to vector<16xi32>
      %gather3A_88 = tpu.vector_load_idx %arg5[%broadcast_in_dim3A_87] : memref<65536xf32, #tpu.memory_space<vmem>>[vector<16xi32>], vector<16xf32>,
      %mul3A_89 = arith.constant 8 : i32
      %mul3A_90 = arith.muli %add3A_18, %mul3A_89 : i32
      %add3A_91 = arith.constant 5 : i32
      %add3A_92 = arith.addi %mul3A_90, %add3A_91 : i32
      %broadcast_in_dim3A_93 = vector.broadcast %add3A_92 : i32 to vector<16xi32>
      %gather3A_94 = tpu.vector_load_idx %arg5[%broadcast_in_dim3A_93] : memref<65536xf32, #tpu.memory_space<vmem>>[vector<16xi32>], vector<16xf32>,
      %reduce_sum3A = arith.constant true
      %reduce_sum3A_95 = vector.broadcast %reduce_sum3A : i1 to vector<16xi1>
      %reduce_sum3A_96 = tpu.scan <sum>, %gather3A masked %reduce_sum3A_95 : vector<16xf32>, vector<16xi1> -> vector<16xf32>
      %reduce_sum3A_97 = vector.extract %reduce_sum3A_96[15] : f32 from vector<16xf32>
      %mul3A_98 = arith.constant 6.250000e-02 : f32
      %mul3A_99 = arith.mulf %reduce_sum3A_97, %mul3A_98 : f32
      %broadcast_in_dim3A_100 = vector.broadcast %mul3A_99 : f32 to vector<16xf32>
      %reduce_sum3A_101 = arith.constant true
      %reduce_sum3A_102 = vector.broadcast %reduce_sum3A_101 : i1 to vector<16xi1>
      %reduce_sum3A_103 = tpu.scan <sum>, %gather3A_31 masked %reduce_sum3A_102 : vector<16xf32>, vector<16xi1> -> vector<16xf32>
      %reduce_sum3A_104 = vector.extract %reduce_sum3A_103[15] : f32 from vector<16xf32>
      %mul3A_105 = arith.constant 6.250000e-02 : f32
      %mul3A_106 = arith.mulf %reduce_sum3A_104, %mul3A_105 : f32
      %broadcast_in_dim3A_107 = vector.broadcast %mul3A_106 : f32 to vector<16xf32>
      %reduce_sum3A_108 = arith.constant true
      %reduce_sum3A_109 = vector.broadcast %reduce_sum3A_108 : i1 to vector<16xi1>
      %reduce_sum3A_110 = tpu.scan <sum>, %gather3A_38 masked %reduce_sum3A_109 : vector<16xf32>, vector<16xi1> -> vector<16xf32>
      %reduce_sum3A_111 = vector.extract %reduce_sum3A_110[15] : f32 from vector<16xf32>
      %mul3A_112 = arith.constant 6.250000e-02 : f32
      %mul3A_113 = arith.mulf %reduce_sum3A_111, %mul3A_112 : f32
      %broadcast_in_dim3A_114 = vector.broadcast %mul3A_113 : f32 to vector<16xf32>
      %sub3A = arith.subf %broadcast_in_dim3A_100, %gather3A : vector<16xf32>
      %sub3A_115 = arith.subf %broadcast_in_dim3A_107, %gather3A_31 : vector<16xf32>
      %sub3A_116 = arith.subf %broadcast_in_dim3A_114, %gather3A_38 : vector<16xf32>
      %sub3A_117 = arith.subf %gather3A, %gather3A_64 : vector<16xf32>
      %sub3A_118 = arith.subf %gather3A_31, %gather3A_70 : vector<16xf32>
      %sub3A_119 = arith.subf %gather3A_38, %gather3A_76 : vector<16xf32>
      %sub3A_120 = arith.subf %gather3A_64, %broadcast_in_dim3A_100 : vector<16xf32>
      %sub3A_121 = arith.subf %gather3A_70, %broadcast_in_dim3A_107 : vector<16xf32>
      %sub3A_122 = arith.subf %gather3A_76, %broadcast_in_dim3A_114 : vector<16xf32>
      %mul3A_123 = arith.mulf %sub3A, %sub3A : vector<16xf32>
      %mul3A_124 = arith.mulf %sub3A_115, %sub3A_115 : vector<16xf32>
      %add3A_125 = arith.addf %mul3A_123, %mul3A_124 : vector<16xf32>
      %mul3A_126 = arith.mulf %sub3A_116, %sub3A_116 : vector<16xf32>
      %add3A_127 = arith.addf %add3A_125, %mul3A_126 : vector<16xf32>
      %bitcast_convert_type3A = tpu.bitcast %add3A_127 : vector<16xf32> -> vector<16xi32>
      %shift_right_arithmetic3A = arith.constant 1 : i32
      %shift_right_arithmetic3A_128 = vector.broadcast %shift_right_arithmetic3A : i32 to vector<16xi32>
      %shift_right_arithmetic3A_129 = arith.shrsi %bitcast_convert_type3A, %shift_right_arithmetic3A_128 : vector<16xi32>
      %add3A_130 = arith.constant 532487670 : i32
      %add3A_131 = vector.broadcast %add3A_130 : i32 to vector<16xi32>
      %add3A_132 = arith.addi %shift_right_arithmetic3A_129, %add3A_131 : vector<16xi32>
      %bitcast_convert_type3A_133 = tpu.bitcast %add3A_132 : vector<16xi32> -> vector<16xf32>
      %div3A = arith.divf %add3A_127, %bitcast_convert_type3A_133 : vector<16xf32>
      %add3A_134 = arith.addf %bitcast_convert_type3A_133, %div3A : vector<16xf32>
      %mul3A_135 = arith.constant 5.000000e-01 : f32
      %mul3A_136 = vector.broadcast %mul3A_135 : f32 to vector<16xf32>
      %mul3A_137 = arith.mulf %mul3A_136, %add3A_134 : vector<16xf32>
      %div3A_138 = arith.divf %add3A_127, %mul3A_137 : vector<16xf32>
      %add3A_139 = arith.addf %mul3A_137, %div3A_138 : vector<16xf32>
      %mul3A_140 = arith.constant 5.000000e-01 : f32
      %mul3A_141 = vector.broadcast %mul3A_140 : f32 to vector<16xf32>
      %mul3A_142 = arith.mulf %mul3A_141, %add3A_139 : vector<16xf32>
      %div3A_143 = arith.divf %add3A_127, %mul3A_142 : vector<16xf32>
      %add3A_144 = arith.addf %mul3A_142, %div3A_143 : vector<16xf32>
      %mul3A_145 = arith.constant 5.000000e-01 : f32
      %mul3A_146 = vector.broadcast %mul3A_145 : f32 to vector<16xf32>
      %mul3A_147 = arith.mulf %mul3A_146, %add3A_144 : vector<16xf32>
      %mul3A_148 = arith.mulf %sub3A_117, %sub3A_117 : vector<16xf32>
      %mul3A_149 = arith.mulf %sub3A_118, %sub3A_118 : vector<16xf32>
      %add3A_150 = arith.addf %mul3A_148, %mul3A_149 : vector<16xf32>
      %mul3A_151 = arith.mulf %sub3A_119, %sub3A_119 : vector<16xf32>
      %add3A_152 = arith.addf %add3A_150, %mul3A_151 : vector<16xf32>
      %bitcast_convert_type3A_153 = tpu.bitcast %add3A_152 : vector<16xf32> -> vector<16xi32>
      %shift_right_arithmetic3A_154 = arith.constant 1 : i32
      %shift_right_arithmetic3A_155 = vector.broadcast %shift_right_arithmetic3A_154 : i32 to vector<16xi32>
      %shift_right_arithmetic3A_156 = arith.shrsi %bitcast_convert_type3A_153, %shift_right_arithmetic3A_155 : vector<16xi32>
      %add3A_157 = arith.constant 532487670 : i32
      %add3A_158 = vector.broadcast %add3A_157 : i32 to vector<16xi32>
      %add3A_159 = arith.addi %shift_right_arithmetic3A_156, %add3A_158 : vector<16xi32>
      %bitcast_convert_type3A_160 = tpu.bitcast %add3A_159 : vector<16xi32> -> vector<16xf32>
      %div3A_161 = arith.divf %add3A_152, %bitcast_convert_type3A_160 : vector<16xf32>
      %add3A_162 = arith.addf %bitcast_convert_type3A_160, %div3A_161 : vector<16xf32>
      %mul3A_163 = arith.constant 5.000000e-01 : f32
      %mul3A_164 = vector.broadcast %mul3A_163 : f32 to vector<16xf32>
      %mul3A_165 = arith.mulf %mul3A_164, %add3A_162 : vector<16xf32>
      %div3A_166 = arith.divf %add3A_152, %mul3A_165 : vector<16xf32>
      %add3A_167 = arith.addf %mul3A_165, %div3A_166 : vector<16xf32>
      %mul3A_168 = arith.constant 5.000000e-01 : f32
      %mul3A_169 = vector.broadcast %mul3A_168 : f32 to vector<16xf32>
      %mul3A_170 = arith.mulf %mul3A_169, %add3A_167 : vector<16xf32>
      %div3A_171 = arith.divf %add3A_152, %mul3A_170 : vector<16xf32>
      %add3A_172 = arith.addf %mul3A_170, %div3A_171 : vector<16xf32>
      %mul3A_173 = arith.constant 5.000000e-01 : f32
      %mul3A_174 = vector.broadcast %mul3A_173 : f32 to vector<16xf32>
      %mul3A_175 = arith.mulf %mul3A_174, %add3A_172 : vector<16xf32>
      %mul3A_176 = arith.mulf %sub3A_120, %sub3A_120 : vector<16xf32>
      %mul3A_177 = arith.mulf %sub3A_121, %sub3A_121 : vector<16xf32>
      %add3A_178 = arith.addf %mul3A_176, %mul3A_177 : vector<16xf32>
      %mul3A_179 = arith.mulf %sub3A_122, %sub3A_122 : vector<16xf32>
      %add3A_180 = arith.addf %add3A_178, %mul3A_179 : vector<16xf32>
      %bitcast_convert_type3A_181 = tpu.bitcast %add3A_180 : vector<16xf32> -> vector<16xi32>
      %shift_right_arithmetic3A_182 = arith.constant 1 : i32
      %shift_right_arithmetic3A_183 = vector.broadcast %shift_right_arithmetic3A_182 : i32 to vector<16xi32>
      %shift_right_arithmetic3A_184 = arith.shrsi %bitcast_convert_type3A_181, %shift_right_arithmetic3A_183 : vector<16xi32>
      %add3A_185 = arith.constant 532487670 : i32
      %add3A_186 = vector.broadcast %add3A_185 : i32 to vector<16xi32>
      %add3A_187 = arith.addi %shift_right_arithmetic3A_184, %add3A_186 : vector<16xi32>
      %bitcast_convert_type3A_188 = tpu.bitcast %add3A_187 : vector<16xi32> -> vector<16xf32>
      %div3A_189 = arith.divf %add3A_180, %bitcast_convert_type3A_188 : vector<16xf32>
      %add3A_190 = arith.addf %bitcast_convert_type3A_188, %div3A_189 : vector<16xf32>
      %mul3A_191 = arith.constant 5.000000e-01 : f32
      %mul3A_192 = vector.broadcast %mul3A_191 : f32 to vector<16xf32>
      %mul3A_193 = arith.mulf %mul3A_192, %add3A_190 : vector<16xf32>
      %div3A_194 = arith.divf %add3A_180, %mul3A_193 : vector<16xf32>
      %add3A_195 = arith.addf %mul3A_193, %div3A_194 : vector<16xf32>
      %mul3A_196 = arith.constant 5.000000e-01 : f32
      %mul3A_197 = vector.broadcast %mul3A_196 : f32 to vector<16xf32>
      %mul3A_198 = arith.mulf %mul3A_197, %add3A_195 : vector<16xf32>
      %div3A_199 = arith.divf %add3A_180, %mul3A_198 : vector<16xf32>
      %add3A_200 = arith.addf %mul3A_198, %div3A_199 : vector<16xf32>
      %mul3A_201 = arith.constant 5.000000e-01 : f32
      %mul3A_202 = vector.broadcast %mul3A_201 : f32 to vector<16xf32>
      %mul3A_203 = arith.mulf %mul3A_202, %add3A_200 : vector<16xf32>
      %mul3A_204 = arith.mulf %sub3A, %sub3A_117 : vector<16xf32>
      %mul3A_205 = arith.mulf %sub3A_115, %sub3A_118 : vector<16xf32>
      %add3A_206 = arith.addf %mul3A_204, %mul3A_205 : vector<16xf32>
      %mul3A_207 = arith.mulf %sub3A_116, %sub3A_119 : vector<16xf32>
      %add3A_208 = arith.addf %add3A_206, %mul3A_207 : vector<16xf32>
      %mul3A_209 = arith.mulf %mul3A_147, %mul3A_175 : vector<16xf32>
      %add3A_210 = arith.constant 1.000000e-07 : f32
      %add3A_211 = vector.broadcast %add3A_210 : f32 to vector<16xf32>
      %add3A_212 = arith.addf %mul3A_209, %add3A_211 : vector<16xf32>
      %div3A_213 = arith.divf %add3A_208, %add3A_212 : vector<16xf32>
      %mul3A_214 = arith.mulf %sub3A_117, %sub3A_120 : vector<16xf32>
      %mul3A_215 = arith.mulf %sub3A_118, %sub3A_121 : vector<16xf32>
      %add3A_216 = arith.addf %mul3A_214, %mul3A_215 : vector<16xf32>
      %mul3A_217 = arith.mulf %sub3A_119, %sub3A_122 : vector<16xf32>
      %add3A_218 = arith.addf %add3A_216, %mul3A_217 : vector<16xf32>
      %mul3A_219 = arith.mulf %mul3A_175, %mul3A_203 : vector<16xf32>
      %add3A_220 = arith.constant 1.000000e-07 : f32
      %add3A_221 = vector.broadcast %add3A_220 : f32 to vector<16xf32>
      %add3A_222 = arith.addf %mul3A_219, %add3A_221 : vector<16xf32>
      %div3A_223 = arith.divf %add3A_218, %add3A_222 : vector<16xf32>
      %mul3A_224 = arith.mulf %sub3A_120, %sub3A : vector<16xf32>
      %mul3A_225 = arith.mulf %sub3A_121, %sub3A_115 : vector<16xf32>
      %add3A_226 = arith.addf %mul3A_224, %mul3A_225 : vector<16xf32>
      %mul3A_227 = arith.mulf %sub3A_122, %sub3A_116 : vector<16xf32>
      %add3A_228 = arith.addf %add3A_226, %mul3A_227 : vector<16xf32>
      %mul3A_229 = arith.mulf %mul3A_203, %mul3A_147 : vector<16xf32>
      %add3A_230 = arith.constant 1.000000e-07 : f32
      %add3A_231 = vector.broadcast %add3A_230 : f32 to vector<16xf32>
      %add3A_232 = arith.addf %mul3A_229, %add3A_231 : vector<16xf32>
      %div3A_233 = arith.divf %add3A_228, %add3A_232 : vector<16xf32>
      %mul3A_234 = arith.mulf %gather3A_45, %gather3A_82 : vector<16xf32>
      %mul3A_235 = arith.mulf %gather3A_52, %gather3A_88 : vector<16xf32>
      %add3A_236 = arith.addf %mul3A_234, %mul3A_235 : vector<16xf32>
      %mul3A_237 = arith.mulf %gather3A_59, %gather3A_94 : vector<16xf32>
      %add3A_238 = arith.addf %add3A_236, %mul3A_237 : vector<16xf32>
      %broadcast_in_dim3A_239 = arith.constant 0.000000e+00 : f32
      %broadcast_in_dim3A_240 = vector.broadcast %broadcast_in_dim3A_239 : f32 to vector<16xf32>
      %mul3A_241 = arith.constant 128 : i32
      %mul3A_242 = arith.muli %scan3A_12, %mul3A_241 : i32
      %mul3A_243 = arith.constant 8 : i32
      %mul3A_244 = vector.broadcast %mul3A_243 : i32 to vector<16xi32>
      %mul3A_245 = arith.muli %iota3A, %mul3A_244 : vector<16xi32>
      %add3A_246 = vector.broadcast %mul3A_242 : i32 to vector<16xi32>
      %add3A_247 = arith.addi %add3A_246, %mul3A_245 : vector<16xi32>
      %add3A_248 = arith.constant 0 : i32
      %add3A_249 = vector.broadcast %add3A_248 : i32 to vector<16xi32>
      %add3A_250 = arith.addi %add3A_247, %add3A_249 : vector<16xi32>
      tpu.vector_store_idx %arg7[%add3A_250], %mul3A_147 : memref<32768xf32, #tpu.memory_space<vmem>>[vector<16xi32>], vector<16xf32>,
      %mul3A_251 = arith.constant 8 : i32
      %mul3A_252 = vector.broadcast %mul3A_251 : i32 to vector<16xi32>
      %mul3A_253 = arith.muli %iota3A, %mul3A_252 : vector<16xi32>
      %add3A_254 = vector.broadcast %mul3A_242 : i32 to vector<16xi32>
      %add3A_255 = arith.addi %add3A_254, %mul3A_253 : vector<16xi32>
      %add3A_256 = arith.constant 1 : i32
      %add3A_257 = vector.broadcast %add3A_256 : i32 to vector<16xi32>
      %add3A_258 = arith.addi %add3A_255, %add3A_257 : vector<16xi32>
      tpu.vector_store_idx %arg7[%add3A_258], %mul3A_175 : memref<32768xf32, #tpu.memory_space<vmem>>[vector<16xi32>], vector<16xf32>,
      %mul3A_259 = arith.constant 8 : i32
      %mul3A_260 = vector.broadcast %mul3A_259 : i32 to vector<16xi32>
      %mul3A_261 = arith.muli %iota3A, %mul3A_260 : vector<16xi32>
      %add3A_262 = vector.broadcast %mul3A_242 : i32 to vector<16xi32>
      %add3A_263 = arith.addi %add3A_262, %mul3A_261 : vector<16xi32>
      %add3A_264 = arith.constant 2 : i32
      %add3A_265 = vector.broadcast %add3A_264 : i32 to vector<16xi32>
      %add3A_266 = arith.addi %add3A_263, %add3A_265 : vector<16xi32>
      tpu.vector_store_idx %arg7[%add3A_266], %mul3A_203 : memref<32768xf32, #tpu.memory_space<vmem>>[vector<16xi32>], vector<16xf32>,
      %mul3A_267 = arith.constant 8 : i32
      %mul3A_268 = vector.broadcast %mul3A_267 : i32 to vector<16xi32>
      %mul3A_269 = arith.muli %iota3A, %mul3A_268 : vector<16xi32>
      %add3A_270 = vector.broadcast %mul3A_242 : i32 to vector<16xi32>
      %add3A_271 = arith.addi %add3A_270, %mul3A_269 : vector<16xi32>
      %add3A_272 = arith.constant 3 : i32
      %add3A_273 = vector.broadcast %add3A_272 : i32 to vector<16xi32>
      %add3A_274 = arith.addi %add3A_271, %add3A_273 : vector<16xi32>
      tpu.vector_store_idx %arg7[%add3A_274], %div3A_213 : memref<32768xf32, #tpu.memory_space<vmem>>[vector<16xi32>], vector<16xf32>,
      %mul3A_275 = arith.constant 8 : i32
      %mul3A_276 = vector.broadcast %mul3A_275 : i32 to vector<16xi32>
      %mul3A_277 = arith.muli %iota3A, %mul3A_276 : vector<16xi32>
      %add3A_278 = vector.broadcast %mul3A_242 : i32 to vector<16xi32>
      %add3A_279 = arith.addi %add3A_278, %mul3A_277 : vector<16xi32>
      %add3A_280 = arith.constant 4 : i32
      %add3A_281 = vector.broadcast %add3A_280 : i32 to vector<16xi32>
      %add3A_282 = arith.addi %add3A_279, %add3A_281 : vector<16xi32>
      tpu.vector_store_idx %arg7[%add3A_282], %div3A_223 : memref<32768xf32, #tpu.memory_space<vmem>>[vector<16xi32>], vector<16xf32>,
      %mul3A_283 = arith.constant 8 : i32
      %mul3A_284 = vector.broadcast %mul3A_283 : i32 to vector<16xi32>
      %mul3A_285 = arith.muli %iota3A, %mul3A_284 : vector<16xi32>
      %add3A_286 = vector.broadcast %mul3A_242 : i32 to vector<16xi32>
      %add3A_287 = arith.addi %add3A_286, %mul3A_285 : vector<16xi32>
      %add3A_288 = arith.constant 5 : i32
      %add3A_289 = vector.broadcast %add3A_288 : i32 to vector<16xi32>
      %add3A_290 = arith.addi %add3A_287, %add3A_289 : vector<16xi32>
      tpu.vector_store_idx %arg7[%add3A_290], %div3A_233 : memref<32768xf32, #tpu.memory_space<vmem>>[vector<16xi32>], vector<16xf32>,
      %mul3A_291 = arith.constant 8 : i32
      %mul3A_292 = vector.broadcast %mul3A_291 : i32 to vector<16xi32>
      %mul3A_293 = arith.muli %iota3A, %mul3A_292 : vector<16xi32>
      %add3A_294 = vector.broadcast %mul3A_242 : i32 to vector<16xi32>
      %add3A_295 = arith.addi %add3A_294, %mul3A_293 : vector<16xi32>
      %add3A_296 = arith.constant 6 : i32
      %add3A_297 = vector.broadcast %add3A_296 : i32 to vector<16xi32>
      %add3A_298 = arith.addi %add3A_295, %add3A_297 : vector<16xi32>
      tpu.vector_store_idx %arg7[%add3A_298], %add3A_238 : memref<32768xf32, #tpu.memory_space<vmem>>[vector<16xi32>], vector<16xf32>,
      %mul3A_299 = arith.constant 8 : i32
      %mul3A_300 = vector.broadcast %mul3A_299 : i32 to vector<16xi32>
      %mul3A_301 = arith.muli %iota3A, %mul3A_300 : vector<16xi32>
      %add3A_302 = vector.broadcast %mul3A_242 : i32 to vector<16xi32>
      %add3A_303 = arith.addi %add3A_302, %mul3A_301 : vector<16xi32>
      %add3A_304 = arith.constant 7 : i32
      %add3A_305 = vector.broadcast %add3A_304 : i32 to vector<16xi32>
      %add3A_306 = arith.addi %add3A_303, %add3A_305 : vector<16xi32>
      tpu.vector_store_idx %arg7[%add3A_306], %broadcast_in_dim3A_240 : memref<32768xf32, #tpu.memory_space<vmem>>[vector<16xi32>], vector<16xf32>,
    }
    %scan3A_7 = arith.constant 256 : i32
    %mul3A_8 = arith.constant 4096 : i32
    %mul3A_9 = arith.muli %add3A, %mul3A_8 : i32
    %mul3A_10 = arith.constant 8 : i32
    %mul3A_11 = arith.muli %mul3A_9, %mul3A_10 : i32
    "tpu.region"() ({
      %run_scoped3A = tpu.sem_alloc : memref<!tpu.dma_semaphore, #tpu.memory_space<semaphore_mem>>
      %dma_start3A = tpu.memref_slice %arg4[%mul3A_11] : memref<1048576xf32, #tpu.memory_space<hbm>> -> memref<32768xf32, #tpu.memory_space<hbm>>
      %dma_start3A_12 = tpu.memref_slice %arg4[%mul3A_11] : memref<1048576xf32, #tpu.memory_space<hbm>> -> memref<32768xf32, #tpu.memory_space<hbm>>
      tpu.enqueue_dma source(%arg7 : memref<32768xf32, #tpu.memory_space<vmem>>) target(%dma_start3A_12 : memref<32768xf32, #tpu.memory_space<hbm>>) target_semaphore(%run_scoped3A : memref<!tpu.dma_semaphore, #tpu.memory_space<semaphore_mem>>)
      %dma_wait3A = tpu.memref_slice %arg4[%mul3A_11] : memref<1048576xf32, #tpu.memory_space<hbm>> -> memref<32768xf32, #tpu.memory_space<hbm>>
      %dma_wait3A_13 = tpu.memref_slice %arg4[%mul3A_11] : memref<1048576xf32, #tpu.memory_space<hbm>> -> memref<32768xf32, #tpu.memory_space<hbm>>
      tpu.wait_dma2 semaphore(%run_scoped3A : memref<!tpu.dma_semaphore, #tpu.memory_space<semaphore_mem>>) src(%arg7 : memref<32768xf32, #tpu.memory_space<vmem>>) dst(%dma_wait3A_13 : memref<32768xf32, #tpu.memory_space<hbm>>)
      tpu.yield
    }) : () -> ()
    return
  }
}

#map = affine_map<(d0, d1) -> (0, 0)>
module attributes {stable_mosaic.version = 14 : i64} {
  func.func @k(%arg0: i32, %arg1: i32, %arg2: memref<8192x128xf32, #tpu.memory_space<hbm>>, %arg3: memref<1024x128xi32, #tpu.memory_space<hbm>>, %arg4: memref<131072x128xf32, #tpu.memory_space<hbm>>, %arg5: memref<32x128xi32, #tpu.memory_space<vmem>>, %arg6: memref<2x128x128xf32, #tpu.memory_space<vmem>>, %arg7: memref<!tpu.dma_semaphore, #tpu.memory_space<semaphore_mem>>) attributes {dimension_semantics = [#tpu.dimension_semantics<core_parallel>, #tpu.dimension_semantics<subcore_parallel>], iteration_bounds = array<i64: 2, 16>, scalar_prefetch = 0 : i64, scratch_operands = 3 : i64, tpu.core_type = #tpu.core_type<sc_vector_subcore>, window_params = [{transform_indices = #map}, {transform_indices = #map}, {transform_indices = #map}]} {
    %mul3A = arith.constant 2 : i32
    %mul3A_0 = arith.muli %arg1, %mul3A : i32
    %add3A = arith.addi %mul3A_0, %arg0 : i32
    %mul3A_1 = arith.constant 4096 : i32
    %mul3A_2 = arith.muli %add3A, %mul3A_1 : i32
    %mul3A_3 = arith.constant 32 : i32
    %mul3A_4 = arith.muli %add3A, %mul3A_3 : i32
    "tpu.region"() ({
      %run_scoped3A = tpu.sem_alloc : memref<!tpu.dma_semaphore, #tpu.memory_space<semaphore_mem>>
      %dma_start3A_21 = arith.constant 0 : i32
      %dma_start3A_22 = tpu.memref_slice %arg3[%mul3A_4, %dma_start3A_21] : memref<1024x128xi32, #tpu.memory_space<hbm>> -> memref<32x128xi32, #tpu.memory_space<hbm>>
      %dma_start3A_23 = arith.constant 0 : i32
      %dma_start3A_24 = tpu.memref_slice %arg3[%mul3A_4, %dma_start3A_23] : memref<1024x128xi32, #tpu.memory_space<hbm>> -> memref<32x128xi32, #tpu.memory_space<hbm>>
      tpu.enqueue_dma source(%dma_start3A_24 : memref<32x128xi32, #tpu.memory_space<hbm>>) target(%arg5 : memref<32x128xi32, #tpu.memory_space<vmem>>) target_semaphore(%run_scoped3A : memref<!tpu.dma_semaphore, #tpu.memory_space<semaphore_mem>>)
      %dma_wait3A = arith.constant 0 : i32
      %dma_wait3A_25 = tpu.memref_slice %arg3[%mul3A_4, %dma_wait3A] : memref<1024x128xi32, #tpu.memory_space<hbm>> -> memref<32x128xi32, #tpu.memory_space<hbm>>
      %dma_wait3A_26 = arith.constant 0 : i32
      %dma_wait3A_27 = tpu.memref_slice %arg3[%mul3A_4, %dma_wait3A_26] : memref<1024x128xi32, #tpu.memory_space<hbm>> -> memref<32x128xi32, #tpu.memory_space<hbm>>
      tpu.wait_dma2 semaphore(%run_scoped3A : memref<!tpu.dma_semaphore, #tpu.memory_space<semaphore_mem>>) src(%dma_wait3A_27 : memref<32x128xi32, #tpu.memory_space<hbm>>) dst(%arg5 : memref<32x128xi32, #tpu.memory_space<vmem>>)
      tpu.yield
    }) : () -> ()
    %dma_start3A = arith.constant 0 : i32
    %dma_start3A_5 = arith.constant 0 : i32
    %dma_start3A_6 = arith.constant 0 : i32
    %dma_start3A_7 = arith.constant 0 : i32
    %dma_start3A_8 = tpu.memref_slice %arg6[%dma_start3A_5, %dma_start3A_6, %dma_start3A_7] : memref<2x128x128xf32, #tpu.memory_space<vmem>> -> memref<1x128x128xf32, #tpu.memory_space<vmem>>
    %dma_start3A_9 = tpu.memref_squeeze %dma_start3A_8 : memref<1x128x128xf32, #tpu.memory_space<vmem>> -> memref<128x128xf32, #tpu.memory_space<vmem>>
    %dma_start3A_10 = arith.constant 0 : i32
    %dma_start3A_11 = tpu.memref_slice %arg5[%dma_start3A, %dma_start3A_10] : memref<32x128xi32, #tpu.memory_space<vmem>> -> memref<1x128xi32, #tpu.memory_space<vmem>>
    %dma_start3A_12 = tpu.memref_squeeze %dma_start3A_11 : memref<1x128xi32, #tpu.memory_space<vmem>> -> memref<128xi32, #tpu.memory_space<vmem>>
    %dma_start3A_13 = arith.constant 0 : i32
    %dma_start3A_14 = arith.constant 0 : i32
    %dma_start3A_15 = tpu.memref_slice %arg2[%dma_start3A_13, %dma_start3A_14] : memref<8192x128xf32, #tpu.memory_space<hbm>> -> memref<8192x128xf32, #tpu.memory_space<hbm>>
    tpu.enqueue_indirect_dma source(%dma_start3A_15 : memref<8192x128xf32, #tpu.memory_space<hbm>>) target(%dma_start3A_9 : memref<128x128xf32, #tpu.memory_space<vmem>>) offsets(%dma_start3A_12 : memref<128xi32, #tpu.memory_space<vmem>>) semaphore(%arg7 : memref<!tpu.dma_semaphore, #tpu.memory_space<semaphore_mem>>)
    %scan3A = arith.constant 0 : i32
    %scan3A_16 = arith.constant 0 : i32
    %scan3A_17 = arith.constant 32 : i32
    %scan3A_18 = arith.addi %scan3A_16, %scan3A_17 : i32
    %scan3A_19 = arith.constant 1 : i32
    scf.for %scan3A_21 = %scan3A_16 to %scan3A_18 step %scan3A_19  : i32 {
      %dma_wait3A = arith.constant 0 : i32
      %dma_wait3A_22 = arith.constant 0 : i32
      %dma_wait3A_23 = arith.constant 0 : i32
      %dma_wait3A_24 = arith.constant 0 : i32
      %dma_wait3A_25 = tpu.memref_slice %arg6[%dma_wait3A_22, %dma_wait3A_23, %dma_wait3A_24] : memref<2x128x128xf32, #tpu.memory_space<vmem>> -> memref<1x128x128xf32, #tpu.memory_space<vmem>>
      %dma_wait3A_26 = tpu.memref_squeeze %dma_wait3A_25 : memref<1x128x128xf32, #tpu.memory_space<vmem>> -> memref<128x128xf32, #tpu.memory_space<vmem>>
      %dma_wait3A_27 = arith.constant 0 : i32
      %dma_wait3A_28 = tpu.memref_slice %arg5[%dma_wait3A, %dma_wait3A_27] : memref<32x128xi32, #tpu.memory_space<vmem>> -> memref<1x128xi32, #tpu.memory_space<vmem>>
      %dma_wait3A_29 = tpu.memref_squeeze %dma_wait3A_28 : memref<1x128xi32, #tpu.memory_space<vmem>> -> memref<128xi32, #tpu.memory_space<vmem>>
      %dma_wait3A_30 = arith.constant 0 : i32
      %dma_wait3A_31 = arith.constant 0 : i32
      %dma_wait3A_32 = tpu.memref_slice %arg2[%dma_wait3A_30, %dma_wait3A_31] : memref<8192x128xf32, #tpu.memory_space<hbm>> -> memref<8192x128xf32, #tpu.memory_space<hbm>>
      tpu.wait_indirect_dma semaphore(%arg7 : memref<!tpu.dma_semaphore, #tpu.memory_space<semaphore_mem>>) src(%dma_wait3A_32 : memref<8192x128xf32, #tpu.memory_space<hbm>>) dst(%dma_wait3A_26 : memref<128x128xf32, #tpu.memory_space<vmem>>)
      %add3A_33 = arith.constant 1 : i32
      %add3A_34 = arith.addi %scan3A_21, %add3A_33 : i32
      %lt3A = arith.constant 32 : i32
      %lt3A_35 = arith.cmpi slt, %add3A_34, %lt3A : i32
      %convert_element_type3A = arith.extui %lt3A_35 : i1 to i32
      %cond3A = arith.constant 0 : i32
      %cond3A_36 = arith.cmpi ne, %convert_element_type3A, %cond3A : i32
      scf.if %cond3A_36 {
        %add3A_41 = arith.constant 1 : i32
        %add3A_42 = arith.addi %scan3A_21, %add3A_41 : i32
        %add3A_43 = arith.constant 1 : i32
        %add3A_44 = arith.addi %scan3A_21, %add3A_43 : i32
        %rem3A_45 = arith.constant 2 : i32
        %rem3A_46 = arith.remsi %add3A_44, %rem3A_45 : i32
        %dma_start3A_47 = arith.constant 0 : i32
        %dma_start3A_48 = arith.constant 0 : i32
        %dma_start3A_49 = tpu.memref_slice %arg6[%rem3A_46, %dma_start3A_47, %dma_start3A_48] : memref<2x128x128xf32, #tpu.memory_space<vmem>> -> memref<1x128x128xf32, #tpu.memory_space<vmem>>
        %dma_start3A_50 = tpu.memref_squeeze %dma_start3A_49 : memref<1x128x128xf32, #tpu.memory_space<vmem>> -> memref<128x128xf32, #tpu.memory_space<vmem>>
        %dma_start3A_51 = arith.constant 0 : i32
        %dma_start3A_52 = tpu.memref_slice %arg5[%add3A_42, %dma_start3A_51] : memref<32x128xi32, #tpu.memory_space<vmem>> -> memref<1x128xi32, #tpu.memory_space<vmem>>
        %dma_start3A_53 = tpu.memref_squeeze %dma_start3A_52 : memref<1x128xi32, #tpu.memory_space<vmem>> -> memref<128xi32, #tpu.memory_space<vmem>>
        %dma_start3A_54 = arith.constant 0 : i32
        %dma_start3A_55 = arith.constant 0 : i32
        %dma_start3A_56 = tpu.memref_slice %arg2[%dma_start3A_54, %dma_start3A_55] : memref<8192x128xf32, #tpu.memory_space<hbm>> -> memref<8192x128xf32, #tpu.memory_space<hbm>>
        tpu.enqueue_indirect_dma source(%dma_start3A_56 : memref<8192x128xf32, #tpu.memory_space<hbm>>) target(%dma_start3A_50 : memref<128x128xf32, #tpu.memory_space<vmem>>) offsets(%dma_start3A_53 : memref<128xi32, #tpu.memory_space<vmem>>) semaphore(%arg7 : memref<!tpu.dma_semaphore, #tpu.memory_space<semaphore_mem>>)
      } else {
      }
      %rem3A = arith.constant 2 : i32
      %rem3A_37 = arith.remsi %scan3A_21, %rem3A : i32
      %mul3A_38 = arith.constant 128 : i32
      %mul3A_39 = arith.muli %scan3A_21, %mul3A_38 : i32
      %add3A_40 = arith.addi %mul3A_2, %mul3A_39 : i32
      "tpu.region"() ({
        %run_scoped3A = tpu.sem_alloc : memref<!tpu.dma_semaphore, #tpu.memory_space<semaphore_mem>>
        %dma_start3A_41 = arith.constant 0 : i32
        %dma_start3A_42 = arith.constant 0 : i32
        %dma_start3A_43 = tpu.memref_slice %arg6[%rem3A_37, %dma_start3A_41, %dma_start3A_42] : memref<2x128x128xf32, #tpu.memory_space<vmem>> -> memref<1x128x128xf32, #tpu.memory_space<vmem>>
        %dma_start3A_44 = tpu.memref_squeeze %dma_start3A_43 : memref<1x128x128xf32, #tpu.memory_space<vmem>> -> memref<128x128xf32, #tpu.memory_space<vmem>>
        %dma_start3A_45 = arith.constant 0 : i32
        %dma_start3A_46 = tpu.memref_slice %arg4[%add3A_40, %dma_start3A_45] : memref<131072x128xf32, #tpu.memory_space<hbm>> -> memref<128x128xf32, #tpu.memory_space<hbm>>
        %dma_start3A_47 = arith.constant 0 : i32
        %dma_start3A_48 = tpu.memref_slice %arg4[%add3A_40, %dma_start3A_47] : memref<131072x128xf32, #tpu.memory_space<hbm>> -> memref<128x128xf32, #tpu.memory_space<hbm>>
        %dma_start3A_49 = arith.constant 0 : i32
        %dma_start3A_50 = arith.constant 0 : i32
        %dma_start3A_51 = tpu.memref_slice %arg6[%rem3A_37, %dma_start3A_49, %dma_start3A_50] : memref<2x128x128xf32, #tpu.memory_space<vmem>> -> memref<1x128x128xf32, #tpu.memory_space<vmem>>
        %dma_start3A_52 = tpu.memref_squeeze %dma_start3A_51 : memref<1x128x128xf32, #tpu.memory_space<vmem>> -> memref<128x128xf32, #tpu.memory_space<vmem>>
        tpu.enqueue_dma source(%dma_start3A_52 : memref<128x128xf32, #tpu.memory_space<vmem>>) target(%dma_start3A_48 : memref<128x128xf32, #tpu.memory_space<hbm>>) target_semaphore(%run_scoped3A : memref<!tpu.dma_semaphore, #tpu.memory_space<semaphore_mem>>)
        %dma_wait3A_53 = arith.constant 0 : i32
        %dma_wait3A_54 = arith.constant 0 : i32
        %dma_wait3A_55 = tpu.memref_slice %arg6[%rem3A_37, %dma_wait3A_53, %dma_wait3A_54] : memref<2x128x128xf32, #tpu.memory_space<vmem>> -> memref<1x128x128xf32, #tpu.memory_space<vmem>>
        %dma_wait3A_56 = tpu.memref_squeeze %dma_wait3A_55 : memref<1x128x128xf32, #tpu.memory_space<vmem>> -> memref<128x128xf32, #tpu.memory_space<vmem>>
        %dma_wait3A_57 = arith.constant 0 : i32
        %dma_wait3A_58 = tpu.memref_slice %arg4[%add3A_40, %dma_wait3A_57] : memref<131072x128xf32, #tpu.memory_space<hbm>> -> memref<128x128xf32, #tpu.memory_space<hbm>>
        %dma_wait3A_59 = arith.constant 0 : i32
        %dma_wait3A_60 = tpu.memref_slice %arg4[%add3A_40, %dma_wait3A_59] : memref<131072x128xf32, #tpu.memory_space<hbm>> -> memref<128x128xf32, #tpu.memory_space<hbm>>
        %dma_wait3A_61 = arith.constant 0 : i32
        %dma_wait3A_62 = arith.constant 0 : i32
        %dma_wait3A_63 = tpu.memref_slice %arg6[%rem3A_37, %dma_wait3A_61, %dma_wait3A_62] : memref<2x128x128xf32, #tpu.memory_space<vmem>> -> memref<1x128x128xf32, #tpu.memory_space<vmem>>
        %dma_wait3A_64 = tpu.memref_squeeze %dma_wait3A_63 : memref<1x128x128xf32, #tpu.memory_space<vmem>> -> memref<128x128xf32, #tpu.memory_space<vmem>>
        tpu.wait_dma2 semaphore(%run_scoped3A : memref<!tpu.dma_semaphore, #tpu.memory_space<semaphore_mem>>) src(%dma_wait3A_64 : memref<128x128xf32, #tpu.memory_space<vmem>>) dst(%dma_wait3A_60 : memref<128x128xf32, #tpu.memory_space<hbm>>)
        tpu.yield
      }) : () -> ()
    }
    %scan3A_20 = arith.constant 32 : i32
    return
  }
}

module attributes {stable_mosaic.version = 14 : i64} {
  func.func @_topk_body(%arg0: i32, %arg1: memref<256x2048xf32, #tpu.memory_space<vmem>>, %arg2: memref<256x16xi32, #tpu.memory_space<vmem>>) attributes {dimension_semantics = [#tpu.dimension_semantics<arbitrary>], iteration_bounds = array<i64: 32>, scalar_prefetch = 0 : i64, scratch_operands = 0 : i64, tpu.core_type = #tpu.core_type<tc>, window_params = [{transform_indices = @transform_0, window_bounds = array<i64: 256, 2048>}, {transform_indices = @transform_1, window_bounds = array<i64: 256, 16>}]} {
    %get3A = arith.constant 0 : index
    %get3A_0 = arith.constant 0 : index
    %get3A_1 = vector.load %arg1[%get3A, %get3A_0] : memref<256x2048xf32, #tpu.memory_space<vmem>>, vector<256x2048xf32>
    %iota3A = tpu.iota {dimensions = array<i32: 1>} : vector<256x2048xi32>
    %convert_element_type3A = arith.sitofp %iota3A : vector<256x2048xi32> to vector<256x2048xf32>
    %iota3A_2 = tpu.iota {dimensions = array<i32: 1>} : vector<256x16xi32>
    %broadcast_in_dim3A = arith.constant 0 : i32
    %broadcast_in_dim3A_3 = vector.broadcast %broadcast_in_dim3A : i32 to vector<256x16xi32>
    %reduce_min3A = arith.constant dense<0x7F800000> : vector<256xf32>
    %reduce_min3A_4 = vector.multi_reduction <minimumf>, %get3A_1, %reduce_min3A [1] : vector<256x2048xf32> to vector<256xf32>
    %broadcast_in_dim3A_5 = vector.shape_cast %reduce_min3A_4 : vector<256xf32> to vector<256x1xf32>
    %eq3A = vector.broadcast %broadcast_in_dim3A_5 : vector<256x1xf32> to vector<256x2048xf32>
    %eq3A_6 = arith.cmpf oeq, %get3A_1, %eq3A : vector<256x2048xf32>
    %jit3A = arith.constant 2.048000e+03 : f32
    %broadcast_in_dim3A_7 = vector.broadcast %jit3A : f32 to vector<256x2048xf32>
    %select_n3A = arith.select %eq3A_6, %convert_element_type3A, %broadcast_in_dim3A_7 : vector<256x2048xi1>, vector<256x2048xf32>
    %reduce_min3A_8 = arith.constant dense<0x7F800000> : vector<256xf32>
    %reduce_min3A_9 = vector.multi_reduction <minimumf>, %select_n3A, %reduce_min3A_8 [1] : vector<256x2048xf32> to vector<256xf32>
    %eq3A_10 = arith.constant 0 : i32
    %eq3A_11 = vector.broadcast %eq3A_10 : i32 to vector<256x16xi32>
    %eq3A_12 = arith.cmpi eq, %iota3A_2, %eq3A_11 : vector<256x16xi32>
    %broadcast_in_dim3A_13 = vector.shape_cast %reduce_min3A_9 : vector<256xf32> to vector<256x1xf32>
    %convert_element_type3A_14 = arith.fptosi %broadcast_in_dim3A_13 : vector<256x1xf32> to vector<256x1xi32>
    %broadcast_in_dim3A_15 = vector.shape_cast %convert_element_type3A_14 : vector<256x1xi32> to vector<256x1xi32>
    %broadcast_in_dim3A_16 = vector.broadcast %broadcast_in_dim3A_15 : vector<256x1xi32> to vector<256x16xi32>
    %select_n3A_17 = arith.select %eq3A_12, %broadcast_in_dim3A_16, %broadcast_in_dim3A_3 : vector<256x16xi1>, vector<256x16xi32>
    %broadcast_in_dim3A_18 = vector.shape_cast %reduce_min3A_9 : vector<256xf32> to vector<256x1xf32>
    %eq3A_19 = vector.broadcast %broadcast_in_dim3A_18 : vector<256x1xf32> to vector<256x2048xf32>
    %eq3A_20 = arith.cmpf oeq, %convert_element_type3A, %eq3A_19 : vector<256x2048xf32>
    %jit3A_21 = arith.constant 0x7F800000 : f32
    %broadcast_in_dim3A_22 = vector.broadcast %jit3A_21 : f32 to vector<256x2048xf32>
    %select_n3A_23 = arith.select %eq3A_20, %broadcast_in_dim3A_22, %get3A_1 : vector<256x2048xi1>, vector<256x2048xf32>
    %reduce_min3A_24 = arith.constant dense<0x7F800000> : vector<256xf32>
    %reduce_min3A_25 = vector.multi_reduction <minimumf>, %select_n3A_23, %reduce_min3A_24 [1] : vector<256x2048xf32> to vector<256xf32>
    %broadcast_in_dim3A_26 = vector.shape_cast %reduce_min3A_25 : vector<256xf32> to vector<256x1xf32>
    %eq3A_27 = vector.broadcast %broadcast_in_dim3A_26 : vector<256x1xf32> to vector<256x2048xf32>
    %eq3A_28 = arith.cmpf oeq, %select_n3A_23, %eq3A_27 : vector<256x2048xf32>
    %jit3A_29 = arith.constant 2.048000e+03 : f32
    %broadcast_in_dim3A_30 = vector.broadcast %jit3A_29 : f32 to vector<256x2048xf32>
    %select_n3A_31 = arith.select %eq3A_28, %convert_element_type3A, %broadcast_in_dim3A_30 : vector<256x2048xi1>, vector<256x2048xf32>
    %reduce_min3A_32 = arith.constant dense<0x7F800000> : vector<256xf32>
    %reduce_min3A_33 = vector.multi_reduction <minimumf>, %select_n3A_31, %reduce_min3A_32 [1] : vector<256x2048xf32> to vector<256xf32>
    %eq3A_34 = arith.constant 1 : i32
    %eq3A_35 = vector.broadcast %eq3A_34 : i32 to vector<256x16xi32>
    %eq3A_36 = arith.cmpi eq, %iota3A_2, %eq3A_35 : vector<256x16xi32>
    %broadcast_in_dim3A_37 = vector.shape_cast %reduce_min3A_33 : vector<256xf32> to vector<256x1xf32>
    %convert_element_type3A_38 = arith.fptosi %broadcast_in_dim3A_37 : vector<256x1xf32> to vector<256x1xi32>
    %broadcast_in_dim3A_39 = vector.shape_cast %convert_element_type3A_38 : vector<256x1xi32> to vector<256x1xi32>
    %broadcast_in_dim3A_40 = vector.broadcast %broadcast_in_dim3A_39 : vector<256x1xi32> to vector<256x16xi32>
    %select_n3A_41 = arith.select %eq3A_36, %broadcast_in_dim3A_40, %select_n3A_17 : vector<256x16xi1>, vector<256x16xi32>
    %broadcast_in_dim3A_42 = vector.shape_cast %reduce_min3A_33 : vector<256xf32> to vector<256x1xf32>
    %eq3A_43 = vector.broadcast %broadcast_in_dim3A_42 : vector<256x1xf32> to vector<256x2048xf32>
    %eq3A_44 = arith.cmpf oeq, %convert_element_type3A, %eq3A_43 : vector<256x2048xf32>
    %jit3A_45 = arith.constant 0x7F800000 : f32
    %broadcast_in_dim3A_46 = vector.broadcast %jit3A_45 : f32 to vector<256x2048xf32>
    %select_n3A_47 = arith.select %eq3A_44, %broadcast_in_dim3A_46, %select_n3A_23 : vector<256x2048xi1>, vector<256x2048xf32>
    %reduce_min3A_48 = arith.constant dense<0x7F800000> : vector<256xf32>
    %reduce_min3A_49 = vector.multi_reduction <minimumf>, %select_n3A_47, %reduce_min3A_48 [1] : vector<256x2048xf32> to vector<256xf32>
    %broadcast_in_dim3A_50 = vector.shape_cast %reduce_min3A_49 : vector<256xf32> to vector<256x1xf32>
    %eq3A_51 = vector.broadcast %broadcast_in_dim3A_50 : vector<256x1xf32> to vector<256x2048xf32>
    %eq3A_52 = arith.cmpf oeq, %select_n3A_47, %eq3A_51 : vector<256x2048xf32>
    %jit3A_53 = arith.constant 2.048000e+03 : f32
    %broadcast_in_dim3A_54 = vector.broadcast %jit3A_53 : f32 to vector<256x2048xf32>
    %select_n3A_55 = arith.select %eq3A_52, %convert_element_type3A, %broadcast_in_dim3A_54 : vector<256x2048xi1>, vector<256x2048xf32>
    %reduce_min3A_56 = arith.constant dense<0x7F800000> : vector<256xf32>
    %reduce_min3A_57 = vector.multi_reduction <minimumf>, %select_n3A_55, %reduce_min3A_56 [1] : vector<256x2048xf32> to vector<256xf32>
    %eq3A_58 = arith.constant 2 : i32
    %eq3A_59 = vector.broadcast %eq3A_58 : i32 to vector<256x16xi32>
    %eq3A_60 = arith.cmpi eq, %iota3A_2, %eq3A_59 : vector<256x16xi32>
    %broadcast_in_dim3A_61 = vector.shape_cast %reduce_min3A_57 : vector<256xf32> to vector<256x1xf32>
    %convert_element_type3A_62 = arith.fptosi %broadcast_in_dim3A_61 : vector<256x1xf32> to vector<256x1xi32>
    %broadcast_in_dim3A_63 = vector.shape_cast %convert_element_type3A_62 : vector<256x1xi32> to vector<256x1xi32>
    %broadcast_in_dim3A_64 = vector.broadcast %broadcast_in_dim3A_63 : vector<256x1xi32> to vector<256x16xi32>
    %select_n3A_65 = arith.select %eq3A_60, %broadcast_in_dim3A_64, %select_n3A_41 : vector<256x16xi1>, vector<256x16xi32>
    %broadcast_in_dim3A_66 = vector.shape_cast %reduce_min3A_57 : vector<256xf32> to vector<256x1xf32>
    %eq3A_67 = vector.broadcast %broadcast_in_dim3A_66 : vector<256x1xf32> to vector<256x2048xf32>
    %eq3A_68 = arith.cmpf oeq, %convert_element_type3A, %eq3A_67 : vector<256x2048xf32>
    %jit3A_69 = arith.constant 0x7F800000 : f32
    %broadcast_in_dim3A_70 = vector.broadcast %jit3A_69 : f32 to vector<256x2048xf32>
    %select_n3A_71 = arith.select %eq3A_68, %broadcast_in_dim3A_70, %select_n3A_47 : vector<256x2048xi1>, vector<256x2048xf32>
    %reduce_min3A_72 = arith.constant dense<0x7F800000> : vector<256xf32>
    %reduce_min3A_73 = vector.multi_reduction <minimumf>, %select_n3A_71, %reduce_min3A_72 [1] : vector<256x2048xf32> to vector<256xf32>
    %broadcast_in_dim3A_74 = vector.shape_cast %reduce_min3A_73 : vector<256xf32> to vector<256x1xf32>
    %eq3A_75 = vector.broadcast %broadcast_in_dim3A_74 : vector<256x1xf32> to vector<256x2048xf32>
    %eq3A_76 = arith.cmpf oeq, %select_n3A_71, %eq3A_75 : vector<256x2048xf32>
    %jit3A_77 = arith.constant 2.048000e+03 : f32
    %broadcast_in_dim3A_78 = vector.broadcast %jit3A_77 : f32 to vector<256x2048xf32>
    %select_n3A_79 = arith.select %eq3A_76, %convert_element_type3A, %broadcast_in_dim3A_78 : vector<256x2048xi1>, vector<256x2048xf32>
    %reduce_min3A_80 = arith.constant dense<0x7F800000> : vector<256xf32>
    %reduce_min3A_81 = vector.multi_reduction <minimumf>, %select_n3A_79, %reduce_min3A_80 [1] : vector<256x2048xf32> to vector<256xf32>
    %eq3A_82 = arith.constant 3 : i32
    %eq3A_83 = vector.broadcast %eq3A_82 : i32 to vector<256x16xi32>
    %eq3A_84 = arith.cmpi eq, %iota3A_2, %eq3A_83 : vector<256x16xi32>
    %broadcast_in_dim3A_85 = vector.shape_cast %reduce_min3A_81 : vector<256xf32> to vector<256x1xf32>
    %convert_element_type3A_86 = arith.fptosi %broadcast_in_dim3A_85 : vector<256x1xf32> to vector<256x1xi32>
    %broadcast_in_dim3A_87 = vector.shape_cast %convert_element_type3A_86 : vector<256x1xi32> to vector<256x1xi32>
    %broadcast_in_dim3A_88 = vector.broadcast %broadcast_in_dim3A_87 : vector<256x1xi32> to vector<256x16xi32>
    %select_n3A_89 = arith.select %eq3A_84, %broadcast_in_dim3A_88, %select_n3A_65 : vector<256x16xi1>, vector<256x16xi32>
    %broadcast_in_dim3A_90 = vector.shape_cast %reduce_min3A_81 : vector<256xf32> to vector<256x1xf32>
    %eq3A_91 = vector.broadcast %broadcast_in_dim3A_90 : vector<256x1xf32> to vector<256x2048xf32>
    %eq3A_92 = arith.cmpf oeq, %convert_element_type3A, %eq3A_91 : vector<256x2048xf32>
    %jit3A_93 = arith.constant 0x7F800000 : f32
    %broadcast_in_dim3A_94 = vector.broadcast %jit3A_93 : f32 to vector<256x2048xf32>
    %select_n3A_95 = arith.select %eq3A_92, %broadcast_in_dim3A_94, %select_n3A_71 : vector<256x2048xi1>, vector<256x2048xf32>
    %reduce_min3A_96 = arith.constant dense<0x7F800000> : vector<256xf32>
    %reduce_min3A_97 = vector.multi_reduction <minimumf>, %select_n3A_95, %reduce_min3A_96 [1] : vector<256x2048xf32> to vector<256xf32>
    %broadcast_in_dim3A_98 = vector.shape_cast %reduce_min3A_97 : vector<256xf32> to vector<256x1xf32>
    %eq3A_99 = vector.broadcast %broadcast_in_dim3A_98 : vector<256x1xf32> to vector<256x2048xf32>
    %eq3A_100 = arith.cmpf oeq, %select_n3A_95, %eq3A_99 : vector<256x2048xf32>
    %jit3A_101 = arith.constant 2.048000e+03 : f32
    %broadcast_in_dim3A_102 = vector.broadcast %jit3A_101 : f32 to vector<256x2048xf32>
    %select_n3A_103 = arith.select %eq3A_100, %convert_element_type3A, %broadcast_in_dim3A_102 : vector<256x2048xi1>, vector<256x2048xf32>
    %reduce_min3A_104 = arith.constant dense<0x7F800000> : vector<256xf32>
    %reduce_min3A_105 = vector.multi_reduction <minimumf>, %select_n3A_103, %reduce_min3A_104 [1] : vector<256x2048xf32> to vector<256xf32>
    %eq3A_106 = arith.constant 4 : i32
    %eq3A_107 = vector.broadcast %eq3A_106 : i32 to vector<256x16xi32>
    %eq3A_108 = arith.cmpi eq, %iota3A_2, %eq3A_107 : vector<256x16xi32>
    %broadcast_in_dim3A_109 = vector.shape_cast %reduce_min3A_105 : vector<256xf32> to vector<256x1xf32>
    %convert_element_type3A_110 = arith.fptosi %broadcast_in_dim3A_109 : vector<256x1xf32> to vector<256x1xi32>
    %broadcast_in_dim3A_111 = vector.shape_cast %convert_element_type3A_110 : vector<256x1xi32> to vector<256x1xi32>
    %broadcast_in_dim3A_112 = vector.broadcast %broadcast_in_dim3A_111 : vector<256x1xi32> to vector<256x16xi32>
    %select_n3A_113 = arith.select %eq3A_108, %broadcast_in_dim3A_112, %select_n3A_89 : vector<256x16xi1>, vector<256x16xi32>
    %broadcast_in_dim3A_114 = vector.shape_cast %reduce_min3A_105 : vector<256xf32> to vector<256x1xf32>
    %eq3A_115 = vector.broadcast %broadcast_in_dim3A_114 : vector<256x1xf32> to vector<256x2048xf32>
    %eq3A_116 = arith.cmpf oeq, %convert_element_type3A, %eq3A_115 : vector<256x2048xf32>
    %jit3A_117 = arith.constant 0x7F800000 : f32
    %broadcast_in_dim3A_118 = vector.broadcast %jit3A_117 : f32 to vector<256x2048xf32>
    %select_n3A_119 = arith.select %eq3A_116, %broadcast_in_dim3A_118, %select_n3A_95 : vector<256x2048xi1>, vector<256x2048xf32>
    %reduce_min3A_120 = arith.constant dense<0x7F800000> : vector<256xf32>
    %reduce_min3A_121 = vector.multi_reduction <minimumf>, %select_n3A_119, %reduce_min3A_120 [1] : vector<256x2048xf32> to vector<256xf32>
    %broadcast_in_dim3A_122 = vector.shape_cast %reduce_min3A_121 : vector<256xf32> to vector<256x1xf32>
    %eq3A_123 = vector.broadcast %broadcast_in_dim3A_122 : vector<256x1xf32> to vector<256x2048xf32>
    %eq3A_124 = arith.cmpf oeq, %select_n3A_119, %eq3A_123 : vector<256x2048xf32>
    %jit3A_125 = arith.constant 2.048000e+03 : f32
    %broadcast_in_dim3A_126 = vector.broadcast %jit3A_125 : f32 to vector<256x2048xf32>
    %select_n3A_127 = arith.select %eq3A_124, %convert_element_type3A, %broadcast_in_dim3A_126 : vector<256x2048xi1>, vector<256x2048xf32>
    %reduce_min3A_128 = arith.constant dense<0x7F800000> : vector<256xf32>
    %reduce_min3A_129 = vector.multi_reduction <minimumf>, %select_n3A_127, %reduce_min3A_128 [1] : vector<256x2048xf32> to vector<256xf32>
    %eq3A_130 = arith.constant 5 : i32
    %eq3A_131 = vector.broadcast %eq3A_130 : i32 to vector<256x16xi32>
    %eq3A_132 = arith.cmpi eq, %iota3A_2, %eq3A_131 : vector<256x16xi32>
    %broadcast_in_dim3A_133 = vector.shape_cast %reduce_min3A_129 : vector<256xf32> to vector<256x1xf32>
    %convert_element_type3A_134 = arith.fptosi %broadcast_in_dim3A_133 : vector<256x1xf32> to vector<256x1xi32>
    %broadcast_in_dim3A_135 = vector.shape_cast %convert_element_type3A_134 : vector<256x1xi32> to vector<256x1xi32>
    %broadcast_in_dim3A_136 = vector.broadcast %broadcast_in_dim3A_135 : vector<256x1xi32> to vector<256x16xi32>
    %select_n3A_137 = arith.select %eq3A_132, %broadcast_in_dim3A_136, %select_n3A_113 : vector<256x16xi1>, vector<256x16xi32>
    %broadcast_in_dim3A_138 = vector.shape_cast %reduce_min3A_129 : vector<256xf32> to vector<256x1xf32>
    %eq3A_139 = vector.broadcast %broadcast_in_dim3A_138 : vector<256x1xf32> to vector<256x2048xf32>
    %eq3A_140 = arith.cmpf oeq, %convert_element_type3A, %eq3A_139 : vector<256x2048xf32>
    %jit3A_141 = arith.constant 0x7F800000 : f32
    %broadcast_in_dim3A_142 = vector.broadcast %jit3A_141 : f32 to vector<256x2048xf32>
    %select_n3A_143 = arith.select %eq3A_140, %broadcast_in_dim3A_142, %select_n3A_119 : vector<256x2048xi1>, vector<256x2048xf32>
    %reduce_min3A_144 = arith.constant dense<0x7F800000> : vector<256xf32>
    %reduce_min3A_145 = vector.multi_reduction <minimumf>, %select_n3A_143, %reduce_min3A_144 [1] : vector<256x2048xf32> to vector<256xf32>
    %broadcast_in_dim3A_146 = vector.shape_cast %reduce_min3A_145 : vector<256xf32> to vector<256x1xf32>
    %eq3A_147 = vector.broadcast %broadcast_in_dim3A_146 : vector<256x1xf32> to vector<256x2048xf32>
    %eq3A_148 = arith.cmpf oeq, %select_n3A_143, %eq3A_147 : vector<256x2048xf32>
    %jit3A_149 = arith.constant 2.048000e+03 : f32
    %broadcast_in_dim3A_150 = vector.broadcast %jit3A_149 : f32 to vector<256x2048xf32>
    %select_n3A_151 = arith.select %eq3A_148, %convert_element_type3A, %broadcast_in_dim3A_150 : vector<256x2048xi1>, vector<256x2048xf32>
    %reduce_min3A_152 = arith.constant dense<0x7F800000> : vector<256xf32>
    %reduce_min3A_153 = vector.multi_reduction <minimumf>, %select_n3A_151, %reduce_min3A_152 [1] : vector<256x2048xf32> to vector<256xf32>
    %eq3A_154 = arith.constant 6 : i32
    %eq3A_155 = vector.broadcast %eq3A_154 : i32 to vector<256x16xi32>
    %eq3A_156 = arith.cmpi eq, %iota3A_2, %eq3A_155 : vector<256x16xi32>
    %broadcast_in_dim3A_157 = vector.shape_cast %reduce_min3A_153 : vector<256xf32> to vector<256x1xf32>
    %convert_element_type3A_158 = arith.fptosi %broadcast_in_dim3A_157 : vector<256x1xf32> to vector<256x1xi32>
    %broadcast_in_dim3A_159 = vector.shape_cast %convert_element_type3A_158 : vector<256x1xi32> to vector<256x1xi32>
    %broadcast_in_dim3A_160 = vector.broadcast %broadcast_in_dim3A_159 : vector<256x1xi32> to vector<256x16xi32>
    %select_n3A_161 = arith.select %eq3A_156, %broadcast_in_dim3A_160, %select_n3A_137 : vector<256x16xi1>, vector<256x16xi32>
    %broadcast_in_dim3A_162 = vector.shape_cast %reduce_min3A_153 : vector<256xf32> to vector<256x1xf32>
    %eq3A_163 = vector.broadcast %broadcast_in_dim3A_162 : vector<256x1xf32> to vector<256x2048xf32>
    %eq3A_164 = arith.cmpf oeq, %convert_element_type3A, %eq3A_163 : vector<256x2048xf32>
    %jit3A_165 = arith.constant 0x7F800000 : f32
    %broadcast_in_dim3A_166 = vector.broadcast %jit3A_165 : f32 to vector<256x2048xf32>
    %select_n3A_167 = arith.select %eq3A_164, %broadcast_in_dim3A_166, %select_n3A_143 : vector<256x2048xi1>, vector<256x2048xf32>
    %reduce_min3A_168 = arith.constant dense<0x7F800000> : vector<256xf32>
    %reduce_min3A_169 = vector.multi_reduction <minimumf>, %select_n3A_167, %reduce_min3A_168 [1] : vector<256x2048xf32> to vector<256xf32>
    %broadcast_in_dim3A_170 = vector.shape_cast %reduce_min3A_169 : vector<256xf32> to vector<256x1xf32>
    %eq3A_171 = vector.broadcast %broadcast_in_dim3A_170 : vector<256x1xf32> to vector<256x2048xf32>
    %eq3A_172 = arith.cmpf oeq, %select_n3A_167, %eq3A_171 : vector<256x2048xf32>
    %jit3A_173 = arith.constant 2.048000e+03 : f32
    %broadcast_in_dim3A_174 = vector.broadcast %jit3A_173 : f32 to vector<256x2048xf32>
    %select_n3A_175 = arith.select %eq3A_172, %convert_element_type3A, %broadcast_in_dim3A_174 : vector<256x2048xi1>, vector<256x2048xf32>
    %reduce_min3A_176 = arith.constant dense<0x7F800000> : vector<256xf32>
    %reduce_min3A_177 = vector.multi_reduction <minimumf>, %select_n3A_175, %reduce_min3A_176 [1] : vector<256x2048xf32> to vector<256xf32>
    %eq3A_178 = arith.constant 7 : i32
    %eq3A_179 = vector.broadcast %eq3A_178 : i32 to vector<256x16xi32>
    %eq3A_180 = arith.cmpi eq, %iota3A_2, %eq3A_179 : vector<256x16xi32>
    %broadcast_in_dim3A_181 = vector.shape_cast %reduce_min3A_177 : vector<256xf32> to vector<256x1xf32>
    %convert_element_type3A_182 = arith.fptosi %broadcast_in_dim3A_181 : vector<256x1xf32> to vector<256x1xi32>
    %broadcast_in_dim3A_183 = vector.shape_cast %convert_element_type3A_182 : vector<256x1xi32> to vector<256x1xi32>
    %broadcast_in_dim3A_184 = vector.broadcast %broadcast_in_dim3A_183 : vector<256x1xi32> to vector<256x16xi32>
    %select_n3A_185 = arith.select %eq3A_180, %broadcast_in_dim3A_184, %select_n3A_161 : vector<256x16xi1>, vector<256x16xi32>
    %broadcast_in_dim3A_186 = vector.shape_cast %reduce_min3A_177 : vector<256xf32> to vector<256x1xf32>
    %eq3A_187 = vector.broadcast %broadcast_in_dim3A_186 : vector<256x1xf32> to vector<256x2048xf32>
    %eq3A_188 = arith.cmpf oeq, %convert_element_type3A, %eq3A_187 : vector<256x2048xf32>
    %jit3A_189 = arith.constant 0x7F800000 : f32
    %broadcast_in_dim3A_190 = vector.broadcast %jit3A_189 : f32 to vector<256x2048xf32>
    %select_n3A_191 = arith.select %eq3A_188, %broadcast_in_dim3A_190, %select_n3A_167 : vector<256x2048xi1>, vector<256x2048xf32>
    %reduce_min3A_192 = arith.constant dense<0x7F800000> : vector<256xf32>
    %reduce_min3A_193 = vector.multi_reduction <minimumf>, %select_n3A_191, %reduce_min3A_192 [1] : vector<256x2048xf32> to vector<256xf32>
    %broadcast_in_dim3A_194 = vector.shape_cast %reduce_min3A_193 : vector<256xf32> to vector<256x1xf32>
    %eq3A_195 = vector.broadcast %broadcast_in_dim3A_194 : vector<256x1xf32> to vector<256x2048xf32>
    %eq3A_196 = arith.cmpf oeq, %select_n3A_191, %eq3A_195 : vector<256x2048xf32>
    %jit3A_197 = arith.constant 2.048000e+03 : f32
    %broadcast_in_dim3A_198 = vector.broadcast %jit3A_197 : f32 to vector<256x2048xf32>
    %select_n3A_199 = arith.select %eq3A_196, %convert_element_type3A, %broadcast_in_dim3A_198 : vector<256x2048xi1>, vector<256x2048xf32>
    %reduce_min3A_200 = arith.constant dense<0x7F800000> : vector<256xf32>
    %reduce_min3A_201 = vector.multi_reduction <minimumf>, %select_n3A_199, %reduce_min3A_200 [1] : vector<256x2048xf32> to vector<256xf32>
    %eq3A_202 = arith.constant 8 : i32
    %eq3A_203 = vector.broadcast %eq3A_202 : i32 to vector<256x16xi32>
    %eq3A_204 = arith.cmpi eq, %iota3A_2, %eq3A_203 : vector<256x16xi32>
    %broadcast_in_dim3A_205 = vector.shape_cast %reduce_min3A_201 : vector<256xf32> to vector<256x1xf32>
    %convert_element_type3A_206 = arith.fptosi %broadcast_in_dim3A_205 : vector<256x1xf32> to vector<256x1xi32>
    %broadcast_in_dim3A_207 = vector.shape_cast %convert_element_type3A_206 : vector<256x1xi32> to vector<256x1xi32>
    %broadcast_in_dim3A_208 = vector.broadcast %broadcast_in_dim3A_207 : vector<256x1xi32> to vector<256x16xi32>
    %select_n3A_209 = arith.select %eq3A_204, %broadcast_in_dim3A_208, %select_n3A_185 : vector<256x16xi1>, vector<256x16xi32>
    %broadcast_in_dim3A_210 = vector.shape_cast %reduce_min3A_201 : vector<256xf32> to vector<256x1xf32>
    %eq3A_211 = vector.broadcast %broadcast_in_dim3A_210 : vector<256x1xf32> to vector<256x2048xf32>
    %eq3A_212 = arith.cmpf oeq, %convert_element_type3A, %eq3A_211 : vector<256x2048xf32>
    %jit3A_213 = arith.constant 0x7F800000 : f32
    %broadcast_in_dim3A_214 = vector.broadcast %jit3A_213 : f32 to vector<256x2048xf32>
    %select_n3A_215 = arith.select %eq3A_212, %broadcast_in_dim3A_214, %select_n3A_191 : vector<256x2048xi1>, vector<256x2048xf32>
    %reduce_min3A_216 = arith.constant dense<0x7F800000> : vector<256xf32>
    %reduce_min3A_217 = vector.multi_reduction <minimumf>, %select_n3A_215, %reduce_min3A_216 [1] : vector<256x2048xf32> to vector<256xf32>
    %broadcast_in_dim3A_218 = vector.shape_cast %reduce_min3A_217 : vector<256xf32> to vector<256x1xf32>
    %eq3A_219 = vector.broadcast %broadcast_in_dim3A_218 : vector<256x1xf32> to vector<256x2048xf32>
    %eq3A_220 = arith.cmpf oeq, %select_n3A_215, %eq3A_219 : vector<256x2048xf32>
    %jit3A_221 = arith.constant 2.048000e+03 : f32
    %broadcast_in_dim3A_222 = vector.broadcast %jit3A_221 : f32 to vector<256x2048xf32>
    %select_n3A_223 = arith.select %eq3A_220, %convert_element_type3A, %broadcast_in_dim3A_222 : vector<256x2048xi1>, vector<256x2048xf32>
    %reduce_min3A_224 = arith.constant dense<0x7F800000> : vector<256xf32>
    %reduce_min3A_225 = vector.multi_reduction <minimumf>, %select_n3A_223, %reduce_min3A_224 [1] : vector<256x2048xf32> to vector<256xf32>
    %eq3A_226 = arith.constant 9 : i32
    %eq3A_227 = vector.broadcast %eq3A_226 : i32 to vector<256x16xi32>
    %eq3A_228 = arith.cmpi eq, %iota3A_2, %eq3A_227 : vector<256x16xi32>
    %broadcast_in_dim3A_229 = vector.shape_cast %reduce_min3A_225 : vector<256xf32> to vector<256x1xf32>
    %convert_element_type3A_230 = arith.fptosi %broadcast_in_dim3A_229 : vector<256x1xf32> to vector<256x1xi32>
    %broadcast_in_dim3A_231 = vector.shape_cast %convert_element_type3A_230 : vector<256x1xi32> to vector<256x1xi32>
    %broadcast_in_dim3A_232 = vector.broadcast %broadcast_in_dim3A_231 : vector<256x1xi32> to vector<256x16xi32>
    %select_n3A_233 = arith.select %eq3A_228, %broadcast_in_dim3A_232, %select_n3A_209 : vector<256x16xi1>, vector<256x16xi32>
    %broadcast_in_dim3A_234 = vector.shape_cast %reduce_min3A_225 : vector<256xf32> to vector<256x1xf32>
    %eq3A_235 = vector.broadcast %broadcast_in_dim3A_234 : vector<256x1xf32> to vector<256x2048xf32>
    %eq3A_236 = arith.cmpf oeq, %convert_element_type3A, %eq3A_235 : vector<256x2048xf32>
    %jit3A_237 = arith.constant 0x7F800000 : f32
    %broadcast_in_dim3A_238 = vector.broadcast %jit3A_237 : f32 to vector<256x2048xf32>
    %select_n3A_239 = arith.select %eq3A_236, %broadcast_in_dim3A_238, %select_n3A_215 : vector<256x2048xi1>, vector<256x2048xf32>
    %reduce_min3A_240 = arith.constant dense<0x7F800000> : vector<256xf32>
    %reduce_min3A_241 = vector.multi_reduction <minimumf>, %select_n3A_239, %reduce_min3A_240 [1] : vector<256x2048xf32> to vector<256xf32>
    %broadcast_in_dim3A_242 = vector.shape_cast %reduce_min3A_241 : vector<256xf32> to vector<256x1xf32>
    %eq3A_243 = vector.broadcast %broadcast_in_dim3A_242 : vector<256x1xf32> to vector<256x2048xf32>
    %eq3A_244 = arith.cmpf oeq, %select_n3A_239, %eq3A_243 : vector<256x2048xf32>
    %jit3A_245 = arith.constant 2.048000e+03 : f32
    %broadcast_in_dim3A_246 = vector.broadcast %jit3A_245 : f32 to vector<256x2048xf32>
    %select_n3A_247 = arith.select %eq3A_244, %convert_element_type3A, %broadcast_in_dim3A_246 : vector<256x2048xi1>, vector<256x2048xf32>
    %reduce_min3A_248 = arith.constant dense<0x7F800000> : vector<256xf32>
    %reduce_min3A_249 = vector.multi_reduction <minimumf>, %select_n3A_247, %reduce_min3A_248 [1] : vector<256x2048xf32> to vector<256xf32>
    %eq3A_250 = arith.constant 10 : i32
    %eq3A_251 = vector.broadcast %eq3A_250 : i32 to vector<256x16xi32>
    %eq3A_252 = arith.cmpi eq, %iota3A_2, %eq3A_251 : vector<256x16xi32>
    %broadcast_in_dim3A_253 = vector.shape_cast %reduce_min3A_249 : vector<256xf32> to vector<256x1xf32>
    %convert_element_type3A_254 = arith.fptosi %broadcast_in_dim3A_253 : vector<256x1xf32> to vector<256x1xi32>
    %broadcast_in_dim3A_255 = vector.shape_cast %convert_element_type3A_254 : vector<256x1xi32> to vector<256x1xi32>
    %broadcast_in_dim3A_256 = vector.broadcast %broadcast_in_dim3A_255 : vector<256x1xi32> to vector<256x16xi32>
    %select_n3A_257 = arith.select %eq3A_252, %broadcast_in_dim3A_256, %select_n3A_233 : vector<256x16xi1>, vector<256x16xi32>
    %broadcast_in_dim3A_258 = vector.shape_cast %reduce_min3A_249 : vector<256xf32> to vector<256x1xf32>
    %eq3A_259 = vector.broadcast %broadcast_in_dim3A_258 : vector<256x1xf32> to vector<256x2048xf32>
    %eq3A_260 = arith.cmpf oeq, %convert_element_type3A, %eq3A_259 : vector<256x2048xf32>
    %jit3A_261 = arith.constant 0x7F800000 : f32
    %broadcast_in_dim3A_262 = vector.broadcast %jit3A_261 : f32 to vector<256x2048xf32>
    %select_n3A_263 = arith.select %eq3A_260, %broadcast_in_dim3A_262, %select_n3A_239 : vector<256x2048xi1>, vector<256x2048xf32>
    %reduce_min3A_264 = arith.constant dense<0x7F800000> : vector<256xf32>
    %reduce_min3A_265 = vector.multi_reduction <minimumf>, %select_n3A_263, %reduce_min3A_264 [1] : vector<256x2048xf32> to vector<256xf32>
    %broadcast_in_dim3A_266 = vector.shape_cast %reduce_min3A_265 : vector<256xf32> to vector<256x1xf32>
    %eq3A_267 = vector.broadcast %broadcast_in_dim3A_266 : vector<256x1xf32> to vector<256x2048xf32>
    %eq3A_268 = arith.cmpf oeq, %select_n3A_263, %eq3A_267 : vector<256x2048xf32>
    %jit3A_269 = arith.constant 2.048000e+03 : f32
    %broadcast_in_dim3A_270 = vector.broadcast %jit3A_269 : f32 to vector<256x2048xf32>
    %select_n3A_271 = arith.select %eq3A_268, %convert_element_type3A, %broadcast_in_dim3A_270 : vector<256x2048xi1>, vector<256x2048xf32>
    %reduce_min3A_272 = arith.constant dense<0x7F800000> : vector<256xf32>
    %reduce_min3A_273 = vector.multi_reduction <minimumf>, %select_n3A_271, %reduce_min3A_272 [1] : vector<256x2048xf32> to vector<256xf32>
    %eq3A_274 = arith.constant 11 : i32
    %eq3A_275 = vector.broadcast %eq3A_274 : i32 to vector<256x16xi32>
    %eq3A_276 = arith.cmpi eq, %iota3A_2, %eq3A_275 : vector<256x16xi32>
    %broadcast_in_dim3A_277 = vector.shape_cast %reduce_min3A_273 : vector<256xf32> to vector<256x1xf32>
    %convert_element_type3A_278 = arith.fptosi %broadcast_in_dim3A_277 : vector<256x1xf32> to vector<256x1xi32>
    %broadcast_in_dim3A_279 = vector.shape_cast %convert_element_type3A_278 : vector<256x1xi32> to vector<256x1xi32>
    %broadcast_in_dim3A_280 = vector.broadcast %broadcast_in_dim3A_279 : vector<256x1xi32> to vector<256x16xi32>
    %select_n3A_281 = arith.select %eq3A_276, %broadcast_in_dim3A_280, %select_n3A_257 : vector<256x16xi1>, vector<256x16xi32>
    %broadcast_in_dim3A_282 = vector.shape_cast %reduce_min3A_273 : vector<256xf32> to vector<256x1xf32>
    %eq3A_283 = vector.broadcast %broadcast_in_dim3A_282 : vector<256x1xf32> to vector<256x2048xf32>
    %eq3A_284 = arith.cmpf oeq, %convert_element_type3A, %eq3A_283 : vector<256x2048xf32>
    %jit3A_285 = arith.constant 0x7F800000 : f32
    %broadcast_in_dim3A_286 = vector.broadcast %jit3A_285 : f32 to vector<256x2048xf32>
    %select_n3A_287 = arith.select %eq3A_284, %broadcast_in_dim3A_286, %select_n3A_263 : vector<256x2048xi1>, vector<256x2048xf32>
    %reduce_min3A_288 = arith.constant dense<0x7F800000> : vector<256xf32>
    %reduce_min3A_289 = vector.multi_reduction <minimumf>, %select_n3A_287, %reduce_min3A_288 [1] : vector<256x2048xf32> to vector<256xf32>
    %broadcast_in_dim3A_290 = vector.shape_cast %reduce_min3A_289 : vector<256xf32> to vector<256x1xf32>
    %eq3A_291 = vector.broadcast %broadcast_in_dim3A_290 : vector<256x1xf32> to vector<256x2048xf32>
    %eq3A_292 = arith.cmpf oeq, %select_n3A_287, %eq3A_291 : vector<256x2048xf32>
    %jit3A_293 = arith.constant 2.048000e+03 : f32
    %broadcast_in_dim3A_294 = vector.broadcast %jit3A_293 : f32 to vector<256x2048xf32>
    %select_n3A_295 = arith.select %eq3A_292, %convert_element_type3A, %broadcast_in_dim3A_294 : vector<256x2048xi1>, vector<256x2048xf32>
    %reduce_min3A_296 = arith.constant dense<0x7F800000> : vector<256xf32>
    %reduce_min3A_297 = vector.multi_reduction <minimumf>, %select_n3A_295, %reduce_min3A_296 [1] : vector<256x2048xf32> to vector<256xf32>
    %eq3A_298 = arith.constant 12 : i32
    %eq3A_299 = vector.broadcast %eq3A_298 : i32 to vector<256x16xi32>
    %eq3A_300 = arith.cmpi eq, %iota3A_2, %eq3A_299 : vector<256x16xi32>
    %broadcast_in_dim3A_301 = vector.shape_cast %reduce_min3A_297 : vector<256xf32> to vector<256x1xf32>
    %convert_element_type3A_302 = arith.fptosi %broadcast_in_dim3A_301 : vector<256x1xf32> to vector<256x1xi32>
    %broadcast_in_dim3A_303 = vector.shape_cast %convert_element_type3A_302 : vector<256x1xi32> to vector<256x1xi32>
    %broadcast_in_dim3A_304 = vector.broadcast %broadcast_in_dim3A_303 : vector<256x1xi32> to vector<256x16xi32>
    %select_n3A_305 = arith.select %eq3A_300, %broadcast_in_dim3A_304, %select_n3A_281 : vector<256x16xi1>, vector<256x16xi32>
    %broadcast_in_dim3A_306 = vector.shape_cast %reduce_min3A_297 : vector<256xf32> to vector<256x1xf32>
    %eq3A_307 = vector.broadcast %broadcast_in_dim3A_306 : vector<256x1xf32> to vector<256x2048xf32>
    %eq3A_308 = arith.cmpf oeq, %convert_element_type3A, %eq3A_307 : vector<256x2048xf32>
    %jit3A_309 = arith.constant 0x7F800000 : f32
    %broadcast_in_dim3A_310 = vector.broadcast %jit3A_309 : f32 to vector<256x2048xf32>
    %select_n3A_311 = arith.select %eq3A_308, %broadcast_in_dim3A_310, %select_n3A_287 : vector<256x2048xi1>, vector<256x2048xf32>
    %reduce_min3A_312 = arith.constant dense<0x7F800000> : vector<256xf32>
    %reduce_min3A_313 = vector.multi_reduction <minimumf>, %select_n3A_311, %reduce_min3A_312 [1] : vector<256x2048xf32> to vector<256xf32>
    %broadcast_in_dim3A_314 = vector.shape_cast %reduce_min3A_313 : vector<256xf32> to vector<256x1xf32>
    %eq3A_315 = vector.broadcast %broadcast_in_dim3A_314 : vector<256x1xf32> to vector<256x2048xf32>
    %eq3A_316 = arith.cmpf oeq, %select_n3A_311, %eq3A_315 : vector<256x2048xf32>
    %jit3A_317 = arith.constant 2.048000e+03 : f32
    %broadcast_in_dim3A_318 = vector.broadcast %jit3A_317 : f32 to vector<256x2048xf32>
    %select_n3A_319 = arith.select %eq3A_316, %convert_element_type3A, %broadcast_in_dim3A_318 : vector<256x2048xi1>, vector<256x2048xf32>
    %reduce_min3A_320 = arith.constant dense<0x7F800000> : vector<256xf32>
    %reduce_min3A_321 = vector.multi_reduction <minimumf>, %select_n3A_319, %reduce_min3A_320 [1] : vector<256x2048xf32> to vector<256xf32>
    %eq3A_322 = arith.constant 13 : i32
    %eq3A_323 = vector.broadcast %eq3A_322 : i32 to vector<256x16xi32>
    %eq3A_324 = arith.cmpi eq, %iota3A_2, %eq3A_323 : vector<256x16xi32>
    %broadcast_in_dim3A_325 = vector.shape_cast %reduce_min3A_321 : vector<256xf32> to vector<256x1xf32>
    %convert_element_type3A_326 = arith.fptosi %broadcast_in_dim3A_325 : vector<256x1xf32> to vector<256x1xi32>
    %broadcast_in_dim3A_327 = vector.shape_cast %convert_element_type3A_326 : vector<256x1xi32> to vector<256x1xi32>
    %broadcast_in_dim3A_328 = vector.broadcast %broadcast_in_dim3A_327 : vector<256x1xi32> to vector<256x16xi32>
    %select_n3A_329 = arith.select %eq3A_324, %broadcast_in_dim3A_328, %select_n3A_305 : vector<256x16xi1>, vector<256x16xi32>
    %broadcast_in_dim3A_330 = vector.shape_cast %reduce_min3A_321 : vector<256xf32> to vector<256x1xf32>
    %eq3A_331 = vector.broadcast %broadcast_in_dim3A_330 : vector<256x1xf32> to vector<256x2048xf32>
    %eq3A_332 = arith.cmpf oeq, %convert_element_type3A, %eq3A_331 : vector<256x2048xf32>
    %jit3A_333 = arith.constant 0x7F800000 : f32
    %broadcast_in_dim3A_334 = vector.broadcast %jit3A_333 : f32 to vector<256x2048xf32>
    %select_n3A_335 = arith.select %eq3A_332, %broadcast_in_dim3A_334, %select_n3A_311 : vector<256x2048xi1>, vector<256x2048xf32>
    %reduce_min3A_336 = arith.constant dense<0x7F800000> : vector<256xf32>
    %reduce_min3A_337 = vector.multi_reduction <minimumf>, %select_n3A_335, %reduce_min3A_336 [1] : vector<256x2048xf32> to vector<256xf32>
    %broadcast_in_dim3A_338 = vector.shape_cast %reduce_min3A_337 : vector<256xf32> to vector<256x1xf32>
    %eq3A_339 = vector.broadcast %broadcast_in_dim3A_338 : vector<256x1xf32> to vector<256x2048xf32>
    %eq3A_340 = arith.cmpf oeq, %select_n3A_335, %eq3A_339 : vector<256x2048xf32>
    %jit3A_341 = arith.constant 2.048000e+03 : f32
    %broadcast_in_dim3A_342 = vector.broadcast %jit3A_341 : f32 to vector<256x2048xf32>
    %select_n3A_343 = arith.select %eq3A_340, %convert_element_type3A, %broadcast_in_dim3A_342 : vector<256x2048xi1>, vector<256x2048xf32>
    %reduce_min3A_344 = arith.constant dense<0x7F800000> : vector<256xf32>
    %reduce_min3A_345 = vector.multi_reduction <minimumf>, %select_n3A_343, %reduce_min3A_344 [1] : vector<256x2048xf32> to vector<256xf32>
    %eq3A_346 = arith.constant 14 : i32
    %eq3A_347 = vector.broadcast %eq3A_346 : i32 to vector<256x16xi32>
    %eq3A_348 = arith.cmpi eq, %iota3A_2, %eq3A_347 : vector<256x16xi32>
    %broadcast_in_dim3A_349 = vector.shape_cast %reduce_min3A_345 : vector<256xf32> to vector<256x1xf32>
    %convert_element_type3A_350 = arith.fptosi %broadcast_in_dim3A_349 : vector<256x1xf32> to vector<256x1xi32>
    %broadcast_in_dim3A_351 = vector.shape_cast %convert_element_type3A_350 : vector<256x1xi32> to vector<256x1xi32>
    %broadcast_in_dim3A_352 = vector.broadcast %broadcast_in_dim3A_351 : vector<256x1xi32> to vector<256x16xi32>
    %select_n3A_353 = arith.select %eq3A_348, %broadcast_in_dim3A_352, %select_n3A_329 : vector<256x16xi1>, vector<256x16xi32>
    %broadcast_in_dim3A_354 = vector.shape_cast %reduce_min3A_345 : vector<256xf32> to vector<256x1xf32>
    %eq3A_355 = vector.broadcast %broadcast_in_dim3A_354 : vector<256x1xf32> to vector<256x2048xf32>
    %eq3A_356 = arith.cmpf oeq, %convert_element_type3A, %eq3A_355 : vector<256x2048xf32>
    %jit3A_357 = arith.constant 0x7F800000 : f32
    %broadcast_in_dim3A_358 = vector.broadcast %jit3A_357 : f32 to vector<256x2048xf32>
    %select_n3A_359 = arith.select %eq3A_356, %broadcast_in_dim3A_358, %select_n3A_335 : vector<256x2048xi1>, vector<256x2048xf32>
    %reduce_min3A_360 = arith.constant dense<0x7F800000> : vector<256xf32>
    %reduce_min3A_361 = vector.multi_reduction <minimumf>, %select_n3A_359, %reduce_min3A_360 [1] : vector<256x2048xf32> to vector<256xf32>
    %broadcast_in_dim3A_362 = vector.shape_cast %reduce_min3A_361 : vector<256xf32> to vector<256x1xf32>
    %eq3A_363 = vector.broadcast %broadcast_in_dim3A_362 : vector<256x1xf32> to vector<256x2048xf32>
    %eq3A_364 = arith.cmpf oeq, %select_n3A_359, %eq3A_363 : vector<256x2048xf32>
    %jit3A_365 = arith.constant 2.048000e+03 : f32
    %broadcast_in_dim3A_366 = vector.broadcast %jit3A_365 : f32 to vector<256x2048xf32>
    %select_n3A_367 = arith.select %eq3A_364, %convert_element_type3A, %broadcast_in_dim3A_366 : vector<256x2048xi1>, vector<256x2048xf32>
    %reduce_min3A_368 = arith.constant dense<0x7F800000> : vector<256xf32>
    %reduce_min3A_369 = vector.multi_reduction <minimumf>, %select_n3A_367, %reduce_min3A_368 [1] : vector<256x2048xf32> to vector<256xf32>
    %eq3A_370 = arith.constant 15 : i32
    %eq3A_371 = vector.broadcast %eq3A_370 : i32 to vector<256x16xi32>
    %eq3A_372 = arith.cmpi eq, %iota3A_2, %eq3A_371 : vector<256x16xi32>
    %broadcast_in_dim3A_373 = vector.shape_cast %reduce_min3A_369 : vector<256xf32> to vector<256x1xf32>
    %convert_element_type3A_374 = arith.fptosi %broadcast_in_dim3A_373 : vector<256x1xf32> to vector<256x1xi32>
    %broadcast_in_dim3A_375 = vector.shape_cast %convert_element_type3A_374 : vector<256x1xi32> to vector<256x1xi32>
    %broadcast_in_dim3A_376 = vector.broadcast %broadcast_in_dim3A_375 : vector<256x1xi32> to vector<256x16xi32>
    %select_n3A_377 = arith.select %eq3A_372, %broadcast_in_dim3A_376, %select_n3A_353 : vector<256x16xi1>, vector<256x16xi32>
    %mul3A = arith.constant 256 : i32
    %mul3A_378 = arith.muli %arg0, %mul3A : i32
    %jit3A_379 = arith.constant 2048 : i32
    %div3A = arith.divsi %mul3A_378, %jit3A_379 : i32
    %sign3A = arith.constant 0 : i32
    %sign3A_380 = arith.cmpi sgt, %mul3A_378, %sign3A : i32
    %sign3A_381 = arith.extui %sign3A_380 : i1 to i32
    %sign3A_382 = arith.constant 0 : i32
    %sign3A_383 = arith.cmpi slt, %mul3A_378, %sign3A_382 : i32
    %sign3A_384 = arith.extui %sign3A_383 : i1 to i32
    %sign3A_385 = arith.subi %sign3A_381, %sign3A_384 : i32
    %sign3A_386 = arith.constant 0 : i32
    %sign3A_387 = arith.cmpi sgt, %jit3A_379, %sign3A_386 : i32
    %sign3A_388 = arith.extui %sign3A_387 : i1 to i32
    %sign3A_389 = arith.constant 0 : i32
    %sign3A_390 = arith.cmpi slt, %jit3A_379, %sign3A_389 : i32
    %sign3A_391 = arith.extui %sign3A_390 : i1 to i32
    %sign3A_392 = arith.subi %sign3A_388, %sign3A_391 : i32
    %ne3A = arith.cmpi ne, %sign3A_385, %sign3A_392 : i32
    %rem3A = arith.remsi %mul3A_378, %jit3A_379 : i32
    %ne3A_393 = arith.constant 0 : i32
    %ne3A_394 = arith.cmpi ne, %rem3A, %ne3A_393 : i32
    %and3A = arith.andi %ne3A, %ne3A_394 : i1
    %sub3A = arith.constant 1 : i32
    %sub3A_395 = arith.subi %div3A, %sub3A : i32
    %select_n3A_396 = arith.select %and3A, %sub3A_395, %div3A : i32
    %mul3A_397 = arith.constant 2048 : i32
    %mul3A_398 = arith.muli %select_n3A_396, %mul3A_397 : i32
    %add3A = vector.broadcast %mul3A_398 : i32 to vector<256x16xi32>
    %add3A_399 = arith.addi %select_n3A_377, %add3A : vector<256x16xi32>
    %swap3A = arith.constant 0 : index
    %swap3A_400 = arith.constant 0 : index
    %swap3A_401 = vector.load %arg2[%swap3A, %swap3A_400] : memref<256x16xi32, #tpu.memory_space<vmem>>, vector<256x16xi32>
    tpu.vector_store %arg2[%swap3A, %swap3A_400], %add3A_399 {strides = array<i32>} : memref<256x16xi32, #tpu.memory_space<vmem>>, vector<256x16xi32>,
    return
  }
  func.func @transform_0(%arg0: i32) -> (i32, i32) {
    %c0_i32 = arith.constant 0 : i32
    %c0_i32_0 = arith.constant 0 : i32
    return %arg0, %c0_i32 : i32, i32
  }
  func.func @transform_1(%arg0: i32) -> (i32, i32) {
    %c0_i32 = arith.constant 0 : i32
    %c0_i32_0 = arith.constant 0 : i32
    return %arg0, %c0_i32 : i32, i32
  }
}

module attributes {stable_mosaic.version = 14 : i64} {
  func.func @_stage1_body(%arg0: i32, %arg1: memref<4096x8xf32, #tpu.memory_space<vmem>>, %arg2: memref<8x32xf32, #tpu.memory_space<vmem>>, %arg3: memref<32xf32, #tpu.memory_space<vmem>>, %arg4: memref<32xf32, #tpu.memory_space<vmem>>, %arg5: memref<32xf32, #tpu.memory_space<vmem>>, %arg6: memref<32x32xf32, #tpu.memory_space<vmem>>, %arg7: memref<32xf32, #tpu.memory_space<vmem>>, %arg8: memref<32xf32, #tpu.memory_space<vmem>>, %arg9: memref<32xf32, #tpu.memory_space<vmem>>, %arg10: memref<32x32xf32, #tpu.memory_space<vmem>>, %arg11: memref<32xf32, #tpu.memory_space<vmem>>, %arg12: memref<32x128xf32, #tpu.memory_space<vmem>>, %arg13: memref<32x128xf32, #tpu.memory_space<vmem>>, %arg14: memref<128xf32, #tpu.memory_space<vmem>>, %arg15: memref<128xf32, #tpu.memory_space<vmem>>, %arg16: memref<128xf32, #tpu.memory_space<vmem>>, %arg17: memref<128x32xf32, #tpu.memory_space<vmem>>, %arg18: memref<32xf32, #tpu.memory_space<vmem>>, %arg19: memref<256x128xf32, #tpu.memory_space<vmem>>, %arg20: memref<1x1x32xf32, #tpu.memory_space<vmem>>, %arg21: memref<1x32xf32, #tpu.memory_space<vmem>>) attributes {dimension_semantics = [#tpu.dimension_semantics<arbitrary>], iteration_bounds = array<i64: 32>, scalar_prefetch = 0 : i64, scratch_operands = 1 : i64, tpu.core_type = #tpu.core_type<tc>, window_params = [{transform_indices = @transform_0, window_bounds = array<i64: 4096, 8>}, {pipeline_mode = #tpu.pipeline_mode<synchronous>, transform_indices = @transform_1, window_bounds = array<i64: 8, 32>}, {pipeline_mode = #tpu.pipeline_mode<synchronous>, transform_indices = @transform_2, window_bounds = array<i64: 32>}, {pipeline_mode = #tpu.pipeline_mode<synchronous>, transform_indices = @transform_3, window_bounds = array<i64: 32>}, {pipeline_mode = #tpu.pipeline_mode<synchronous>, transform_indices = @transform_4, window_bounds = array<i64: 32>}, {pipeline_mode = #tpu.pipeline_mode<synchronous>, transform_indices = @transform_5, window_bounds = array<i64: 32, 32>}, {pipeline_mode = #tpu.pipeline_mode<synchronous>, transform_indices = @transform_6, window_bounds = array<i64: 32>}, {pipeline_mode = #tpu.pipeline_mode<synchronous>, transform_indices = @transform_7, window_bounds = array<i64: 32>}, {pipeline_mode = #tpu.pipeline_mode<synchronous>, transform_indices = @transform_8, window_bounds = array<i64: 32>}, {pipeline_mode = #tpu.pipeline_mode<synchronous>, transform_indices = @transform_9, window_bounds = array<i64: 32, 32>}, {pipeline_mode = #tpu.pipeline_mode<synchronous>, transform_indices = @transform_10, window_bounds = array<i64: 32>}, {pipeline_mode = #tpu.pipeline_mode<synchronous>, transform_indices = @transform_11, window_bounds = array<i64: 32, 128>}, {pipeline_mode = #tpu.pipeline_mode<synchronous>, transform_indices = @transform_12, window_bounds = array<i64: 32, 128>}, {pipeline_mode = #tpu.pipeline_mode<synchronous>, transform_indices = @transform_13, window_bounds = array<i64: 128>}, {pipeline_mode = #tpu.pipeline_mode<synchronous>, transform_indices = @transform_14, window_bounds = array<i64: 128>}, {pipeline_mode = #tpu.pipeline_mode<synchronous>, transform_indices = @transform_15, window_bounds = array<i64: 128>}, {pipeline_mode = #tpu.pipeline_mode<synchronous>, transform_indices = @transform_16, window_bounds = array<i64: 128, 32>}, {pipeline_mode = #tpu.pipeline_mode<synchronous>, transform_indices = @transform_17, window_bounds = array<i64: 32>}, {transform_indices = @transform_18, window_bounds = array<i64: 256, 128>}, {transform_indices = @transform_19, window_bounds = array<i64: 1, 1, 32>}]} {
    %jit3A = arith.constant 8 : i32
    %eq3A = arith.constant 0 : i32
    %eq3A_0 = arith.cmpi eq, %jit3A, %eq3A : i32
    %jit3A_1 = arith.constant 1 : i32
    %select_n3A = arith.select %eq3A_0, %jit3A_1, %jit3A : i32
    %rem3A = arith.remsi %arg0, %select_n3A : i32
    %ne3A = arith.constant 0 : i32
    %ne3A_2 = arith.cmpi ne, %rem3A, %ne3A : i32
    %lt3A = arith.constant 0 : i32
    %lt3A_3 = arith.cmpi slt, %rem3A, %lt3A : i32
    %lt3A_4 = arith.constant 0 : i32
    %lt3A_5 = arith.cmpi slt, %select_n3A, %lt3A_4 : i32
    %ne3A_6 = arith.xori %lt3A_3, %lt3A_5 : i1
    %and3A = arith.andi %ne3A_6, %ne3A_2 : i1
    %add3A = arith.addi %rem3A, %select_n3A : i32
    %select_n3A_7 = arith.select %and3A, %add3A, %rem3A : i32
    %eq3A_8 = arith.constant 0 : i32
    %eq3A_9 = arith.cmpi eq, %select_n3A_7, %eq3A_8 : i32
    %convert_element_type3A = arith.extui %eq3A_9 : i1 to i32
    %cond3A = arith.constant 0 : i32
    %cond3A_10 = arith.cmpi ne, %convert_element_type3A, %cond3A : i32
    scf.if %cond3A_10 {
      %broadcast_in_dim3A_190 = arith.constant 0xFF800000 : f32
      %broadcast_in_dim3A_191 = vector.broadcast %broadcast_in_dim3A_190 : f32 to vector<1x32xf32>
      %swap3A_192 = arith.constant 0 : index
      %swap3A_193 = arith.constant 0 : index
      %swap3A_194 = vector.load %arg21[%swap3A_192, %swap3A_193] : memref<1x32xf32, #tpu.memory_space<vmem>>, vector<1x32xf32>
      tpu.vector_store %arg21[%swap3A_192, %swap3A_193], %broadcast_in_dim3A_191 {strides = array<i32>} : memref<1x32xf32, #tpu.memory_space<vmem>>, vector<1x32xf32>,
    } else {
    }
    %get3A = arith.constant 0 : index
    %get3A_11 = arith.constant 0 : index
    %get3A_12 = vector.load %arg1[%get3A, %get3A_11] : memref<4096x8xf32, #tpu.memory_space<vmem>>, vector<4096x8xf32>
    %slice3A = vector.extract_strided_slice %get3A_12 {offsets = [0, 1], sizes = [4096, 1], strides = [1, 1]} : vector<4096x8xf32> to vector<4096x1xf32>
    %reshape3A = vector.shape_cast %slice3A : vector<4096x1xf32> to vector<256x16x1xf32>
    %slice3A_13 = vector.extract_strided_slice %get3A_12 {offsets = [0, 6], sizes = [4096, 1], strides = [1, 1]} : vector<4096x8xf32> to vector<4096x1xf32>
    %reshape3A_14 = vector.shape_cast %slice3A_13 : vector<4096x1xf32> to vector<256x16x1xf32>
    %get3A_15 = arith.constant 0 : index
    %get3A_16 = arith.constant 0 : index
    %get3A_17 = vector.load %arg2[%get3A_15, %get3A_16] : memref<8x32xf32, #tpu.memory_space<vmem>>, vector<8x32xf32>
    %get3A_18 = arith.constant 0 : index
    %get3A_19 = vector.load %arg3[%get3A_18] : memref<32xf32, #tpu.memory_space<vmem>>, vector<32xf32>
    %get3A_20 = arith.constant 0 : index
    %get3A_21 = vector.load %arg4[%get3A_20] : memref<32xf32, #tpu.memory_space<vmem>>, vector<32xf32>
    %get3A_22 = arith.constant 0 : index
    %get3A_23 = vector.load %arg5[%get3A_22] : memref<32xf32, #tpu.memory_space<vmem>>, vector<32xf32>
    %get3A_24 = arith.constant 0 : index
    %get3A_25 = arith.constant 0 : index
    %get3A_26 = vector.load %arg6[%get3A_24, %get3A_25] : memref<32x32xf32, #tpu.memory_space<vmem>>, vector<32x32xf32>
    %get3A_27 = arith.constant 0 : index
    %get3A_28 = vector.load %arg7[%get3A_27] : memref<32xf32, #tpu.memory_space<vmem>>, vector<32xf32>
    %get3A_29 = arith.constant 0 : index
    %get3A_30 = vector.load %arg8[%get3A_29] : memref<32xf32, #tpu.memory_space<vmem>>, vector<32xf32>
    %get3A_31 = arith.constant 0 : index
    %get3A_32 = vector.load %arg9[%get3A_31] : memref<32xf32, #tpu.memory_space<vmem>>, vector<32xf32>
    %get3A_33 = arith.constant 0 : index
    %get3A_34 = arith.constant 0 : index
    %get3A_35 = vector.load %arg10[%get3A_33, %get3A_34] : memref<32x32xf32, #tpu.memory_space<vmem>>, vector<32x32xf32>
    %get3A_36 = arith.constant 0 : index
    %get3A_37 = vector.load %arg11[%get3A_36] : memref<32xf32, #tpu.memory_space<vmem>>, vector<32xf32>
    %dot_general3A = arith.constant dense<0.000000e+00> : vector<4096x32xf32>
    %dot_general3A_38 = tpu.matmul %get3A_12, %get3A_17, %dot_general3A {dimension_numbers = #tpu.dot_dimension_numbers<[1], [0], [0], [1], [0, 0, 1, 1], [], []>, transpose_lhs_hint = false} : vector<4096x8xf32>, vector<8x32xf32>, vector<4096x32xf32> -> vector<4096x32xf32>
    %broadcast_in_dim3A = vector.shape_cast %get3A_19 : vector<32xf32> to vector<1x32xf32>
    %add3A_39 = vector.broadcast %broadcast_in_dim3A : vector<1x32xf32> to vector<4096x32xf32>
    %add3A_40 = arith.addf %dot_general3A_38, %add3A_39 : vector<4096x32xf32>
    %reduce_sum3A = arith.constant dense<0.000000e+00> : vector<4096xf32>
    %reduce_sum3A_41 = vector.multi_reduction <add>, %add3A_40, %reduce_sum3A [1] : vector<4096x32xf32> to vector<4096xf32>
    %broadcast_in_dim3A_42 = vector.shape_cast %reduce_sum3A_41 : vector<4096xf32> to vector<4096x1xf32>
    %div3A = arith.constant 3.200000e+01 : f32
    %div3A_43 = vector.broadcast %div3A : f32 to vector<4096x1xf32>
    %div3A_44 = arith.divf %broadcast_in_dim3A_42, %div3A_43 : vector<4096x1xf32>
    %sub3A = vector.broadcast %div3A_44 : vector<4096x1xf32> to vector<4096x32xf32>
    %sub3A_45 = arith.subf %add3A_40, %sub3A : vector<4096x32xf32>
    %mul3A = arith.mulf %sub3A_45, %sub3A_45 : vector<4096x32xf32>
    %reduce_sum3A_46 = arith.constant dense<0.000000e+00> : vector<4096xf32>
    %reduce_sum3A_47 = vector.multi_reduction <add>, %mul3A, %reduce_sum3A_46 [1] : vector<4096x32xf32> to vector<4096xf32>
    %broadcast_in_dim3A_48 = vector.shape_cast %reduce_sum3A_47 : vector<4096xf32> to vector<4096x1xf32>
    %div3A_49 = arith.constant 3.200000e+01 : f32
    %div3A_50 = vector.broadcast %div3A_49 : f32 to vector<4096x1xf32>
    %div3A_51 = arith.divf %broadcast_in_dim3A_48, %div3A_50 : vector<4096x1xf32>
    %add3A_52 = arith.constant 9.99999974E-6 : f32
    %add3A_53 = vector.broadcast %add3A_52 : f32 to vector<4096x1xf32>
    %add3A_54 = arith.addf %div3A_51, %add3A_53 : vector<4096x1xf32>
    %sqrt3A = math.sqrt %add3A_54 : vector<4096x1xf32>
    %div3A_55 = vector.broadcast %sqrt3A : vector<4096x1xf32> to vector<4096x32xf32>
    %div3A_56 = arith.divf %sub3A_45, %div3A_55 : vector<4096x32xf32>
    %broadcast_in_dim3A_57 = vector.shape_cast %get3A_21 : vector<32xf32> to vector<1x32xf32>
    %mul3A_58 = vector.broadcast %broadcast_in_dim3A_57 : vector<1x32xf32> to vector<4096x32xf32>
    %mul3A_59 = arith.mulf %div3A_56, %mul3A_58 : vector<4096x32xf32>
    %broadcast_in_dim3A_60 = vector.shape_cast %get3A_23 : vector<32xf32> to vector<1x32xf32>
    %add3A_61 = vector.broadcast %broadcast_in_dim3A_60 : vector<1x32xf32> to vector<4096x32xf32>
    %add3A_62 = arith.addf %mul3A_59, %add3A_61 : vector<4096x32xf32>
    %max3A = arith.constant 0.000000e+00 : f32
    %max3A_63 = vector.broadcast %max3A : f32 to vector<4096x32xf32>
    %max3A_64 = arith.maximumf %add3A_62, %max3A_63 : vector<4096x32xf32>
    %dot_general3A_65 = arith.constant dense<0.000000e+00> : vector<4096x32xf32>
    %dot_general3A_66 = tpu.matmul %max3A_64, %get3A_26, %dot_general3A_65 {dimension_numbers = #tpu.dot_dimension_numbers<[1], [0], [0], [1], [0, 0, 1, 1], [], []>, transpose_lhs_hint = false} : vector<4096x32xf32>, vector<32x32xf32>, vector<4096x32xf32> -> vector<4096x32xf32>
    %broadcast_in_dim3A_67 = vector.shape_cast %get3A_28 : vector<32xf32> to vector<1x32xf32>
    %add3A_68 = vector.broadcast %broadcast_in_dim3A_67 : vector<1x32xf32> to vector<4096x32xf32>
    %add3A_69 = arith.addf %dot_general3A_66, %add3A_68 : vector<4096x32xf32>
    %reduce_sum3A_70 = arith.constant dense<0.000000e+00> : vector<4096xf32>
    %reduce_sum3A_71 = vector.multi_reduction <add>, %add3A_69, %reduce_sum3A_70 [1] : vector<4096x32xf32> to vector<4096xf32>
    %broadcast_in_dim3A_72 = vector.shape_cast %reduce_sum3A_71 : vector<4096xf32> to vector<4096x1xf32>
    %div3A_73 = arith.constant 3.200000e+01 : f32
    %div3A_74 = vector.broadcast %div3A_73 : f32 to vector<4096x1xf32>
    %div3A_75 = arith.divf %broadcast_in_dim3A_72, %div3A_74 : vector<4096x1xf32>
    %sub3A_76 = vector.broadcast %div3A_75 : vector<4096x1xf32> to vector<4096x32xf32>
    %sub3A_77 = arith.subf %add3A_69, %sub3A_76 : vector<4096x32xf32>
    %mul3A_78 = arith.mulf %sub3A_77, %sub3A_77 : vector<4096x32xf32>
    %reduce_sum3A_79 = arith.constant dense<0.000000e+00> : vector<4096xf32>
    %reduce_sum3A_80 = vector.multi_reduction <add>, %mul3A_78, %reduce_sum3A_79 [1] : vector<4096x32xf32> to vector<4096xf32>
    %broadcast_in_dim3A_81 = vector.shape_cast %reduce_sum3A_80 : vector<4096xf32> to vector<4096x1xf32>
    %div3A_82 = arith.constant 3.200000e+01 : f32
    %div3A_83 = vector.broadcast %div3A_82 : f32 to vector<4096x1xf32>
    %div3A_84 = arith.divf %broadcast_in_dim3A_81, %div3A_83 : vector<4096x1xf32>
    %add3A_85 = arith.constant 9.99999974E-6 : f32
    %add3A_86 = vector.broadcast %add3A_85 : f32 to vector<4096x1xf32>
    %add3A_87 = arith.addf %div3A_84, %add3A_86 : vector<4096x1xf32>
    %sqrt3A_88 = math.sqrt %add3A_87 : vector<4096x1xf32>
    %div3A_89 = vector.broadcast %sqrt3A_88 : vector<4096x1xf32> to vector<4096x32xf32>
    %div3A_90 = arith.divf %sub3A_77, %div3A_89 : vector<4096x32xf32>
    %broadcast_in_dim3A_91 = vector.shape_cast %get3A_30 : vector<32xf32> to vector<1x32xf32>
    %mul3A_92 = vector.broadcast %broadcast_in_dim3A_91 : vector<1x32xf32> to vector<4096x32xf32>
    %mul3A_93 = arith.mulf %div3A_90, %mul3A_92 : vector<4096x32xf32>
    %broadcast_in_dim3A_94 = vector.shape_cast %get3A_32 : vector<32xf32> to vector<1x32xf32>
    %add3A_95 = vector.broadcast %broadcast_in_dim3A_94 : vector<1x32xf32> to vector<4096x32xf32>
    %add3A_96 = arith.addf %mul3A_93, %add3A_95 : vector<4096x32xf32>
    %max3A_97 = arith.constant 0.000000e+00 : f32
    %max3A_98 = vector.broadcast %max3A_97 : f32 to vector<4096x32xf32>
    %max3A_99 = arith.maximumf %add3A_96, %max3A_98 : vector<4096x32xf32>
    %dot_general3A_100 = arith.constant dense<0.000000e+00> : vector<4096x32xf32>
    %dot_general3A_101 = tpu.matmul %max3A_99, %get3A_35, %dot_general3A_100 {dimension_numbers = #tpu.dot_dimension_numbers<[1], [0], [0], [1], [0, 0, 1, 1], [], []>, transpose_lhs_hint = false} : vector<4096x32xf32>, vector<32x32xf32>, vector<4096x32xf32> -> vector<4096x32xf32>
    %broadcast_in_dim3A_102 = vector.shape_cast %get3A_37 : vector<32xf32> to vector<1x32xf32>
    %add3A_103 = vector.broadcast %broadcast_in_dim3A_102 : vector<1x32xf32> to vector<4096x32xf32>
    %add3A_104 = arith.addf %dot_general3A_101, %add3A_103 : vector<4096x32xf32>
    %reshape3A_105 = vector.shape_cast %add3A_104 : vector<4096x32xf32> to vector<256x16x32xf32>
    %mul3A_106 = vector.broadcast %reshape3A : vector<256x16x1xf32> to vector<256x16x32xf32>
    %mul3A_107 = arith.mulf %reshape3A_105, %mul3A_106 : vector<256x16x32xf32>
    %reduce_sum3A_108 = arith.constant dense<0.000000e+00> : vector<256x32xf32>
    %reduce_sum3A_109 = vector.multi_reduction <add>, %mul3A_107, %reduce_sum3A_108 [1] : vector<256x16x32xf32> to vector<256x32xf32>
    %mul3A_110 = vector.broadcast %reshape3A_14 : vector<256x16x1xf32> to vector<256x16x32xf32>
    %mul3A_111 = arith.mulf %reshape3A_105, %mul3A_110 : vector<256x16x32xf32>
    %reduce_sum3A_112 = arith.constant dense<0.000000e+00> : vector<256x32xf32>
    %reduce_sum3A_113 = vector.multi_reduction <add>, %mul3A_111, %reduce_sum3A_112 [1] : vector<256x16x32xf32> to vector<256x32xf32>
    %get3A_114 = arith.constant 0 : index
    %get3A_115 = arith.constant 0 : index
    %get3A_116 = vector.load %arg12[%get3A_114, %get3A_115] : memref<32x128xf32, #tpu.memory_space<vmem>>, vector<32x128xf32>
    %dot_general3A_117 = arith.constant dense<0.000000e+00> : vector<256x128xf32>
    %dot_general3A_118 = tpu.matmul %reduce_sum3A_109, %get3A_116, %dot_general3A_117 {dimension_numbers = #tpu.dot_dimension_numbers<[1], [0], [0], [1], [0, 0, 1, 1], [], []>, transpose_lhs_hint = false} : vector<256x32xf32>, vector<32x128xf32>, vector<256x128xf32> -> vector<256x128xf32>
    %get3A_119 = arith.constant 0 : index
    %get3A_120 = arith.constant 0 : index
    %get3A_121 = vector.load %arg13[%get3A_119, %get3A_120] : memref<32x128xf32, #tpu.memory_space<vmem>>, vector<32x128xf32>
    %dot_general3A_122 = arith.constant dense<0.000000e+00> : vector<256x128xf32>
    %dot_general3A_123 = tpu.matmul %reduce_sum3A_113, %get3A_121, %dot_general3A_122 {dimension_numbers = #tpu.dot_dimension_numbers<[1], [0], [0], [1], [0, 0, 1, 1], [], []>, transpose_lhs_hint = false} : vector<256x32xf32>, vector<32x128xf32>, vector<256x128xf32> -> vector<256x128xf32>
    %add3A_124 = arith.addf %dot_general3A_118, %dot_general3A_123 : vector<256x128xf32>
    %get3A_125 = arith.constant 0 : index
    %get3A_126 = vector.load %arg14[%get3A_125] : memref<128xf32, #tpu.memory_space<vmem>>, vector<128xf32>
    %broadcast_in_dim3A_127 = vector.shape_cast %get3A_126 : vector<128xf32> to vector<1x128xf32>
    %add3A_128 = vector.broadcast %broadcast_in_dim3A_127 : vector<1x128xf32> to vector<256x128xf32>
    %add3A_129 = arith.addf %add3A_124, %add3A_128 : vector<256x128xf32>
    %get3A_130 = arith.constant 0 : index
    %get3A_131 = vector.load %arg15[%get3A_130] : memref<128xf32, #tpu.memory_space<vmem>>, vector<128xf32>
    %get3A_132 = arith.constant 0 : index
    %get3A_133 = vector.load %arg16[%get3A_132] : memref<128xf32, #tpu.memory_space<vmem>>, vector<128xf32>
    %reduce_sum3A_134 = arith.constant dense<0.000000e+00> : vector<256xf32>
    %reduce_sum3A_135 = vector.multi_reduction <add>, %add3A_129, %reduce_sum3A_134 [1] : vector<256x128xf32> to vector<256xf32>
    %broadcast_in_dim3A_136 = vector.shape_cast %reduce_sum3A_135 : vector<256xf32> to vector<256x1xf32>
    %div3A_137 = arith.constant 1.280000e+02 : f32
    %div3A_138 = vector.broadcast %div3A_137 : f32 to vector<256x1xf32>
    %div3A_139 = arith.divf %broadcast_in_dim3A_136, %div3A_138 : vector<256x1xf32>
    %sub3A_140 = vector.broadcast %div3A_139 : vector<256x1xf32> to vector<256x128xf32>
    %sub3A_141 = arith.subf %add3A_129, %sub3A_140 : vector<256x128xf32>
    %mul3A_142 = arith.mulf %sub3A_141, %sub3A_141 : vector<256x128xf32>
    %reduce_sum3A_143 = arith.constant dense<0.000000e+00> : vector<256xf32>
    %reduce_sum3A_144 = vector.multi_reduction <add>, %mul3A_142, %reduce_sum3A_143 [1] : vector<256x128xf32> to vector<256xf32>
    %broadcast_in_dim3A_145 = vector.shape_cast %reduce_sum3A_144 : vector<256xf32> to vector<256x1xf32>
    %div3A_146 = arith.constant 1.280000e+02 : f32
    %div3A_147 = vector.broadcast %div3A_146 : f32 to vector<256x1xf32>
    %div3A_148 = arith.divf %broadcast_in_dim3A_145, %div3A_147 : vector<256x1xf32>
    %add3A_149 = arith.constant 9.99999974E-6 : f32
    %add3A_150 = vector.broadcast %add3A_149 : f32 to vector<256x1xf32>
    %add3A_151 = arith.addf %div3A_148, %add3A_150 : vector<256x1xf32>
    %sqrt3A_152 = math.sqrt %add3A_151 : vector<256x1xf32>
    %div3A_153 = vector.broadcast %sqrt3A_152 : vector<256x1xf32> to vector<256x128xf32>
    %div3A_154 = arith.divf %sub3A_141, %div3A_153 : vector<256x128xf32>
    %broadcast_in_dim3A_155 = vector.shape_cast %get3A_131 : vector<128xf32> to vector<1x128xf32>
    %mul3A_156 = vector.broadcast %broadcast_in_dim3A_155 : vector<1x128xf32> to vector<256x128xf32>
    %mul3A_157 = arith.mulf %div3A_154, %mul3A_156 : vector<256x128xf32>
    %broadcast_in_dim3A_158 = vector.shape_cast %get3A_133 : vector<128xf32> to vector<1x128xf32>
    %add3A_159 = vector.broadcast %broadcast_in_dim3A_158 : vector<1x128xf32> to vector<256x128xf32>
    %add3A_160 = arith.addf %mul3A_157, %add3A_159 : vector<256x128xf32>
    %swap3A = arith.constant 0 : index
    %swap3A_161 = arith.constant 0 : index
    %swap3A_162 = vector.load %arg19[%swap3A, %swap3A_161] : memref<256x128xf32, #tpu.memory_space<vmem>>, vector<256x128xf32>
    tpu.vector_store %arg19[%swap3A, %swap3A_161], %add3A_160 {strides = array<i32>} : memref<256x128xf32, #tpu.memory_space<vmem>>, vector<256x128xf32>,
    %get3A_163 = arith.constant 0 : index
    %get3A_164 = arith.constant 0 : index
    %get3A_165 = vector.load %arg17[%get3A_163, %get3A_164] : memref<128x32xf32, #tpu.memory_space<vmem>>, vector<128x32xf32>
    %dot_general3A_166 = arith.constant dense<0.000000e+00> : vector<256x32xf32>
    %dot_general3A_167 = tpu.matmul %add3A_160, %get3A_165, %dot_general3A_166 {dimension_numbers = #tpu.dot_dimension_numbers<[1], [0], [0], [1], [0, 0, 1, 1], [], []>, transpose_lhs_hint = false} : vector<256x128xf32>, vector<128x32xf32>, vector<256x32xf32> -> vector<256x32xf32>
    %get3A_168 = arith.constant 0 : index
    %get3A_169 = vector.load %arg18[%get3A_168] : memref<32xf32, #tpu.memory_space<vmem>>, vector<32xf32>
    %broadcast_in_dim3A_170 = vector.shape_cast %get3A_169 : vector<32xf32> to vector<1x32xf32>
    %add3A_171 = vector.broadcast %broadcast_in_dim3A_170 : vector<1x32xf32> to vector<256x32xf32>
    %add3A_172 = arith.addf %dot_general3A_167, %add3A_171 : vector<256x32xf32>
    %get3A_173 = arith.constant 0 : index
    %get3A_174 = arith.constant 0 : index
    %get3A_175 = vector.load %arg21[%get3A_173, %get3A_174] : memref<1x32xf32, #tpu.memory_space<vmem>>, vector<1x32xf32>
    %reduce_max3A = arith.constant dense<0xFF800000> : vector<32xf32>
    %reduce_max3A_176 = vector.multi_reduction <maximumf>, %add3A_172, %reduce_max3A [0] : vector<256x32xf32> to vector<32xf32>
    %broadcast_in_dim3A_177 = vector.shape_cast %reduce_max3A_176 : vector<32xf32> to vector<1x32xf32>
    %max3A_178 = arith.maximumf %get3A_175, %broadcast_in_dim3A_177 : vector<1x32xf32>
    %swap3A_179 = arith.constant 0 : index
    %swap3A_180 = arith.constant 0 : index
    %swap3A_181 = vector.load %arg21[%swap3A_179, %swap3A_180] : memref<1x32xf32, #tpu.memory_space<vmem>>, vector<1x32xf32>
    tpu.vector_store %arg21[%swap3A_179, %swap3A_180], %max3A_178 {strides = array<i32>} : memref<1x32xf32, #tpu.memory_space<vmem>>, vector<1x32xf32>,
    %get3A_182 = arith.constant 0 : index
    %get3A_183 = arith.constant 0 : index
    %get3A_184 = vector.load %arg21[%get3A_182, %get3A_183] : memref<1x32xf32, #tpu.memory_space<vmem>>, vector<1x32xf32>
    %reshape3A_185 = vector.shape_cast %get3A_184 : vector<1x32xf32> to vector<1x1x32xf32>
    %swap3A_186 = arith.constant 0 : index
    %swap3A_187 = arith.constant 0 : index
    %swap3A_188 = arith.constant 0 : index
    %swap3A_189 = vector.load %arg20[%swap3A_186, %swap3A_187, %swap3A_188] : memref<1x1x32xf32, #tpu.memory_space<vmem>>, vector<1x1x32xf32>
    tpu.vector_store %arg20[%swap3A_186, %swap3A_187, %swap3A_188], %reshape3A_185 {strides = array<i32>} : memref<1x1x32xf32, #tpu.memory_space<vmem>>, vector<1x1x32xf32>,
    return
  }
  func.func @transform_0(%arg0: i32) -> (i32, i32) {
    %c0_i32 = arith.constant 0 : i32
    %c0_i32_0 = arith.constant 0 : i32
    return %arg0, %c0_i32 : i32, i32
  }
  func.func @transform_1(%arg0: i32) -> (i32, i32) {
    %c0_i32 = arith.constant 0 : i32
    %c0_i32_0 = arith.constant 0 : i32
    %c0_i32_1 = arith.constant 0 : i32
    return %c0_i32, %c0_i32_0 : i32, i32
  }
  func.func @transform_2(%arg0: i32) -> i32 {
    %c0_i32 = arith.constant 0 : i32
    %c0_i32_0 = arith.constant 0 : i32
    return %c0_i32 : i32
  }
  func.func @transform_3(%arg0: i32) -> i32 {
    %c0_i32 = arith.constant 0 : i32
    %c0_i32_0 = arith.constant 0 : i32
    return %c0_i32 : i32
  }
  func.func @transform_4(%arg0: i32) -> i32 {
    %c0_i32 = arith.constant 0 : i32
    %c0_i32_0 = arith.constant 0 : i32
    return %c0_i32 : i32
  }
  func.func @transform_5(%arg0: i32) -> (i32, i32) {
    %c0_i32 = arith.constant 0 : i32
    %c0_i32_0 = arith.constant 0 : i32
    %c0_i32_1 = arith.constant 0 : i32
    return %c0_i32, %c0_i32_0 : i32, i32
  }
  func.func @transform_6(%arg0: i32) -> i32 {
    %c0_i32 = arith.constant 0 : i32
    %c0_i32_0 = arith.constant 0 : i32
    return %c0_i32 : i32
  }
  func.func @transform_7(%arg0: i32) -> i32 {
    %c0_i32 = arith.constant 0 : i32
    %c0_i32_0 = arith.constant 0 : i32
    return %c0_i32 : i32
  }
  func.func @transform_8(%arg0: i32) -> i32 {
    %c0_i32 = arith.constant 0 : i32
    %c0_i32_0 = arith.constant 0 : i32
    return %c0_i32 : i32
  }
  func.func @transform_9(%arg0: i32) -> (i32, i32) {
    %c0_i32 = arith.constant 0 : i32
    %c0_i32_0 = arith.constant 0 : i32
    %c0_i32_1 = arith.constant 0 : i32
    return %c0_i32, %c0_i32_0 : i32, i32
  }
  func.func @transform_10(%arg0: i32) -> i32 {
    %c0_i32 = arith.constant 0 : i32
    %c0_i32_0 = arith.constant 0 : i32
    return %c0_i32 : i32
  }
  func.func @transform_11(%arg0: i32) -> (i32, i32) {
    %c0_i32 = arith.constant 0 : i32
    %c0_i32_0 = arith.constant 0 : i32
    %c0_i32_1 = arith.constant 0 : i32
    return %c0_i32, %c0_i32_0 : i32, i32
  }
  func.func @transform_12(%arg0: i32) -> (i32, i32) {
    %c0_i32 = arith.constant 0 : i32
    %c0_i32_0 = arith.constant 0 : i32
    %c0_i32_1 = arith.constant 0 : i32
    return %c0_i32, %c0_i32_0 : i32, i32
  }
  func.func @transform_13(%arg0: i32) -> i32 {
    %c0_i32 = arith.constant 0 : i32
    %c0_i32_0 = arith.constant 0 : i32
    return %c0_i32 : i32
  }
  func.func @transform_14(%arg0: i32) -> i32 {
    %c0_i32 = arith.constant 0 : i32
    %c0_i32_0 = arith.constant 0 : i32
    return %c0_i32 : i32
  }
  func.func @transform_15(%arg0: i32) -> i32 {
    %c0_i32 = arith.constant 0 : i32
    %c0_i32_0 = arith.constant 0 : i32
    return %c0_i32 : i32
  }
  func.func @transform_16(%arg0: i32) -> (i32, i32) {
    %c0_i32 = arith.constant 0 : i32
    %c0_i32_0 = arith.constant 0 : i32
    %c0_i32_1 = arith.constant 0 : i32
    return %c0_i32, %c0_i32_0 : i32, i32
  }
  func.func @transform_17(%arg0: i32) -> i32 {
    %c0_i32 = arith.constant 0 : i32
    %c0_i32_0 = arith.constant 0 : i32
    return %c0_i32 : i32
  }
  func.func @transform_18(%arg0: i32) -> (i32, i32) {
    %c0_i32 = arith.constant 0 : i32
    %c0_i32_0 = arith.constant 0 : i32
    return %arg0, %c0_i32 : i32, i32
  }
  func.func @transform_19(%arg0: i32) -> (i32, i32, i32) {
    %jit3A = arith.constant 8 : i32
    %div3A = arith.divsi %arg0, %jit3A : i32
    %sign3A = arith.constant 0 : i32
    %sign3A_0 = arith.cmpi sgt, %arg0, %sign3A : i32
    %sign3A_1 = arith.extui %sign3A_0 : i1 to i32
    %sign3A_2 = arith.constant 0 : i32
    %sign3A_3 = arith.cmpi slt, %arg0, %sign3A_2 : i32
    %sign3A_4 = arith.extui %sign3A_3 : i1 to i32
    %sign3A_5 = arith.subi %sign3A_1, %sign3A_4 : i32
    %sign3A_6 = arith.constant 0 : i32
    %sign3A_7 = arith.cmpi sgt, %jit3A, %sign3A_6 : i32
    %sign3A_8 = arith.extui %sign3A_7 : i1 to i32
    %sign3A_9 = arith.constant 0 : i32
    %sign3A_10 = arith.cmpi slt, %jit3A, %sign3A_9 : i32
    %sign3A_11 = arith.extui %sign3A_10 : i1 to i32
    %sign3A_12 = arith.subi %sign3A_8, %sign3A_11 : i32
    %ne3A = arith.cmpi ne, %sign3A_5, %sign3A_12 : i32
    %rem3A = arith.remsi %arg0, %jit3A : i32
    %ne3A_13 = arith.constant 0 : i32
    %ne3A_14 = arith.cmpi ne, %rem3A, %ne3A_13 : i32
    %and3A = arith.andi %ne3A, %ne3A_14 : i1
    %sub3A = arith.constant 1 : i32
    %sub3A_15 = arith.subi %div3A, %sub3A : i32
    %select_n3A = arith.select %and3A, %sub3A_15, %div3A : i32
    %c0_i32 = arith.constant 0 : i32
    %c0_i32_16 = arith.constant 0 : i32
    %c0_i32_17 = arith.constant 0 : i32
    return %select_n3A, %c0_i32, %c0_i32_16 : i32, i32, i32
  }
}

module attributes {stable_mosaic.version = 14 : i64} {
  func.func @_stage2_body(%arg0: i32, %arg1: memref<4096x8xf32, #tpu.memory_space<vmem>>, %arg2: memref<4096x128xf32, #tpu.memory_space<vmem>>, %arg3: memref<4x1x32xf32, #tpu.memory_space<vmem>>, %arg4: memref<8x32xf32, #tpu.memory_space<vmem>>, %arg5: memref<32xf32, #tpu.memory_space<vmem>>, %arg6: memref<32xf32, #tpu.memory_space<vmem>>, %arg7: memref<32xf32, #tpu.memory_space<vmem>>, %arg8: memref<32x32xf32, #tpu.memory_space<vmem>>, %arg9: memref<32xf32, #tpu.memory_space<vmem>>, %arg10: memref<32xf32, #tpu.memory_space<vmem>>, %arg11: memref<32xf32, #tpu.memory_space<vmem>>, %arg12: memref<32x32xf32, #tpu.memory_space<vmem>>, %arg13: memref<32xf32, #tpu.memory_space<vmem>>, %arg14: memref<32x160x128xf32, #tpu.memory_space<vmem>>, %arg15: memref<128xf32, #tpu.memory_space<vmem>>, %arg16: memref<128xf32, #tpu.memory_space<vmem>>, %arg17: memref<128xf32, #tpu.memory_space<vmem>>, %arg18: memref<128x32xf32, #tpu.memory_space<vmem>>, %arg19: memref<32xf32, #tpu.memory_space<vmem>>, %arg20: memref<256x128xf32, #tpu.memory_space<vmem>>, %arg21: memref<1x1x32xf32, #tpu.memory_space<vmem>>, %arg22: memref<1x32xf32, #tpu.memory_space<vmem>>, %arg23: memref<32x256x160xf32, #tpu.memory_space<vmem>>) attributes {dimension_semantics = [#tpu.dimension_semantics<arbitrary>], iteration_bounds = array<i64: 32>, scalar_prefetch = 0 : i64, scratch_operands = 2 : i64, tpu.core_type = #tpu.core_type<tc>, window_params = [{transform_indices = @transform_0, window_bounds = array<i64: 4096, 8>}, {transform_indices = @transform_1, window_bounds = array<i64: 4096, 128>}, {pipeline_mode = #tpu.pipeline_mode<synchronous>, transform_indices = @transform_2, window_bounds = array<i64: 4, 1, 32>}, {pipeline_mode = #tpu.pipeline_mode<synchronous>, transform_indices = @transform_3, window_bounds = array<i64: 8, 32>}, {pipeline_mode = #tpu.pipeline_mode<synchronous>, transform_indices = @transform_4, window_bounds = array<i64: 32>}, {pipeline_mode = #tpu.pipeline_mode<synchronous>, transform_indices = @transform_5, window_bounds = array<i64: 32>}, {pipeline_mode = #tpu.pipeline_mode<synchronous>, transform_indices = @transform_6, window_bounds = array<i64: 32>}, {pipeline_mode = #tpu.pipeline_mode<synchronous>, transform_indices = @transform_7, window_bounds = array<i64: 32, 32>}, {pipeline_mode = #tpu.pipeline_mode<synchronous>, transform_indices = @transform_8, window_bounds = array<i64: 32>}, {pipeline_mode = #tpu.pipeline_mode<synchronous>, transform_indices = @transform_9, window_bounds = array<i64: 32>}, {pipeline_mode = #tpu.pipeline_mode<synchronous>, transform_indices = @transform_10, window_bounds = array<i64: 32>}, {pipeline_mode = #tpu.pipeline_mode<synchronous>, transform_indices = @transform_11, window_bounds = array<i64: 32, 32>}, {pipeline_mode = #tpu.pipeline_mode<synchronous>, transform_indices = @transform_12, window_bounds = array<i64: 32>}, {pipeline_mode = #tpu.pipeline_mode<synchronous>, transform_indices = @transform_13, window_bounds = array<i64: 32, 160, 128>}, {pipeline_mode = #tpu.pipeline_mode<synchronous>, transform_indices = @transform_14, window_bounds = array<i64: 128>}, {pipeline_mode = #tpu.pipeline_mode<synchronous>, transform_indices = @transform_15, window_bounds = array<i64: 128>}, {pipeline_mode = #tpu.pipeline_mode<synchronous>, transform_indices = @transform_16, window_bounds = array<i64: 128>}, {pipeline_mode = #tpu.pipeline_mode<synchronous>, transform_indices = @transform_17, window_bounds = array<i64: 128, 32>}, {pipeline_mode = #tpu.pipeline_mode<synchronous>, transform_indices = @transform_18, window_bounds = array<i64: 32>}, {transform_indices = @transform_19, window_bounds = array<i64: 256, 128>}, {transform_indices = @transform_20, window_bounds = array<i64: 1, 1, 32>}]} {
    %jit3A = arith.constant 8 : i32
    %div3A = arith.divsi %arg0, %jit3A : i32
    %sign3A = arith.constant 0 : i32
    %sign3A_0 = arith.cmpi sgt, %arg0, %sign3A : i32
    %sign3A_1 = arith.extui %sign3A_0 : i1 to i32
    %sign3A_2 = arith.constant 0 : i32
    %sign3A_3 = arith.cmpi slt, %arg0, %sign3A_2 : i32
    %sign3A_4 = arith.extui %sign3A_3 : i1 to i32
    %sign3A_5 = arith.subi %sign3A_1, %sign3A_4 : i32
    %sign3A_6 = arith.constant 0 : i32
    %sign3A_7 = arith.cmpi sgt, %jit3A, %sign3A_6 : i32
    %sign3A_8 = arith.extui %sign3A_7 : i1 to i32
    %sign3A_9 = arith.constant 0 : i32
    %sign3A_10 = arith.cmpi slt, %jit3A, %sign3A_9 : i32
    %sign3A_11 = arith.extui %sign3A_10 : i1 to i32
    %sign3A_12 = arith.subi %sign3A_8, %sign3A_11 : i32
    %ne3A = arith.cmpi ne, %sign3A_5, %sign3A_12 : i32
    %rem3A = arith.remsi %arg0, %jit3A : i32
    %ne3A_13 = arith.constant 0 : i32
    %ne3A_14 = arith.cmpi ne, %rem3A, %ne3A_13 : i32
    %and3A = arith.andi %ne3A, %ne3A_14 : i1
    %sub3A = arith.constant 1 : i32
    %sub3A_15 = arith.subi %div3A, %sub3A : i32
    %select_n3A = arith.select %and3A, %sub3A_15, %div3A : i32
    %jit3A_16 = arith.constant 8 : i32
    %eq3A = arith.constant 0 : i32
    %eq3A_17 = arith.cmpi eq, %jit3A_16, %eq3A : i32
    %jit3A_18 = arith.constant 1 : i32
    %select_n3A_19 = arith.select %eq3A_17, %jit3A_18, %jit3A_16 : i32
    %rem3A_20 = arith.remsi %arg0, %select_n3A_19 : i32
    %ne3A_21 = arith.constant 0 : i32
    %ne3A_22 = arith.cmpi ne, %rem3A_20, %ne3A_21 : i32
    %lt3A = arith.constant 0 : i32
    %lt3A_23 = arith.cmpi slt, %rem3A_20, %lt3A : i32
    %lt3A_24 = arith.constant 0 : i32
    %lt3A_25 = arith.cmpi slt, %select_n3A_19, %lt3A_24 : i32
    %ne3A_26 = arith.xori %lt3A_23, %lt3A_25 : i1
    %and3A_27 = arith.andi %ne3A_26, %ne3A_22 : i1
    %add3A = arith.addi %rem3A_20, %select_n3A_19 : i32
    %select_n3A_28 = arith.select %and3A_27, %add3A, %rem3A_20 : i32
    %eq3A_29 = arith.constant 0 : i32
    %eq3A_30 = arith.cmpi eq, %select_n3A_28, %eq3A_29 : i32
    %convert_element_type3A = arith.extui %eq3A_30 : i1 to i32
    %cond3A = arith.constant 0 : i32
    %cond3A_31 = arith.cmpi ne, %convert_element_type3A, %cond3A : i32
    scf.if %cond3A_31 {
      %broadcast_in_dim3A_1184 = arith.constant 0xFF800000 : f32
      %broadcast_in_dim3A_1185 = vector.broadcast %broadcast_in_dim3A_1184 : f32 to vector<1x32xf32>
      %swap3A_1186 = arith.constant 0 : index
      %swap3A_1187 = arith.constant 0 : index
      %swap3A_1188 = vector.load %arg22[%swap3A_1186, %swap3A_1187] : memref<1x32xf32, #tpu.memory_space<vmem>>, vector<1x32xf32>
      tpu.vector_store %arg22[%swap3A_1186, %swap3A_1187], %broadcast_in_dim3A_1185 {strides = array<i32>} : memref<1x32xf32, #tpu.memory_space<vmem>>, vector<1x32xf32>,
    } else {
    }
    %get3A = arith.constant 0 : index
    %get3A_32 = arith.constant 0 : index
    %get3A_33 = vector.load %arg4[%get3A, %get3A_32] : memref<8x32xf32, #tpu.memory_space<vmem>>, vector<8x32xf32>
    %get3A_34 = arith.constant 0 : index
    %get3A_35 = vector.load %arg5[%get3A_34] : memref<32xf32, #tpu.memory_space<vmem>>, vector<32xf32>
    %get3A_36 = arith.constant 0 : index
    %get3A_37 = vector.load %arg6[%get3A_36] : memref<32xf32, #tpu.memory_space<vmem>>, vector<32xf32>
    %get3A_38 = arith.constant 0 : index
    %get3A_39 = vector.load %arg7[%get3A_38] : memref<32xf32, #tpu.memory_space<vmem>>, vector<32xf32>
    %get3A_40 = arith.constant 0 : index
    %get3A_41 = arith.constant 0 : index
    %get3A_42 = vector.load %arg8[%get3A_40, %get3A_41] : memref<32x32xf32, #tpu.memory_space<vmem>>, vector<32x32xf32>
    %get3A_43 = arith.constant 0 : index
    %get3A_44 = vector.load %arg9[%get3A_43] : memref<32xf32, #tpu.memory_space<vmem>>, vector<32xf32>
    %get3A_45 = arith.constant 0 : index
    %get3A_46 = vector.load %arg10[%get3A_45] : memref<32xf32, #tpu.memory_space<vmem>>, vector<32xf32>
    %get3A_47 = arith.constant 0 : index
    %get3A_48 = vector.load %arg11[%get3A_47] : memref<32xf32, #tpu.memory_space<vmem>>, vector<32xf32>
    %get3A_49 = arith.constant 0 : index
    %get3A_50 = arith.constant 0 : index
    %get3A_51 = vector.load %arg12[%get3A_49, %get3A_50] : memref<32x32xf32, #tpu.memory_space<vmem>>, vector<32x32xf32>
    %get3A_52 = arith.constant 0 : index
    %get3A_53 = vector.load %arg13[%get3A_52] : memref<32xf32, #tpu.memory_space<vmem>>, vector<32xf32>
    %get3A_54 = arith.constant 0 : index
    %get3A_55 = arith.constant 0 : index
    %get3A_56 = vector.load %arg1[%get3A_54, %get3A_55] : memref<4096x8xf32, #tpu.memory_space<vmem>>, vector<4096x8xf32>
    %dot_general3A = arith.constant dense<0.000000e+00> : vector<4096x32xf32>
    %dot_general3A_57 = tpu.matmul %get3A_56, %get3A_33, %dot_general3A {dimension_numbers = #tpu.dot_dimension_numbers<[1], [0], [0], [1], [0, 0, 1, 1], [], []>, transpose_lhs_hint = false} : vector<4096x8xf32>, vector<8x32xf32>, vector<4096x32xf32> -> vector<4096x32xf32>
    %broadcast_in_dim3A = vector.shape_cast %get3A_35 : vector<32xf32> to vector<1x32xf32>
    %add3A_58 = vector.broadcast %broadcast_in_dim3A : vector<1x32xf32> to vector<4096x32xf32>
    %add3A_59 = arith.addf %dot_general3A_57, %add3A_58 : vector<4096x32xf32>
    %reduce_sum3A = arith.constant dense<0.000000e+00> : vector<4096xf32>
    %reduce_sum3A_60 = vector.multi_reduction <add>, %add3A_59, %reduce_sum3A [1] : vector<4096x32xf32> to vector<4096xf32>
    %broadcast_in_dim3A_61 = vector.shape_cast %reduce_sum3A_60 : vector<4096xf32> to vector<4096x1xf32>
    %div3A_62 = arith.constant 3.200000e+01 : f32
    %div3A_63 = vector.broadcast %div3A_62 : f32 to vector<4096x1xf32>
    %div3A_64 = arith.divf %broadcast_in_dim3A_61, %div3A_63 : vector<4096x1xf32>
    %sub3A_65 = vector.broadcast %div3A_64 : vector<4096x1xf32> to vector<4096x32xf32>
    %sub3A_66 = arith.subf %add3A_59, %sub3A_65 : vector<4096x32xf32>
    %mul3A = arith.mulf %sub3A_66, %sub3A_66 : vector<4096x32xf32>
    %reduce_sum3A_67 = arith.constant dense<0.000000e+00> : vector<4096xf32>
    %reduce_sum3A_68 = vector.multi_reduction <add>, %mul3A, %reduce_sum3A_67 [1] : vector<4096x32xf32> to vector<4096xf32>
    %broadcast_in_dim3A_69 = vector.shape_cast %reduce_sum3A_68 : vector<4096xf32> to vector<4096x1xf32>
    %div3A_70 = arith.constant 3.200000e+01 : f32
    %div3A_71 = vector.broadcast %div3A_70 : f32 to vector<4096x1xf32>
    %div3A_72 = arith.divf %broadcast_in_dim3A_69, %div3A_71 : vector<4096x1xf32>
    %add3A_73 = arith.constant 9.99999974E-6 : f32
    %add3A_74 = vector.broadcast %add3A_73 : f32 to vector<4096x1xf32>
    %add3A_75 = arith.addf %div3A_72, %add3A_74 : vector<4096x1xf32>
    %sqrt3A = math.sqrt %add3A_75 : vector<4096x1xf32>
    %div3A_76 = vector.broadcast %sqrt3A : vector<4096x1xf32> to vector<4096x32xf32>
    %div3A_77 = arith.divf %sub3A_66, %div3A_76 : vector<4096x32xf32>
    %broadcast_in_dim3A_78 = vector.shape_cast %get3A_37 : vector<32xf32> to vector<1x32xf32>
    %mul3A_79 = vector.broadcast %broadcast_in_dim3A_78 : vector<1x32xf32> to vector<4096x32xf32>
    %mul3A_80 = arith.mulf %div3A_77, %mul3A_79 : vector<4096x32xf32>
    %broadcast_in_dim3A_81 = vector.shape_cast %get3A_39 : vector<32xf32> to vector<1x32xf32>
    %add3A_82 = vector.broadcast %broadcast_in_dim3A_81 : vector<1x32xf32> to vector<4096x32xf32>
    %add3A_83 = arith.addf %mul3A_80, %add3A_82 : vector<4096x32xf32>
    %max3A = arith.constant 0.000000e+00 : f32
    %max3A_84 = vector.broadcast %max3A : f32 to vector<4096x32xf32>
    %max3A_85 = arith.maximumf %add3A_83, %max3A_84 : vector<4096x32xf32>
    %dot_general3A_86 = arith.constant dense<0.000000e+00> : vector<4096x32xf32>
    %dot_general3A_87 = tpu.matmul %max3A_85, %get3A_42, %dot_general3A_86 {dimension_numbers = #tpu.dot_dimension_numbers<[1], [0], [0], [1], [0, 0, 1, 1], [], []>, transpose_lhs_hint = false} : vector<4096x32xf32>, vector<32x32xf32>, vector<4096x32xf32> -> vector<4096x32xf32>
    %broadcast_in_dim3A_88 = vector.shape_cast %get3A_44 : vector<32xf32> to vector<1x32xf32>
    %add3A_89 = vector.broadcast %broadcast_in_dim3A_88 : vector<1x32xf32> to vector<4096x32xf32>
    %add3A_90 = arith.addf %dot_general3A_87, %add3A_89 : vector<4096x32xf32>
    %reduce_sum3A_91 = arith.constant dense<0.000000e+00> : vector<4096xf32>
    %reduce_sum3A_92 = vector.multi_reduction <add>, %add3A_90, %reduce_sum3A_91 [1] : vector<4096x32xf32> to vector<4096xf32>
    %broadcast_in_dim3A_93 = vector.shape_cast %reduce_sum3A_92 : vector<4096xf32> to vector<4096x1xf32>
    %div3A_94 = arith.constant 3.200000e+01 : f32
    %div3A_95 = vector.broadcast %div3A_94 : f32 to vector<4096x1xf32>
    %div3A_96 = arith.divf %broadcast_in_dim3A_93, %div3A_95 : vector<4096x1xf32>
    %sub3A_97 = vector.broadcast %div3A_96 : vector<4096x1xf32> to vector<4096x32xf32>
    %sub3A_98 = arith.subf %add3A_90, %sub3A_97 : vector<4096x32xf32>
    %mul3A_99 = arith.mulf %sub3A_98, %sub3A_98 : vector<4096x32xf32>
    %reduce_sum3A_100 = arith.constant dense<0.000000e+00> : vector<4096xf32>
    %reduce_sum3A_101 = vector.multi_reduction <add>, %mul3A_99, %reduce_sum3A_100 [1] : vector<4096x32xf32> to vector<4096xf32>
    %broadcast_in_dim3A_102 = vector.shape_cast %reduce_sum3A_101 : vector<4096xf32> to vector<4096x1xf32>
    %div3A_103 = arith.constant 3.200000e+01 : f32
    %div3A_104 = vector.broadcast %div3A_103 : f32 to vector<4096x1xf32>
    %div3A_105 = arith.divf %broadcast_in_dim3A_102, %div3A_104 : vector<4096x1xf32>
    %add3A_106 = arith.constant 9.99999974E-6 : f32
    %add3A_107 = vector.broadcast %add3A_106 : f32 to vector<4096x1xf32>
    %add3A_108 = arith.addf %div3A_105, %add3A_107 : vector<4096x1xf32>
    %sqrt3A_109 = math.sqrt %add3A_108 : vector<4096x1xf32>
    %div3A_110 = vector.broadcast %sqrt3A_109 : vector<4096x1xf32> to vector<4096x32xf32>
    %div3A_111 = arith.divf %sub3A_98, %div3A_110 : vector<4096x32xf32>
    %broadcast_in_dim3A_112 = vector.shape_cast %get3A_46 : vector<32xf32> to vector<1x32xf32>
    %mul3A_113 = vector.broadcast %broadcast_in_dim3A_112 : vector<1x32xf32> to vector<4096x32xf32>
    %mul3A_114 = arith.mulf %div3A_111, %mul3A_113 : vector<4096x32xf32>
    %broadcast_in_dim3A_115 = vector.shape_cast %get3A_48 : vector<32xf32> to vector<1x32xf32>
    %add3A_116 = vector.broadcast %broadcast_in_dim3A_115 : vector<1x32xf32> to vector<4096x32xf32>
    %add3A_117 = arith.addf %mul3A_114, %add3A_116 : vector<4096x32xf32>
    %max3A_118 = arith.constant 0.000000e+00 : f32
    %max3A_119 = vector.broadcast %max3A_118 : f32 to vector<4096x32xf32>
    %max3A_120 = arith.maximumf %add3A_117, %max3A_119 : vector<4096x32xf32>
    %dot_general3A_121 = arith.constant dense<0.000000e+00> : vector<4096x32xf32>
    %dot_general3A_122 = tpu.matmul %max3A_120, %get3A_51, %dot_general3A_121 {dimension_numbers = #tpu.dot_dimension_numbers<[1], [0], [0], [1], [0, 0, 1, 1], [], []>, transpose_lhs_hint = false} : vector<4096x32xf32>, vector<32x32xf32>, vector<4096x32xf32> -> vector<4096x32xf32>
    %broadcast_in_dim3A_123 = vector.shape_cast %get3A_53 : vector<32xf32> to vector<1x32xf32>
    %add3A_124 = vector.broadcast %broadcast_in_dim3A_123 : vector<1x32xf32> to vector<4096x32xf32>
    %add3A_125 = arith.addf %dot_general3A_122, %add3A_124 : vector<4096x32xf32>
    %transpose3A = tpu.transpose %add3A_125, [1, 0] : vector<4096x32xf32> -> vector<32x4096xf32>
    %get3A_126 = arith.index_cast %select_n3A : i32 to index
    %get3A_127 = arith.constant 0 : index
    %get3A_128 = arith.constant 0 : index
    %get3A_129 = vector.load %arg3[%get3A_126, %get3A_127, %get3A_128] : memref<4x1x32xf32, #tpu.memory_space<vmem>>, vector<1x1x32xf32>
    %get3A_130 = vector.shape_cast %get3A_129 : vector<1x1x32xf32> to vector<1x32xf32>
    %get3A_131 = arith.constant 0 : index
    %get3A_132 = arith.constant 0 : index
    %get3A_133 = vector.load %arg2[%get3A_131, %get3A_132] : memref<4096x128xf32, #tpu.memory_space<vmem>>, vector<4096x128xf32>
    %broadcast_in_dim3A_134 = vector.shape_cast %get3A_130 : vector<1x32xf32> to vector<1x32xf32>
    %broadcast_in_dim3A_135 = vector.broadcast %broadcast_in_dim3A_134 : vector<1x32xf32> to vector<4096x32xf32>
    %concatenate3A = tpu.concatenate %get3A_133, %broadcast_in_dim3A_135 in 1 : vector<4096x128xf32>, vector<4096x32xf32> -> vector<4096x160xf32>
    %iota3A = tpu.iota {dimensions = array<i32: 0>} : vector<256x128xi32>
    %iota3A_136 = tpu.iota {dimensions = array<i32: 1>} : vector<256x128xi32>
    %jit3A_137 = arith.constant 8 : i32
    %eq3A_138 = arith.constant 0 : i32
    %eq3A_139 = arith.cmpi eq, %jit3A_137, %eq3A_138 : i32
    %jit3A_140 = arith.constant 1 : i32
    %select_n3A_141 = arith.select %eq3A_139, %jit3A_140, %jit3A_137 : i32
    %rem3A_142 = vector.broadcast %select_n3A_141 : i32 to vector<256x128xi32>
    %rem3A_143 = arith.remsi %iota3A, %rem3A_142 : vector<256x128xi32>
    %ne3A_144 = arith.constant 0 : i32
    %ne3A_145 = vector.broadcast %ne3A_144 : i32 to vector<256x128xi32>
    %ne3A_146 = arith.cmpi ne, %rem3A_143, %ne3A_145 : vector<256x128xi32>
    %lt3A_147 = arith.constant 0 : i32
    %lt3A_148 = vector.broadcast %lt3A_147 : i32 to vector<256x128xi32>
    %lt3A_149 = arith.cmpi slt, %rem3A_143, %lt3A_148 : vector<256x128xi32>
    %lt3A_150 = arith.constant 0 : i32
    %lt3A_151 = arith.cmpi slt, %select_n3A_141, %lt3A_150 : i32
    %ne3A_152 = vector.broadcast %lt3A_151 : i1 to vector<256x128xi1>
    %ne3A_153 = vector.broadcast %ne3A_152 : vector<256x128xi1> to vector<256x128xi1>
    %ne3A_154 = arith.xori %lt3A_149, %ne3A_153 : vector<256x128xi1>
    %and3A_155 = arith.andi %ne3A_154, %ne3A_146 : vector<256x128xi1>
    %add3A_156 = vector.broadcast %select_n3A_141 : i32 to vector<256x128xi32>
    %add3A_157 = arith.addi %rem3A_143, %add3A_156 : vector<256x128xi32>
    %select_n3A_158 = arith.select %and3A_155, %add3A_157, %rem3A_143 : vector<256x128xi1>, vector<256x128xi32>
    %jit3A_159 = arith.constant 16 : i32
    %div3A_160 = vector.broadcast %jit3A_159 : i32 to vector<256x128xi32>
    %div3A_161 = arith.divsi %iota3A_136, %div3A_160 : vector<256x128xi32>
    %sign3A_162 = arith.constant 0 : i32
    %sign3A_163 = vector.broadcast %sign3A_162 : i32 to vector<256x128xi32>
    %sign3A_164 = arith.cmpi sgt, %iota3A_136, %sign3A_163 : vector<256x128xi32>
    %sign3A_165 = arith.extui %sign3A_164 : vector<256x128xi1> to vector<256x128xi32>
    %sign3A_166 = arith.constant 0 : i32
    %sign3A_167 = vector.broadcast %sign3A_166 : i32 to vector<256x128xi32>
    %sign3A_168 = arith.cmpi slt, %iota3A_136, %sign3A_167 : vector<256x128xi32>
    %sign3A_169 = arith.extui %sign3A_168 : vector<256x128xi1> to vector<256x128xi32>
    %sign3A_170 = arith.subi %sign3A_165, %sign3A_169 : vector<256x128xi32>
    %sign3A_171 = arith.constant 0 : i32
    %sign3A_172 = arith.cmpi sgt, %jit3A_159, %sign3A_171 : i32
    %sign3A_173 = arith.extui %sign3A_172 : i1 to i32
    %sign3A_174 = arith.constant 0 : i32
    %sign3A_175 = arith.cmpi slt, %jit3A_159, %sign3A_174 : i32
    %sign3A_176 = arith.extui %sign3A_175 : i1 to i32
    %sign3A_177 = arith.subi %sign3A_173, %sign3A_176 : i32
    %ne3A_178 = vector.broadcast %sign3A_177 : i32 to vector<256x128xi32>
    %ne3A_179 = arith.cmpi ne, %sign3A_170, %ne3A_178 : vector<256x128xi32>
    %rem3A_180 = vector.broadcast %jit3A_159 : i32 to vector<256x128xi32>
    %rem3A_181 = arith.remsi %iota3A_136, %rem3A_180 : vector<256x128xi32>
    %ne3A_182 = arith.constant 0 : i32
    %ne3A_183 = vector.broadcast %ne3A_182 : i32 to vector<256x128xi32>
    %ne3A_184 = arith.cmpi ne, %rem3A_181, %ne3A_183 : vector<256x128xi32>
    %and3A_185 = arith.andi %ne3A_179, %ne3A_184 : vector<256x128xi1>
    %sub3A_186 = arith.constant 1 : i32
    %sub3A_187 = vector.broadcast %sub3A_186 : i32 to vector<256x128xi32>
    %sub3A_188 = arith.subi %div3A_161, %sub3A_187 : vector<256x128xi32>
    %select_n3A_189 = arith.select %and3A_185, %sub3A_188, %div3A_161 : vector<256x128xi1>, vector<256x128xi32>
    %eq3A_190 = arith.cmpi eq, %select_n3A_158, %select_n3A_189 : vector<256x128xi32>
    %slice3A = vector.extract_strided_slice %transpose3A {offsets = [0, 0], sizes = [32, 128], strides = [1, 1]} : vector<32x4096xf32> to vector<32x128xf32>
    %broadcast_in_dim3A_191 = vector.shape_cast %slice3A : vector<32x128xf32> to vector<32x1x128xf32>
    %broadcast_in_dim3A_192 = vector.shape_cast %broadcast_in_dim3A_191 : vector<32x1x128xf32> to vector<32x1x128xf32>
    %broadcast_in_dim3A_193 = vector.broadcast %broadcast_in_dim3A_192 : vector<32x1x128xf32> to vector<32x8x128xf32>
    %reshape3A = vector.shape_cast %broadcast_in_dim3A_193 : vector<32x8x128xf32> to vector<256x128xf32>
    %jit3A_194 = arith.constant 0.000000e+00 : f32
    %broadcast_in_dim3A_195 = vector.broadcast %jit3A_194 : f32 to vector<256x128xf32>
    %select_n3A_196 = arith.select %eq3A_190, %reshape3A, %broadcast_in_dim3A_195 : vector<256x128xi1>, vector<256x128xf32>
    %slice3A_197 = vector.extract_strided_slice %concatenate3A {offsets = [0, 0], sizes = [128, 160], strides = [1, 1]} : vector<4096x160xf32> to vector<128x160xf32>
    %dot_general3A_198 = arith.constant dense<0.000000e+00> : vector<256x160xf32>
    %dot_general3A_199 = tpu.matmul %select_n3A_196, %slice3A_197, %dot_general3A_198 {dimension_numbers = #tpu.dot_dimension_numbers<[1], [0], [0], [1], [0, 0, 1, 1], [], []>, transpose_lhs_hint = false} : vector<256x128xf32>, vector<128x160xf32>, vector<256x160xf32> -> vector<256x160xf32>
    %reshape3A_200 = vector.shape_cast %dot_general3A_199 : vector<256x160xf32> to vector<32x8x160xf32>
    %swap3A = arith.constant 0 : index
    %swap3A_201 = arith.constant 0 : index
    %swap3A_202 = arith.constant 0 : index
    %swap3A_203 = vector.load %arg23[%swap3A, %swap3A_201, %swap3A_202] : memref<32x256x160xf32, #tpu.memory_space<vmem>>, vector<32x8x160xf32>
    tpu.vector_store %arg23[%swap3A, %swap3A_201, %swap3A_202], %reshape3A_200 {strides = array<i32>} : memref<32x256x160xf32, #tpu.memory_space<vmem>>, vector<32x8x160xf32>,
    %slice3A_204 = vector.extract_strided_slice %transpose3A {offsets = [0, 128], sizes = [32, 128], strides = [1, 1]} : vector<32x4096xf32> to vector<32x128xf32>
    %broadcast_in_dim3A_205 = vector.shape_cast %slice3A_204 : vector<32x128xf32> to vector<32x1x128xf32>
    %broadcast_in_dim3A_206 = vector.shape_cast %broadcast_in_dim3A_205 : vector<32x1x128xf32> to vector<32x1x128xf32>
    %broadcast_in_dim3A_207 = vector.broadcast %broadcast_in_dim3A_206 : vector<32x1x128xf32> to vector<32x8x128xf32>
    %reshape3A_208 = vector.shape_cast %broadcast_in_dim3A_207 : vector<32x8x128xf32> to vector<256x128xf32>
    %jit3A_209 = arith.constant 0.000000e+00 : f32
    %broadcast_in_dim3A_210 = vector.broadcast %jit3A_209 : f32 to vector<256x128xf32>
    %select_n3A_211 = arith.select %eq3A_190, %reshape3A_208, %broadcast_in_dim3A_210 : vector<256x128xi1>, vector<256x128xf32>
    %slice3A_212 = vector.extract_strided_slice %concatenate3A {offsets = [128, 0], sizes = [128, 160], strides = [1, 1]} : vector<4096x160xf32> to vector<128x160xf32>
    %dot_general3A_213 = arith.constant dense<0.000000e+00> : vector<256x160xf32>
    %dot_general3A_214 = tpu.matmul %select_n3A_211, %slice3A_212, %dot_general3A_213 {dimension_numbers = #tpu.dot_dimension_numbers<[1], [0], [0], [1], [0, 0, 1, 1], [], []>, transpose_lhs_hint = false} : vector<256x128xf32>, vector<128x160xf32>, vector<256x160xf32> -> vector<256x160xf32>
    %reshape3A_215 = vector.shape_cast %dot_general3A_214 : vector<256x160xf32> to vector<32x8x160xf32>
    %swap3A_216 = arith.constant 0 : index
    %swap3A_217 = arith.constant 8 : index
    %swap3A_218 = arith.constant 0 : index
    %swap3A_219 = vector.load %arg23[%swap3A_216, %swap3A_217, %swap3A_218] : memref<32x256x160xf32, #tpu.memory_space<vmem>>, vector<32x8x160xf32>
    tpu.vector_store %arg23[%swap3A_216, %swap3A_217, %swap3A_218], %reshape3A_215 {strides = array<i32>} : memref<32x256x160xf32, #tpu.memory_space<vmem>>, vector<32x8x160xf32>,
    %slice3A_220 = vector.extract_strided_slice %transpose3A {offsets = [0, 256], sizes = [32, 128], strides = [1, 1]} : vector<32x4096xf32> to vector<32x128xf32>
    %broadcast_in_dim3A_221 = vector.shape_cast %slice3A_220 : vector<32x128xf32> to vector<32x1x128xf32>
    %broadcast_in_dim3A_222 = vector.shape_cast %broadcast_in_dim3A_221 : vector<32x1x128xf32> to vector<32x1x128xf32>
    %broadcast_in_dim3A_223 = vector.broadcast %broadcast_in_dim3A_222 : vector<32x1x128xf32> to vector<32x8x128xf32>
    %reshape3A_224 = vector.shape_cast %broadcast_in_dim3A_223 : vector<32x8x128xf32> to vector<256x128xf32>
    %jit3A_225 = arith.constant 0.000000e+00 : f32
    %broadcast_in_dim3A_226 = vector.broadcast %jit3A_225 : f32 to vector<256x128xf32>
    %select_n3A_227 = arith.select %eq3A_190, %reshape3A_224, %broadcast_in_dim3A_226 : vector<256x128xi1>, vector<256x128xf32>
    %slice3A_228 = vector.extract_strided_slice %concatenate3A {offsets = [256, 0], sizes = [128, 160], strides = [1, 1]} : vector<4096x160xf32> to vector<128x160xf32>
    %dot_general3A_229 = arith.constant dense<0.000000e+00> : vector<256x160xf32>
    %dot_general3A_230 = tpu.matmul %select_n3A_227, %slice3A_228, %dot_general3A_229 {dimension_numbers = #tpu.dot_dimension_numbers<[1], [0], [0], [1], [0, 0, 1, 1], [], []>, transpose_lhs_hint = false} : vector<256x128xf32>, vector<128x160xf32>, vector<256x160xf32> -> vector<256x160xf32>
    %reshape3A_231 = vector.shape_cast %dot_general3A_230 : vector<256x160xf32> to vector<32x8x160xf32>
    %swap3A_232 = arith.constant 0 : index
    %swap3A_233 = arith.constant 16 : index
    %swap3A_234 = arith.constant 0 : index
    %swap3A_235 = vector.load %arg23[%swap3A_232, %swap3A_233, %swap3A_234] : memref<32x256x160xf32, #tpu.memory_space<vmem>>, vector<32x8x160xf32>
    tpu.vector_store %arg23[%swap3A_232, %swap3A_233, %swap3A_234], %reshape3A_231 {strides = array<i32>} : memref<32x256x160xf32, #tpu.memory_space<vmem>>, vector<32x8x160xf32>,
    %slice3A_236 = vector.extract_strided_slice %transpose3A {offsets = [0, 384], sizes = [32, 128], strides = [1, 1]} : vector<32x4096xf32> to vector<32x128xf32>
    %broadcast_in_dim3A_237 = vector.shape_cast %slice3A_236 : vector<32x128xf32> to vector<32x1x128xf32>
    %broadcast_in_dim3A_238 = vector.shape_cast %broadcast_in_dim3A_237 : vector<32x1x128xf32> to vector<32x1x128xf32>
    %broadcast_in_dim3A_239 = vector.broadcast %broadcast_in_dim3A_238 : vector<32x1x128xf32> to vector<32x8x128xf32>
    %reshape3A_240 = vector.shape_cast %broadcast_in_dim3A_239 : vector<32x8x128xf32> to vector<256x128xf32>
    %jit3A_241 = arith.constant 0.000000e+00 : f32
    %broadcast_in_dim3A_242 = vector.broadcast %jit3A_241 : f32 to vector<256x128xf32>
    %select_n3A_243 = arith.select %eq3A_190, %reshape3A_240, %broadcast_in_dim3A_242 : vector<256x128xi1>, vector<256x128xf32>
    %slice3A_244 = vector.extract_strided_slice %concatenate3A {offsets = [384, 0], sizes = [128, 160], strides = [1, 1]} : vector<4096x160xf32> to vector<128x160xf32>
    %dot_general3A_245 = arith.constant dense<0.000000e+00> : vector<256x160xf32>
    %dot_general3A_246 = tpu.matmul %select_n3A_243, %slice3A_244, %dot_general3A_245 {dimension_numbers = #tpu.dot_dimension_numbers<[1], [0], [0], [1], [0, 0, 1, 1], [], []>, transpose_lhs_hint = false} : vector<256x128xf32>, vector<128x160xf32>, vector<256x160xf32> -> vector<256x160xf32>
    %reshape3A_247 = vector.shape_cast %dot_general3A_246 : vector<256x160xf32> to vector<32x8x160xf32>
    %swap3A_248 = arith.constant 0 : index
    %swap3A_249 = arith.constant 24 : index
    %swap3A_250 = arith.constant 0 : index
    %swap3A_251 = vector.load %arg23[%swap3A_248, %swap3A_249, %swap3A_250] : memref<32x256x160xf32, #tpu.memory_space<vmem>>, vector<32x8x160xf32>
    tpu.vector_store %arg23[%swap3A_248, %swap3A_249, %swap3A_250], %reshape3A_247 {strides = array<i32>} : memref<32x256x160xf32, #tpu.memory_space<vmem>>, vector<32x8x160xf32>,
    %slice3A_252 = vector.extract_strided_slice %transpose3A {offsets = [0, 512], sizes = [32, 128], strides = [1, 1]} : vector<32x4096xf32> to vector<32x128xf32>
    %broadcast_in_dim3A_253 = vector.shape_cast %slice3A_252 : vector<32x128xf32> to vector<32x1x128xf32>
    %broadcast_in_dim3A_254 = vector.shape_cast %broadcast_in_dim3A_253 : vector<32x1x128xf32> to vector<32x1x128xf32>
    %broadcast_in_dim3A_255 = vector.broadcast %broadcast_in_dim3A_254 : vector<32x1x128xf32> to vector<32x8x128xf32>
    %reshape3A_256 = vector.shape_cast %broadcast_in_dim3A_255 : vector<32x8x128xf32> to vector<256x128xf32>
    %jit3A_257 = arith.constant 0.000000e+00 : f32
    %broadcast_in_dim3A_258 = vector.broadcast %jit3A_257 : f32 to vector<256x128xf32>
    %select_n3A_259 = arith.select %eq3A_190, %reshape3A_256, %broadcast_in_dim3A_258 : vector<256x128xi1>, vector<256x128xf32>
    %slice3A_260 = vector.extract_strided_slice %concatenate3A {offsets = [512, 0], sizes = [128, 160], strides = [1, 1]} : vector<4096x160xf32> to vector<128x160xf32>
    %dot_general3A_261 = arith.constant dense<0.000000e+00> : vector<256x160xf32>
    %dot_general3A_262 = tpu.matmul %select_n3A_259, %slice3A_260, %dot_general3A_261 {dimension_numbers = #tpu.dot_dimension_numbers<[1], [0], [0], [1], [0, 0, 1, 1], [], []>, transpose_lhs_hint = false} : vector<256x128xf32>, vector<128x160xf32>, vector<256x160xf32> -> vector<256x160xf32>
    %reshape3A_263 = vector.shape_cast %dot_general3A_262 : vector<256x160xf32> to vector<32x8x160xf32>
    %swap3A_264 = arith.constant 0 : index
    %swap3A_265 = arith.constant 32 : index
    %swap3A_266 = arith.constant 0 : index
    %swap3A_267 = vector.load %arg23[%swap3A_264, %swap3A_265, %swap3A_266] : memref<32x256x160xf32, #tpu.memory_space<vmem>>, vector<32x8x160xf32>
    tpu.vector_store %arg23[%swap3A_264, %swap3A_265, %swap3A_266], %reshape3A_263 {strides = array<i32>} : memref<32x256x160xf32, #tpu.memory_space<vmem>>, vector<32x8x160xf32>,
    %slice3A_268 = vector.extract_strided_slice %transpose3A {offsets = [0, 640], sizes = [32, 128], strides = [1, 1]} : vector<32x4096xf32> to vector<32x128xf32>
    %broadcast_in_dim3A_269 = vector.shape_cast %slice3A_268 : vector<32x128xf32> to vector<32x1x128xf32>
    %broadcast_in_dim3A_270 = vector.shape_cast %broadcast_in_dim3A_269 : vector<32x1x128xf32> to vector<32x1x128xf32>
    %broadcast_in_dim3A_271 = vector.broadcast %broadcast_in_dim3A_270 : vector<32x1x128xf32> to vector<32x8x128xf32>
    %reshape3A_272 = vector.shape_cast %broadcast_in_dim3A_271 : vector<32x8x128xf32> to vector<256x128xf32>
    %jit3A_273 = arith.constant 0.000000e+00 : f32
    %broadcast_in_dim3A_274 = vector.broadcast %jit3A_273 : f32 to vector<256x128xf32>
    %select_n3A_275 = arith.select %eq3A_190, %reshape3A_272, %broadcast_in_dim3A_274 : vector<256x128xi1>, vector<256x128xf32>
    %slice3A_276 = vector.extract_strided_slice %concatenate3A {offsets = [640, 0], sizes = [128, 160], strides = [1, 1]} : vector<4096x160xf32> to vector<128x160xf32>
    %dot_general3A_277 = arith.constant dense<0.000000e+00> : vector<256x160xf32>
    %dot_general3A_278 = tpu.matmul %select_n3A_275, %slice3A_276, %dot_general3A_277 {dimension_numbers = #tpu.dot_dimension_numbers<[1], [0], [0], [1], [0, 0, 1, 1], [], []>, transpose_lhs_hint = false} : vector<256x128xf32>, vector<128x160xf32>, vector<256x160xf32> -> vector<256x160xf32>
    %reshape3A_279 = vector.shape_cast %dot_general3A_278 : vector<256x160xf32> to vector<32x8x160xf32>
    %swap3A_280 = arith.constant 0 : index
    %swap3A_281 = arith.constant 40 : index
    %swap3A_282 = arith.constant 0 : index
    %swap3A_283 = vector.load %arg23[%swap3A_280, %swap3A_281, %swap3A_282] : memref<32x256x160xf32, #tpu.memory_space<vmem>>, vector<32x8x160xf32>
    tpu.vector_store %arg23[%swap3A_280, %swap3A_281, %swap3A_282], %reshape3A_279 {strides = array<i32>} : memref<32x256x160xf32, #tpu.memory_space<vmem>>, vector<32x8x160xf32>,
    %slice3A_284 = vector.extract_strided_slice %transpose3A {offsets = [0, 768], sizes = [32, 128], strides = [1, 1]} : vector<32x4096xf32> to vector<32x128xf32>
    %broadcast_in_dim3A_285 = vector.shape_cast %slice3A_284 : vector<32x128xf32> to vector<32x1x128xf32>
    %broadcast_in_dim3A_286 = vector.shape_cast %broadcast_in_dim3A_285 : vector<32x1x128xf32> to vector<32x1x128xf32>
    %broadcast_in_dim3A_287 = vector.broadcast %broadcast_in_dim3A_286 : vector<32x1x128xf32> to vector<32x8x128xf32>
    %reshape3A_288 = vector.shape_cast %broadcast_in_dim3A_287 : vector<32x8x128xf32> to vector<256x128xf32>
    %jit3A_289 = arith.constant 0.000000e+00 : f32
    %broadcast_in_dim3A_290 = vector.broadcast %jit3A_289 : f32 to vector<256x128xf32>
    %select_n3A_291 = arith.select %eq3A_190, %reshape3A_288, %broadcast_in_dim3A_290 : vector<256x128xi1>, vector<256x128xf32>
    %slice3A_292 = vector.extract_strided_slice %concatenate3A {offsets = [768, 0], sizes = [128, 160], strides = [1, 1]} : vector<4096x160xf32> to vector<128x160xf32>
    %dot_general3A_293 = arith.constant dense<0.000000e+00> : vector<256x160xf32>
    %dot_general3A_294 = tpu.matmul %select_n3A_291, %slice3A_292, %dot_general3A_293 {dimension_numbers = #tpu.dot_dimension_numbers<[1], [0], [0], [1], [0, 0, 1, 1], [], []>, transpose_lhs_hint = false} : vector<256x128xf32>, vector<128x160xf32>, vector<256x160xf32> -> vector<256x160xf32>
    %reshape3A_295 = vector.shape_cast %dot_general3A_294 : vector<256x160xf32> to vector<32x8x160xf32>
    %swap3A_296 = arith.constant 0 : index
    %swap3A_297 = arith.constant 48 : index
    %swap3A_298 = arith.constant 0 : index
    %swap3A_299 = vector.load %arg23[%swap3A_296, %swap3A_297, %swap3A_298] : memref<32x256x160xf32, #tpu.memory_space<vmem>>, vector<32x8x160xf32>
    tpu.vector_store %arg23[%swap3A_296, %swap3A_297, %swap3A_298], %reshape3A_295 {strides = array<i32>} : memref<32x256x160xf32, #tpu.memory_space<vmem>>, vector<32x8x160xf32>,
    %slice3A_300 = vector.extract_strided_slice %transpose3A {offsets = [0, 896], sizes = [32, 128], strides = [1, 1]} : vector<32x4096xf32> to vector<32x128xf32>
    %broadcast_in_dim3A_301 = vector.shape_cast %slice3A_300 : vector<32x128xf32> to vector<32x1x128xf32>
    %broadcast_in_dim3A_302 = vector.shape_cast %broadcast_in_dim3A_301 : vector<32x1x128xf32> to vector<32x1x128xf32>
    %broadcast_in_dim3A_303 = vector.broadcast %broadcast_in_dim3A_302 : vector<32x1x128xf32> to vector<32x8x128xf32>
    %reshape3A_304 = vector.shape_cast %broadcast_in_dim3A_303 : vector<32x8x128xf32> to vector<256x128xf32>
    %jit3A_305 = arith.constant 0.000000e+00 : f32
    %broadcast_in_dim3A_306 = vector.broadcast %jit3A_305 : f32 to vector<256x128xf32>
    %select_n3A_307 = arith.select %eq3A_190, %reshape3A_304, %broadcast_in_dim3A_306 : vector<256x128xi1>, vector<256x128xf32>
    %slice3A_308 = vector.extract_strided_slice %concatenate3A {offsets = [896, 0], sizes = [128, 160], strides = [1, 1]} : vector<4096x160xf32> to vector<128x160xf32>
    %dot_general3A_309 = arith.constant dense<0.000000e+00> : vector<256x160xf32>
    %dot_general3A_310 = tpu.matmul %select_n3A_307, %slice3A_308, %dot_general3A_309 {dimension_numbers = #tpu.dot_dimension_numbers<[1], [0], [0], [1], [0, 0, 1, 1], [], []>, transpose_lhs_hint = false} : vector<256x128xf32>, vector<128x160xf32>, vector<256x160xf32> -> vector<256x160xf32>
    %reshape3A_311 = vector.shape_cast %dot_general3A_310 : vector<256x160xf32> to vector<32x8x160xf32>
    %swap3A_312 = arith.constant 0 : index
    %swap3A_313 = arith.constant 56 : index
    %swap3A_314 = arith.constant 0 : index
    %swap3A_315 = vector.load %arg23[%swap3A_312, %swap3A_313, %swap3A_314] : memref<32x256x160xf32, #tpu.memory_space<vmem>>, vector<32x8x160xf32>
    tpu.vector_store %arg23[%swap3A_312, %swap3A_313, %swap3A_314], %reshape3A_311 {strides = array<i32>} : memref<32x256x160xf32, #tpu.memory_space<vmem>>, vector<32x8x160xf32>,
    %slice3A_316 = vector.extract_strided_slice %transpose3A {offsets = [0, 1024], sizes = [32, 128], strides = [1, 1]} : vector<32x4096xf32> to vector<32x128xf32>
    %broadcast_in_dim3A_317 = vector.shape_cast %slice3A_316 : vector<32x128xf32> to vector<32x1x128xf32>
    %broadcast_in_dim3A_318 = vector.shape_cast %broadcast_in_dim3A_317 : vector<32x1x128xf32> to vector<32x1x128xf32>
    %broadcast_in_dim3A_319 = vector.broadcast %broadcast_in_dim3A_318 : vector<32x1x128xf32> to vector<32x8x128xf32>
    %reshape3A_320 = vector.shape_cast %broadcast_in_dim3A_319 : vector<32x8x128xf32> to vector<256x128xf32>
    %jit3A_321 = arith.constant 0.000000e+00 : f32
    %broadcast_in_dim3A_322 = vector.broadcast %jit3A_321 : f32 to vector<256x128xf32>
    %select_n3A_323 = arith.select %eq3A_190, %reshape3A_320, %broadcast_in_dim3A_322 : vector<256x128xi1>, vector<256x128xf32>
    %slice3A_324 = vector.extract_strided_slice %concatenate3A {offsets = [1024, 0], sizes = [128, 160], strides = [1, 1]} : vector<4096x160xf32> to vector<128x160xf32>
    %dot_general3A_325 = arith.constant dense<0.000000e+00> : vector<256x160xf32>
    %dot_general3A_326 = tpu.matmul %select_n3A_323, %slice3A_324, %dot_general3A_325 {dimension_numbers = #tpu.dot_dimension_numbers<[1], [0], [0], [1], [0, 0, 1, 1], [], []>, transpose_lhs_hint = false} : vector<256x128xf32>, vector<128x160xf32>, vector<256x160xf32> -> vector<256x160xf32>
    %reshape3A_327 = vector.shape_cast %dot_general3A_326 : vector<256x160xf32> to vector<32x8x160xf32>
    %swap3A_328 = arith.constant 0 : index
    %swap3A_329 = arith.constant 64 : index
    %swap3A_330 = arith.constant 0 : index
    %swap3A_331 = vector.load %arg23[%swap3A_328, %swap3A_329, %swap3A_330] : memref<32x256x160xf32, #tpu.memory_space<vmem>>, vector<32x8x160xf32>
    tpu.vector_store %arg23[%swap3A_328, %swap3A_329, %swap3A_330], %reshape3A_327 {strides = array<i32>} : memref<32x256x160xf32, #tpu.memory_space<vmem>>, vector<32x8x160xf32>,
    %slice3A_332 = vector.extract_strided_slice %transpose3A {offsets = [0, 1152], sizes = [32, 128], strides = [1, 1]} : vector<32x4096xf32> to vector<32x128xf32>
    %broadcast_in_dim3A_333 = vector.shape_cast %slice3A_332 : vector<32x128xf32> to vector<32x1x128xf32>
    %broadcast_in_dim3A_334 = vector.shape_cast %broadcast_in_dim3A_333 : vector<32x1x128xf32> to vector<32x1x128xf32>
    %broadcast_in_dim3A_335 = vector.broadcast %broadcast_in_dim3A_334 : vector<32x1x128xf32> to vector<32x8x128xf32>
    %reshape3A_336 = vector.shape_cast %broadcast_in_dim3A_335 : vector<32x8x128xf32> to vector<256x128xf32>
    %jit3A_337 = arith.constant 0.000000e+00 : f32
    %broadcast_in_dim3A_338 = vector.broadcast %jit3A_337 : f32 to vector<256x128xf32>
    %select_n3A_339 = arith.select %eq3A_190, %reshape3A_336, %broadcast_in_dim3A_338 : vector<256x128xi1>, vector<256x128xf32>
    %slice3A_340 = vector.extract_strided_slice %concatenate3A {offsets = [1152, 0], sizes = [128, 160], strides = [1, 1]} : vector<4096x160xf32> to vector<128x160xf32>
    %dot_general3A_341 = arith.constant dense<0.000000e+00> : vector<256x160xf32>
    %dot_general3A_342 = tpu.matmul %select_n3A_339, %slice3A_340, %dot_general3A_341 {dimension_numbers = #tpu.dot_dimension_numbers<[1], [0], [0], [1], [0, 0, 1, 1], [], []>, transpose_lhs_hint = false} : vector<256x128xf32>, vector<128x160xf32>, vector<256x160xf32> -> vector<256x160xf32>
    %reshape3A_343 = vector.shape_cast %dot_general3A_342 : vector<256x160xf32> to vector<32x8x160xf32>
    %swap3A_344 = arith.constant 0 : index
    %swap3A_345 = arith.constant 72 : index
    %swap3A_346 = arith.constant 0 : index
    %swap3A_347 = vector.load %arg23[%swap3A_344, %swap3A_345, %swap3A_346] : memref<32x256x160xf32, #tpu.memory_space<vmem>>, vector<32x8x160xf32>
    tpu.vector_store %arg23[%swap3A_344, %swap3A_345, %swap3A_346], %reshape3A_343 {strides = array<i32>} : memref<32x256x160xf32, #tpu.memory_space<vmem>>, vector<32x8x160xf32>,
    %slice3A_348 = vector.extract_strided_slice %transpose3A {offsets = [0, 1280], sizes = [32, 128], strides = [1, 1]} : vector<32x4096xf32> to vector<32x128xf32>
    %broadcast_in_dim3A_349 = vector.shape_cast %slice3A_348 : vector<32x128xf32> to vector<32x1x128xf32>
    %broadcast_in_dim3A_350 = vector.shape_cast %broadcast_in_dim3A_349 : vector<32x1x128xf32> to vector<32x1x128xf32>
    %broadcast_in_dim3A_351 = vector.broadcast %broadcast_in_dim3A_350 : vector<32x1x128xf32> to vector<32x8x128xf32>
    %reshape3A_352 = vector.shape_cast %broadcast_in_dim3A_351 : vector<32x8x128xf32> to vector<256x128xf32>
    %jit3A_353 = arith.constant 0.000000e+00 : f32
    %broadcast_in_dim3A_354 = vector.broadcast %jit3A_353 : f32 to vector<256x128xf32>
    %select_n3A_355 = arith.select %eq3A_190, %reshape3A_352, %broadcast_in_dim3A_354 : vector<256x128xi1>, vector<256x128xf32>
    %slice3A_356 = vector.extract_strided_slice %concatenate3A {offsets = [1280, 0], sizes = [128, 160], strides = [1, 1]} : vector<4096x160xf32> to vector<128x160xf32>
    %dot_general3A_357 = arith.constant dense<0.000000e+00> : vector<256x160xf32>
    %dot_general3A_358 = tpu.matmul %select_n3A_355, %slice3A_356, %dot_general3A_357 {dimension_numbers = #tpu.dot_dimension_numbers<[1], [0], [0], [1], [0, 0, 1, 1], [], []>, transpose_lhs_hint = false} : vector<256x128xf32>, vector<128x160xf32>, vector<256x160xf32> -> vector<256x160xf32>
    %reshape3A_359 = vector.shape_cast %dot_general3A_358 : vector<256x160xf32> to vector<32x8x160xf32>
    %swap3A_360 = arith.constant 0 : index
    %swap3A_361 = arith.constant 80 : index
    %swap3A_362 = arith.constant 0 : index
    %swap3A_363 = vector.load %arg23[%swap3A_360, %swap3A_361, %swap3A_362] : memref<32x256x160xf32, #tpu.memory_space<vmem>>, vector<32x8x160xf32>
    tpu.vector_store %arg23[%swap3A_360, %swap3A_361, %swap3A_362], %reshape3A_359 {strides = array<i32>} : memref<32x256x160xf32, #tpu.memory_space<vmem>>, vector<32x8x160xf32>,
    %slice3A_364 = vector.extract_strided_slice %transpose3A {offsets = [0, 1408], sizes = [32, 128], strides = [1, 1]} : vector<32x4096xf32> to vector<32x128xf32>
    %broadcast_in_dim3A_365 = vector.shape_cast %slice3A_364 : vector<32x128xf32> to vector<32x1x128xf32>
    %broadcast_in_dim3A_366 = vector.shape_cast %broadcast_in_dim3A_365 : vector<32x1x128xf32> to vector<32x1x128xf32>
    %broadcast_in_dim3A_367 = vector.broadcast %broadcast_in_dim3A_366 : vector<32x1x128xf32> to vector<32x8x128xf32>
    %reshape3A_368 = vector.shape_cast %broadcast_in_dim3A_367 : vector<32x8x128xf32> to vector<256x128xf32>
    %jit3A_369 = arith.constant 0.000000e+00 : f32
    %broadcast_in_dim3A_370 = vector.broadcast %jit3A_369 : f32 to vector<256x128xf32>
    %select_n3A_371 = arith.select %eq3A_190, %reshape3A_368, %broadcast_in_dim3A_370 : vector<256x128xi1>, vector<256x128xf32>
    %slice3A_372 = vector.extract_strided_slice %concatenate3A {offsets = [1408, 0], sizes = [128, 160], strides = [1, 1]} : vector<4096x160xf32> to vector<128x160xf32>
    %dot_general3A_373 = arith.constant dense<0.000000e+00> : vector<256x160xf32>
    %dot_general3A_374 = tpu.matmul %select_n3A_371, %slice3A_372, %dot_general3A_373 {dimension_numbers = #tpu.dot_dimension_numbers<[1], [0], [0], [1], [0, 0, 1, 1], [], []>, transpose_lhs_hint = false} : vector<256x128xf32>, vector<128x160xf32>, vector<256x160xf32> -> vector<256x160xf32>
    %reshape3A_375 = vector.shape_cast %dot_general3A_374 : vector<256x160xf32> to vector<32x8x160xf32>
    %swap3A_376 = arith.constant 0 : index
    %swap3A_377 = arith.constant 88 : index
    %swap3A_378 = arith.constant 0 : index
    %swap3A_379 = vector.load %arg23[%swap3A_376, %swap3A_377, %swap3A_378] : memref<32x256x160xf32, #tpu.memory_space<vmem>>, vector<32x8x160xf32>
    tpu.vector_store %arg23[%swap3A_376, %swap3A_377, %swap3A_378], %reshape3A_375 {strides = array<i32>} : memref<32x256x160xf32, #tpu.memory_space<vmem>>, vector<32x8x160xf32>,
    %slice3A_380 = vector.extract_strided_slice %transpose3A {offsets = [0, 1536], sizes = [32, 128], strides = [1, 1]} : vector<32x4096xf32> to vector<32x128xf32>
    %broadcast_in_dim3A_381 = vector.shape_cast %slice3A_380 : vector<32x128xf32> to vector<32x1x128xf32>
    %broadcast_in_dim3A_382 = vector.shape_cast %broadcast_in_dim3A_381 : vector<32x1x128xf32> to vector<32x1x128xf32>
    %broadcast_in_dim3A_383 = vector.broadcast %broadcast_in_dim3A_382 : vector<32x1x128xf32> to vector<32x8x128xf32>
    %reshape3A_384 = vector.shape_cast %broadcast_in_dim3A_383 : vector<32x8x128xf32> to vector<256x128xf32>
    %jit3A_385 = arith.constant 0.000000e+00 : f32
    %broadcast_in_dim3A_386 = vector.broadcast %jit3A_385 : f32 to vector<256x128xf32>
    %select_n3A_387 = arith.select %eq3A_190, %reshape3A_384, %broadcast_in_dim3A_386 : vector<256x128xi1>, vector<256x128xf32>
    %slice3A_388 = vector.extract_strided_slice %concatenate3A {offsets = [1536, 0], sizes = [128, 160], strides = [1, 1]} : vector<4096x160xf32> to vector<128x160xf32>
    %dot_general3A_389 = arith.constant dense<0.000000e+00> : vector<256x160xf32>
    %dot_general3A_390 = tpu.matmul %select_n3A_387, %slice3A_388, %dot_general3A_389 {dimension_numbers = #tpu.dot_dimension_numbers<[1], [0], [0], [1], [0, 0, 1, 1], [], []>, transpose_lhs_hint = false} : vector<256x128xf32>, vector<128x160xf32>, vector<256x160xf32> -> vector<256x160xf32>
    %reshape3A_391 = vector.shape_cast %dot_general3A_390 : vector<256x160xf32> to vector<32x8x160xf32>
    %swap3A_392 = arith.constant 0 : index
    %swap3A_393 = arith.constant 96 : index
    %swap3A_394 = arith.constant 0 : index
    %swap3A_395 = vector.load %arg23[%swap3A_392, %swap3A_393, %swap3A_394] : memref<32x256x160xf32, #tpu.memory_space<vmem>>, vector<32x8x160xf32>
    tpu.vector_store %arg23[%swap3A_392, %swap3A_393, %swap3A_394], %reshape3A_391 {strides = array<i32>} : memref<32x256x160xf32, #tpu.memory_space<vmem>>, vector<32x8x160xf32>,
    %slice3A_396 = vector.extract_strided_slice %transpose3A {offsets = [0, 1664], sizes = [32, 128], strides = [1, 1]} : vector<32x4096xf32> to vector<32x128xf32>
    %broadcast_in_dim3A_397 = vector.shape_cast %slice3A_396 : vector<32x128xf32> to vector<32x1x128xf32>
    %broadcast_in_dim3A_398 = vector.shape_cast %broadcast_in_dim3A_397 : vector<32x1x128xf32> to vector<32x1x128xf32>
    %broadcast_in_dim3A_399 = vector.broadcast %broadcast_in_dim3A_398 : vector<32x1x128xf32> to vector<32x8x128xf32>
    %reshape3A_400 = vector.shape_cast %broadcast_in_dim3A_399 : vector<32x8x128xf32> to vector<256x128xf32>
    %jit3A_401 = arith.constant 0.000000e+00 : f32
    %broadcast_in_dim3A_402 = vector.broadcast %jit3A_401 : f32 to vector<256x128xf32>
    %select_n3A_403 = arith.select %eq3A_190, %reshape3A_400, %broadcast_in_dim3A_402 : vector<256x128xi1>, vector<256x128xf32>
    %slice3A_404 = vector.extract_strided_slice %concatenate3A {offsets = [1664, 0], sizes = [128, 160], strides = [1, 1]} : vector<4096x160xf32> to vector<128x160xf32>
    %dot_general3A_405 = arith.constant dense<0.000000e+00> : vector<256x160xf32>
    %dot_general3A_406 = tpu.matmul %select_n3A_403, %slice3A_404, %dot_general3A_405 {dimension_numbers = #tpu.dot_dimension_numbers<[1], [0], [0], [1], [0, 0, 1, 1], [], []>, transpose_lhs_hint = false} : vector<256x128xf32>, vector<128x160xf32>, vector<256x160xf32> -> vector<256x160xf32>
    %reshape3A_407 = vector.shape_cast %dot_general3A_406 : vector<256x160xf32> to vector<32x8x160xf32>
    %swap3A_408 = arith.constant 0 : index
    %swap3A_409 = arith.constant 104 : index
    %swap3A_410 = arith.constant 0 : index
    %swap3A_411 = vector.load %arg23[%swap3A_408, %swap3A_409, %swap3A_410] : memref<32x256x160xf32, #tpu.memory_space<vmem>>, vector<32x8x160xf32>
    tpu.vector_store %arg23[%swap3A_408, %swap3A_409, %swap3A_410], %reshape3A_407 {strides = array<i32>} : memref<32x256x160xf32, #tpu.memory_space<vmem>>, vector<32x8x160xf32>,
    %slice3A_412 = vector.extract_strided_slice %transpose3A {offsets = [0, 1792], sizes = [32, 128], strides = [1, 1]} : vector<32x4096xf32> to vector<32x128xf32>
    %broadcast_in_dim3A_413 = vector.shape_cast %slice3A_412 : vector<32x128xf32> to vector<32x1x128xf32>
    %broadcast_in_dim3A_414 = vector.shape_cast %broadcast_in_dim3A_413 : vector<32x1x128xf32> to vector<32x1x128xf32>
    %broadcast_in_dim3A_415 = vector.broadcast %broadcast_in_dim3A_414 : vector<32x1x128xf32> to vector<32x8x128xf32>
    %reshape3A_416 = vector.shape_cast %broadcast_in_dim3A_415 : vector<32x8x128xf32> to vector<256x128xf32>
    %jit3A_417 = arith.constant 0.000000e+00 : f32
    %broadcast_in_dim3A_418 = vector.broadcast %jit3A_417 : f32 to vector<256x128xf32>
    %select_n3A_419 = arith.select %eq3A_190, %reshape3A_416, %broadcast_in_dim3A_418 : vector<256x128xi1>, vector<256x128xf32>
    %slice3A_420 = vector.extract_strided_slice %concatenate3A {offsets = [1792, 0], sizes = [128, 160], strides = [1, 1]} : vector<4096x160xf32> to vector<128x160xf32>
    %dot_general3A_421 = arith.constant dense<0.000000e+00> : vector<256x160xf32>
    %dot_general3A_422 = tpu.matmul %select_n3A_419, %slice3A_420, %dot_general3A_421 {dimension_numbers = #tpu.dot_dimension_numbers<[1], [0], [0], [1], [0, 0, 1, 1], [], []>, transpose_lhs_hint = false} : vector<256x128xf32>, vector<128x160xf32>, vector<256x160xf32> -> vector<256x160xf32>
    %reshape3A_423 = vector.shape_cast %dot_general3A_422 : vector<256x160xf32> to vector<32x8x160xf32>
    %swap3A_424 = arith.constant 0 : index
    %swap3A_425 = arith.constant 112 : index
    %swap3A_426 = arith.constant 0 : index
    %swap3A_427 = vector.load %arg23[%swap3A_424, %swap3A_425, %swap3A_426] : memref<32x256x160xf32, #tpu.memory_space<vmem>>, vector<32x8x160xf32>
    tpu.vector_store %arg23[%swap3A_424, %swap3A_425, %swap3A_426], %reshape3A_423 {strides = array<i32>} : memref<32x256x160xf32, #tpu.memory_space<vmem>>, vector<32x8x160xf32>,
    %slice3A_428 = vector.extract_strided_slice %transpose3A {offsets = [0, 1920], sizes = [32, 128], strides = [1, 1]} : vector<32x4096xf32> to vector<32x128xf32>
    %broadcast_in_dim3A_429 = vector.shape_cast %slice3A_428 : vector<32x128xf32> to vector<32x1x128xf32>
    %broadcast_in_dim3A_430 = vector.shape_cast %broadcast_in_dim3A_429 : vector<32x1x128xf32> to vector<32x1x128xf32>
    %broadcast_in_dim3A_431 = vector.broadcast %broadcast_in_dim3A_430 : vector<32x1x128xf32> to vector<32x8x128xf32>
    %reshape3A_432 = vector.shape_cast %broadcast_in_dim3A_431 : vector<32x8x128xf32> to vector<256x128xf32>
    %jit3A_433 = arith.constant 0.000000e+00 : f32
    %broadcast_in_dim3A_434 = vector.broadcast %jit3A_433 : f32 to vector<256x128xf32>
    %select_n3A_435 = arith.select %eq3A_190, %reshape3A_432, %broadcast_in_dim3A_434 : vector<256x128xi1>, vector<256x128xf32>
    %slice3A_436 = vector.extract_strided_slice %concatenate3A {offsets = [1920, 0], sizes = [128, 160], strides = [1, 1]} : vector<4096x160xf32> to vector<128x160xf32>
    %dot_general3A_437 = arith.constant dense<0.000000e+00> : vector<256x160xf32>
    %dot_general3A_438 = tpu.matmul %select_n3A_435, %slice3A_436, %dot_general3A_437 {dimension_numbers = #tpu.dot_dimension_numbers<[1], [0], [0], [1], [0, 0, 1, 1], [], []>, transpose_lhs_hint = false} : vector<256x128xf32>, vector<128x160xf32>, vector<256x160xf32> -> vector<256x160xf32>
    %reshape3A_439 = vector.shape_cast %dot_general3A_438 : vector<256x160xf32> to vector<32x8x160xf32>
    %swap3A_440 = arith.constant 0 : index
    %swap3A_441 = arith.constant 120 : index
    %swap3A_442 = arith.constant 0 : index
    %swap3A_443 = vector.load %arg23[%swap3A_440, %swap3A_441, %swap3A_442] : memref<32x256x160xf32, #tpu.memory_space<vmem>>, vector<32x8x160xf32>
    tpu.vector_store %arg23[%swap3A_440, %swap3A_441, %swap3A_442], %reshape3A_439 {strides = array<i32>} : memref<32x256x160xf32, #tpu.memory_space<vmem>>, vector<32x8x160xf32>,
    %slice3A_444 = vector.extract_strided_slice %transpose3A {offsets = [0, 2048], sizes = [32, 128], strides = [1, 1]} : vector<32x4096xf32> to vector<32x128xf32>
    %broadcast_in_dim3A_445 = vector.shape_cast %slice3A_444 : vector<32x128xf32> to vector<32x1x128xf32>
    %broadcast_in_dim3A_446 = vector.shape_cast %broadcast_in_dim3A_445 : vector<32x1x128xf32> to vector<32x1x128xf32>
    %broadcast_in_dim3A_447 = vector.broadcast %broadcast_in_dim3A_446 : vector<32x1x128xf32> to vector<32x8x128xf32>
    %reshape3A_448 = vector.shape_cast %broadcast_in_dim3A_447 : vector<32x8x128xf32> to vector<256x128xf32>
    %jit3A_449 = arith.constant 0.000000e+00 : f32
    %broadcast_in_dim3A_450 = vector.broadcast %jit3A_449 : f32 to vector<256x128xf32>
    %select_n3A_451 = arith.select %eq3A_190, %reshape3A_448, %broadcast_in_dim3A_450 : vector<256x128xi1>, vector<256x128xf32>
    %slice3A_452 = vector.extract_strided_slice %concatenate3A {offsets = [2048, 0], sizes = [128, 160], strides = [1, 1]} : vector<4096x160xf32> to vector<128x160xf32>
    %dot_general3A_453 = arith.constant dense<0.000000e+00> : vector<256x160xf32>
    %dot_general3A_454 = tpu.matmul %select_n3A_451, %slice3A_452, %dot_general3A_453 {dimension_numbers = #tpu.dot_dimension_numbers<[1], [0], [0], [1], [0, 0, 1, 1], [], []>, transpose_lhs_hint = false} : vector<256x128xf32>, vector<128x160xf32>, vector<256x160xf32> -> vector<256x160xf32>
    %reshape3A_455 = vector.shape_cast %dot_general3A_454 : vector<256x160xf32> to vector<32x8x160xf32>
    %swap3A_456 = arith.constant 0 : index
    %swap3A_457 = arith.constant 128 : index
    %swap3A_458 = arith.constant 0 : index
    %swap3A_459 = vector.load %arg23[%swap3A_456, %swap3A_457, %swap3A_458] : memref<32x256x160xf32, #tpu.memory_space<vmem>>, vector<32x8x160xf32>
    tpu.vector_store %arg23[%swap3A_456, %swap3A_457, %swap3A_458], %reshape3A_455 {strides = array<i32>} : memref<32x256x160xf32, #tpu.memory_space<vmem>>, vector<32x8x160xf32>,
    %slice3A_460 = vector.extract_strided_slice %transpose3A {offsets = [0, 2176], sizes = [32, 128], strides = [1, 1]} : vector<32x4096xf32> to vector<32x128xf32>
    %broadcast_in_dim3A_461 = vector.shape_cast %slice3A_460 : vector<32x128xf32> to vector<32x1x128xf32>
    %broadcast_in_dim3A_462 = vector.shape_cast %broadcast_in_dim3A_461 : vector<32x1x128xf32> to vector<32x1x128xf32>
    %broadcast_in_dim3A_463 = vector.broadcast %broadcast_in_dim3A_462 : vector<32x1x128xf32> to vector<32x8x128xf32>
    %reshape3A_464 = vector.shape_cast %broadcast_in_dim3A_463 : vector<32x8x128xf32> to vector<256x128xf32>
    %jit3A_465 = arith.constant 0.000000e+00 : f32
    %broadcast_in_dim3A_466 = vector.broadcast %jit3A_465 : f32 to vector<256x128xf32>
    %select_n3A_467 = arith.select %eq3A_190, %reshape3A_464, %broadcast_in_dim3A_466 : vector<256x128xi1>, vector<256x128xf32>
    %slice3A_468 = vector.extract_strided_slice %concatenate3A {offsets = [2176, 0], sizes = [128, 160], strides = [1, 1]} : vector<4096x160xf32> to vector<128x160xf32>
    %dot_general3A_469 = arith.constant dense<0.000000e+00> : vector<256x160xf32>
    %dot_general3A_470 = tpu.matmul %select_n3A_467, %slice3A_468, %dot_general3A_469 {dimension_numbers = #tpu.dot_dimension_numbers<[1], [0], [0], [1], [0, 0, 1, 1], [], []>, transpose_lhs_hint = false} : vector<256x128xf32>, vector<128x160xf32>, vector<256x160xf32> -> vector<256x160xf32>
    %reshape3A_471 = vector.shape_cast %dot_general3A_470 : vector<256x160xf32> to vector<32x8x160xf32>
    %swap3A_472 = arith.constant 0 : index
    %swap3A_473 = arith.constant 136 : index
    %swap3A_474 = arith.constant 0 : index
    %swap3A_475 = vector.load %arg23[%swap3A_472, %swap3A_473, %swap3A_474] : memref<32x256x160xf32, #tpu.memory_space<vmem>>, vector<32x8x160xf32>
    tpu.vector_store %arg23[%swap3A_472, %swap3A_473, %swap3A_474], %reshape3A_471 {strides = array<i32>} : memref<32x256x160xf32, #tpu.memory_space<vmem>>, vector<32x8x160xf32>,
    %slice3A_476 = vector.extract_strided_slice %transpose3A {offsets = [0, 2304], sizes = [32, 128], strides = [1, 1]} : vector<32x4096xf32> to vector<32x128xf32>
    %broadcast_in_dim3A_477 = vector.shape_cast %slice3A_476 : vector<32x128xf32> to vector<32x1x128xf32>
    %broadcast_in_dim3A_478 = vector.shape_cast %broadcast_in_dim3A_477 : vector<32x1x128xf32> to vector<32x1x128xf32>
    %broadcast_in_dim3A_479 = vector.broadcast %broadcast_in_dim3A_478 : vector<32x1x128xf32> to vector<32x8x128xf32>
    %reshape3A_480 = vector.shape_cast %broadcast_in_dim3A_479 : vector<32x8x128xf32> to vector<256x128xf32>
    %jit3A_481 = arith.constant 0.000000e+00 : f32
    %broadcast_in_dim3A_482 = vector.broadcast %jit3A_481 : f32 to vector<256x128xf32>
    %select_n3A_483 = arith.select %eq3A_190, %reshape3A_480, %broadcast_in_dim3A_482 : vector<256x128xi1>, vector<256x128xf32>
    %slice3A_484 = vector.extract_strided_slice %concatenate3A {offsets = [2304, 0], sizes = [128, 160], strides = [1, 1]} : vector<4096x160xf32> to vector<128x160xf32>
    %dot_general3A_485 = arith.constant dense<0.000000e+00> : vector<256x160xf32>
    %dot_general3A_486 = tpu.matmul %select_n3A_483, %slice3A_484, %dot_general3A_485 {dimension_numbers = #tpu.dot_dimension_numbers<[1], [0], [0], [1], [0, 0, 1, 1], [], []>, transpose_lhs_hint = false} : vector<256x128xf32>, vector<128x160xf32>, vector<256x160xf32> -> vector<256x160xf32>
    %reshape3A_487 = vector.shape_cast %dot_general3A_486 : vector<256x160xf32> to vector<32x8x160xf32>
    %swap3A_488 = arith.constant 0 : index
    %swap3A_489 = arith.constant 144 : index
    %swap3A_490 = arith.constant 0 : index
    %swap3A_491 = vector.load %arg23[%swap3A_488, %swap3A_489, %swap3A_490] : memref<32x256x160xf32, #tpu.memory_space<vmem>>, vector<32x8x160xf32>
    tpu.vector_store %arg23[%swap3A_488, %swap3A_489, %swap3A_490], %reshape3A_487 {strides = array<i32>} : memref<32x256x160xf32, #tpu.memory_space<vmem>>, vector<32x8x160xf32>,
    %slice3A_492 = vector.extract_strided_slice %transpose3A {offsets = [0, 2432], sizes = [32, 128], strides = [1, 1]} : vector<32x4096xf32> to vector<32x128xf32>
    %broadcast_in_dim3A_493 = vector.shape_cast %slice3A_492 : vector<32x128xf32> to vector<32x1x128xf32>
    %broadcast_in_dim3A_494 = vector.shape_cast %broadcast_in_dim3A_493 : vector<32x1x128xf32> to vector<32x1x128xf32>
    %broadcast_in_dim3A_495 = vector.broadcast %broadcast_in_dim3A_494 : vector<32x1x128xf32> to vector<32x8x128xf32>
    %reshape3A_496 = vector.shape_cast %broadcast_in_dim3A_495 : vector<32x8x128xf32> to vector<256x128xf32>
    %jit3A_497 = arith.constant 0.000000e+00 : f32
    %broadcast_in_dim3A_498 = vector.broadcast %jit3A_497 : f32 to vector<256x128xf32>
    %select_n3A_499 = arith.select %eq3A_190, %reshape3A_496, %broadcast_in_dim3A_498 : vector<256x128xi1>, vector<256x128xf32>
    %slice3A_500 = vector.extract_strided_slice %concatenate3A {offsets = [2432, 0], sizes = [128, 160], strides = [1, 1]} : vector<4096x160xf32> to vector<128x160xf32>
    %dot_general3A_501 = arith.constant dense<0.000000e+00> : vector<256x160xf32>
    %dot_general3A_502 = tpu.matmul %select_n3A_499, %slice3A_500, %dot_general3A_501 {dimension_numbers = #tpu.dot_dimension_numbers<[1], [0], [0], [1], [0, 0, 1, 1], [], []>, transpose_lhs_hint = false} : vector<256x128xf32>, vector<128x160xf32>, vector<256x160xf32> -> vector<256x160xf32>
    %reshape3A_503 = vector.shape_cast %dot_general3A_502 : vector<256x160xf32> to vector<32x8x160xf32>
    %swap3A_504 = arith.constant 0 : index
    %swap3A_505 = arith.constant 152 : index
    %swap3A_506 = arith.constant 0 : index
    %swap3A_507 = vector.load %arg23[%swap3A_504, %swap3A_505, %swap3A_506] : memref<32x256x160xf32, #tpu.memory_space<vmem>>, vector<32x8x160xf32>
    tpu.vector_store %arg23[%swap3A_504, %swap3A_505, %swap3A_506], %reshape3A_503 {strides = array<i32>} : memref<32x256x160xf32, #tpu.memory_space<vmem>>, vector<32x8x160xf32>,
    %slice3A_508 = vector.extract_strided_slice %transpose3A {offsets = [0, 2560], sizes = [32, 128], strides = [1, 1]} : vector<32x4096xf32> to vector<32x128xf32>
    %broadcast_in_dim3A_509 = vector.shape_cast %slice3A_508 : vector<32x128xf32> to vector<32x1x128xf32>
    %broadcast_in_dim3A_510 = vector.shape_cast %broadcast_in_dim3A_509 : vector<32x1x128xf32> to vector<32x1x128xf32>
    %broadcast_in_dim3A_511 = vector.broadcast %broadcast_in_dim3A_510 : vector<32x1x128xf32> to vector<32x8x128xf32>
    %reshape3A_512 = vector.shape_cast %broadcast_in_dim3A_511 : vector<32x8x128xf32> to vector<256x128xf32>
    %jit3A_513 = arith.constant 0.000000e+00 : f32
    %broadcast_in_dim3A_514 = vector.broadcast %jit3A_513 : f32 to vector<256x128xf32>
    %select_n3A_515 = arith.select %eq3A_190, %reshape3A_512, %broadcast_in_dim3A_514 : vector<256x128xi1>, vector<256x128xf32>
    %slice3A_516 = vector.extract_strided_slice %concatenate3A {offsets = [2560, 0], sizes = [128, 160], strides = [1, 1]} : vector<4096x160xf32> to vector<128x160xf32>
    %dot_general3A_517 = arith.constant dense<0.000000e+00> : vector<256x160xf32>
    %dot_general3A_518 = tpu.matmul %select_n3A_515, %slice3A_516, %dot_general3A_517 {dimension_numbers = #tpu.dot_dimension_numbers<[1], [0], [0], [1], [0, 0, 1, 1], [], []>, transpose_lhs_hint = false} : vector<256x128xf32>, vector<128x160xf32>, vector<256x160xf32> -> vector<256x160xf32>
    %reshape3A_519 = vector.shape_cast %dot_general3A_518 : vector<256x160xf32> to vector<32x8x160xf32>
    %swap3A_520 = arith.constant 0 : index
    %swap3A_521 = arith.constant 160 : index
    %swap3A_522 = arith.constant 0 : index
    %swap3A_523 = vector.load %arg23[%swap3A_520, %swap3A_521, %swap3A_522] : memref<32x256x160xf32, #tpu.memory_space<vmem>>, vector<32x8x160xf32>
    tpu.vector_store %arg23[%swap3A_520, %swap3A_521, %swap3A_522], %reshape3A_519 {strides = array<i32>} : memref<32x256x160xf32, #tpu.memory_space<vmem>>, vector<32x8x160xf32>,
    %slice3A_524 = vector.extract_strided_slice %transpose3A {offsets = [0, 2688], sizes = [32, 128], strides = [1, 1]} : vector<32x4096xf32> to vector<32x128xf32>
    %broadcast_in_dim3A_525 = vector.shape_cast %slice3A_524 : vector<32x128xf32> to vector<32x1x128xf32>
    %broadcast_in_dim3A_526 = vector.shape_cast %broadcast_in_dim3A_525 : vector<32x1x128xf32> to vector<32x1x128xf32>
    %broadcast_in_dim3A_527 = vector.broadcast %broadcast_in_dim3A_526 : vector<32x1x128xf32> to vector<32x8x128xf32>
    %reshape3A_528 = vector.shape_cast %broadcast_in_dim3A_527 : vector<32x8x128xf32> to vector<256x128xf32>
    %jit3A_529 = arith.constant 0.000000e+00 : f32
    %broadcast_in_dim3A_530 = vector.broadcast %jit3A_529 : f32 to vector<256x128xf32>
    %select_n3A_531 = arith.select %eq3A_190, %reshape3A_528, %broadcast_in_dim3A_530 : vector<256x128xi1>, vector<256x128xf32>
    %slice3A_532 = vector.extract_strided_slice %concatenate3A {offsets = [2688, 0], sizes = [128, 160], strides = [1, 1]} : vector<4096x160xf32> to vector<128x160xf32>
    %dot_general3A_533 = arith.constant dense<0.000000e+00> : vector<256x160xf32>
    %dot_general3A_534 = tpu.matmul %select_n3A_531, %slice3A_532, %dot_general3A_533 {dimension_numbers = #tpu.dot_dimension_numbers<[1], [0], [0], [1], [0, 0, 1, 1], [], []>, transpose_lhs_hint = false} : vector<256x128xf32>, vector<128x160xf32>, vector<256x160xf32> -> vector<256x160xf32>
    %reshape3A_535 = vector.shape_cast %dot_general3A_534 : vector<256x160xf32> to vector<32x8x160xf32>
    %swap3A_536 = arith.constant 0 : index
    %swap3A_537 = arith.constant 168 : index
    %swap3A_538 = arith.constant 0 : index
    %swap3A_539 = vector.load %arg23[%swap3A_536, %swap3A_537, %swap3A_538] : memref<32x256x160xf32, #tpu.memory_space<vmem>>, vector<32x8x160xf32>
    tpu.vector_store %arg23[%swap3A_536, %swap3A_537, %swap3A_538], %reshape3A_535 {strides = array<i32>} : memref<32x256x160xf32, #tpu.memory_space<vmem>>, vector<32x8x160xf32>,
    %slice3A_540 = vector.extract_strided_slice %transpose3A {offsets = [0, 2816], sizes = [32, 128], strides = [1, 1]} : vector<32x4096xf32> to vector<32x128xf32>
    %broadcast_in_dim3A_541 = vector.shape_cast %slice3A_540 : vector<32x128xf32> to vector<32x1x128xf32>
    %broadcast_in_dim3A_542 = vector.shape_cast %broadcast_in_dim3A_541 : vector<32x1x128xf32> to vector<32x1x128xf32>
    %broadcast_in_dim3A_543 = vector.broadcast %broadcast_in_dim3A_542 : vector<32x1x128xf32> to vector<32x8x128xf32>
    %reshape3A_544 = vector.shape_cast %broadcast_in_dim3A_543 : vector<32x8x128xf32> to vector<256x128xf32>
    %jit3A_545 = arith.constant 0.000000e+00 : f32
    %broadcast_in_dim3A_546 = vector.broadcast %jit3A_545 : f32 to vector<256x128xf32>
    %select_n3A_547 = arith.select %eq3A_190, %reshape3A_544, %broadcast_in_dim3A_546 : vector<256x128xi1>, vector<256x128xf32>
    %slice3A_548 = vector.extract_strided_slice %concatenate3A {offsets = [2816, 0], sizes = [128, 160], strides = [1, 1]} : vector<4096x160xf32> to vector<128x160xf32>
    %dot_general3A_549 = arith.constant dense<0.000000e+00> : vector<256x160xf32>
    %dot_general3A_550 = tpu.matmul %select_n3A_547, %slice3A_548, %dot_general3A_549 {dimension_numbers = #tpu.dot_dimension_numbers<[1], [0], [0], [1], [0, 0, 1, 1], [], []>, transpose_lhs_hint = false} : vector<256x128xf32>, vector<128x160xf32>, vector<256x160xf32> -> vector<256x160xf32>
    %reshape3A_551 = vector.shape_cast %dot_general3A_550 : vector<256x160xf32> to vector<32x8x160xf32>
    %swap3A_552 = arith.constant 0 : index
    %swap3A_553 = arith.constant 176 : index
    %swap3A_554 = arith.constant 0 : index
    %swap3A_555 = vector.load %arg23[%swap3A_552, %swap3A_553, %swap3A_554] : memref<32x256x160xf32, #tpu.memory_space<vmem>>, vector<32x8x160xf32>
    tpu.vector_store %arg23[%swap3A_552, %swap3A_553, %swap3A_554], %reshape3A_551 {strides = array<i32>} : memref<32x256x160xf32, #tpu.memory_space<vmem>>, vector<32x8x160xf32>,
    %slice3A_556 = vector.extract_strided_slice %transpose3A {offsets = [0, 2944], sizes = [32, 128], strides = [1, 1]} : vector<32x4096xf32> to vector<32x128xf32>
    %broadcast_in_dim3A_557 = vector.shape_cast %slice3A_556 : vector<32x128xf32> to vector<32x1x128xf32>
    %broadcast_in_dim3A_558 = vector.shape_cast %broadcast_in_dim3A_557 : vector<32x1x128xf32> to vector<32x1x128xf32>
    %broadcast_in_dim3A_559 = vector.broadcast %broadcast_in_dim3A_558 : vector<32x1x128xf32> to vector<32x8x128xf32>
    %reshape3A_560 = vector.shape_cast %broadcast_in_dim3A_559 : vector<32x8x128xf32> to vector<256x128xf32>
    %jit3A_561 = arith.constant 0.000000e+00 : f32
    %broadcast_in_dim3A_562 = vector.broadcast %jit3A_561 : f32 to vector<256x128xf32>
    %select_n3A_563 = arith.select %eq3A_190, %reshape3A_560, %broadcast_in_dim3A_562 : vector<256x128xi1>, vector<256x128xf32>
    %slice3A_564 = vector.extract_strided_slice %concatenate3A {offsets = [2944, 0], sizes = [128, 160], strides = [1, 1]} : vector<4096x160xf32> to vector<128x160xf32>
    %dot_general3A_565 = arith.constant dense<0.000000e+00> : vector<256x160xf32>
    %dot_general3A_566 = tpu.matmul %select_n3A_563, %slice3A_564, %dot_general3A_565 {dimension_numbers = #tpu.dot_dimension_numbers<[1], [0], [0], [1], [0, 0, 1, 1], [], []>, transpose_lhs_hint = false} : vector<256x128xf32>, vector<128x160xf32>, vector<256x160xf32> -> vector<256x160xf32>
    %reshape3A_567 = vector.shape_cast %dot_general3A_566 : vector<256x160xf32> to vector<32x8x160xf32>
    %swap3A_568 = arith.constant 0 : index
    %swap3A_569 = arith.constant 184 : index
    %swap3A_570 = arith.constant 0 : index
    %swap3A_571 = vector.load %arg23[%swap3A_568, %swap3A_569, %swap3A_570] : memref<32x256x160xf32, #tpu.memory_space<vmem>>, vector<32x8x160xf32>
    tpu.vector_store %arg23[%swap3A_568, %swap3A_569, %swap3A_570], %reshape3A_567 {strides = array<i32>} : memref<32x256x160xf32, #tpu.memory_space<vmem>>, vector<32x8x160xf32>,
    %slice3A_572 = vector.extract_strided_slice %transpose3A {offsets = [0, 3072], sizes = [32, 128], strides = [1, 1]} : vector<32x4096xf32> to vector<32x128xf32>
    %broadcast_in_dim3A_573 = vector.shape_cast %slice3A_572 : vector<32x128xf32> to vector<32x1x128xf32>
    %broadcast_in_dim3A_574 = vector.shape_cast %broadcast_in_dim3A_573 : vector<32x1x128xf32> to vector<32x1x128xf32>
    %broadcast_in_dim3A_575 = vector.broadcast %broadcast_in_dim3A_574 : vector<32x1x128xf32> to vector<32x8x128xf32>
    %reshape3A_576 = vector.shape_cast %broadcast_in_dim3A_575 : vector<32x8x128xf32> to vector<256x128xf32>
    %jit3A_577 = arith.constant 0.000000e+00 : f32
    %broadcast_in_dim3A_578 = vector.broadcast %jit3A_577 : f32 to vector<256x128xf32>
    %select_n3A_579 = arith.select %eq3A_190, %reshape3A_576, %broadcast_in_dim3A_578 : vector<256x128xi1>, vector<256x128xf32>
    %slice3A_580 = vector.extract_strided_slice %concatenate3A {offsets = [3072, 0], sizes = [128, 160], strides = [1, 1]} : vector<4096x160xf32> to vector<128x160xf32>
    %dot_general3A_581 = arith.constant dense<0.000000e+00> : vector<256x160xf32>
    %dot_general3A_582 = tpu.matmul %select_n3A_579, %slice3A_580, %dot_general3A_581 {dimension_numbers = #tpu.dot_dimension_numbers<[1], [0], [0], [1], [0, 0, 1, 1], [], []>, transpose_lhs_hint = false} : vector<256x128xf32>, vector<128x160xf32>, vector<256x160xf32> -> vector<256x160xf32>
    %reshape3A_583 = vector.shape_cast %dot_general3A_582 : vector<256x160xf32> to vector<32x8x160xf32>
    %swap3A_584 = arith.constant 0 : index
    %swap3A_585 = arith.constant 192 : index
    %swap3A_586 = arith.constant 0 : index
    %swap3A_587 = vector.load %arg23[%swap3A_584, %swap3A_585, %swap3A_586] : memref<32x256x160xf32, #tpu.memory_space<vmem>>, vector<32x8x160xf32>
    tpu.vector_store %arg23[%swap3A_584, %swap3A_585, %swap3A_586], %reshape3A_583 {strides = array<i32>} : memref<32x256x160xf32, #tpu.memory_space<vmem>>, vector<32x8x160xf32>,
    %slice3A_588 = vector.extract_strided_slice %transpose3A {offsets = [0, 3200], sizes = [32, 128], strides = [1, 1]} : vector<32x4096xf32> to vector<32x128xf32>
    %broadcast_in_dim3A_589 = vector.shape_cast %slice3A_588 : vector<32x128xf32> to vector<32x1x128xf32>
    %broadcast_in_dim3A_590 = vector.shape_cast %broadcast_in_dim3A_589 : vector<32x1x128xf32> to vector<32x1x128xf32>
    %broadcast_in_dim3A_591 = vector.broadcast %broadcast_in_dim3A_590 : vector<32x1x128xf32> to vector<32x8x128xf32>
    %reshape3A_592 = vector.shape_cast %broadcast_in_dim3A_591 : vector<32x8x128xf32> to vector<256x128xf32>
    %jit3A_593 = arith.constant 0.000000e+00 : f32
    %broadcast_in_dim3A_594 = vector.broadcast %jit3A_593 : f32 to vector<256x128xf32>
    %select_n3A_595 = arith.select %eq3A_190, %reshape3A_592, %broadcast_in_dim3A_594 : vector<256x128xi1>, vector<256x128xf32>
    %slice3A_596 = vector.extract_strided_slice %concatenate3A {offsets = [3200, 0], sizes = [128, 160], strides = [1, 1]} : vector<4096x160xf32> to vector<128x160xf32>
    %dot_general3A_597 = arith.constant dense<0.000000e+00> : vector<256x160xf32>
    %dot_general3A_598 = tpu.matmul %select_n3A_595, %slice3A_596, %dot_general3A_597 {dimension_numbers = #tpu.dot_dimension_numbers<[1], [0], [0], [1], [0, 0, 1, 1], [], []>, transpose_lhs_hint = false} : vector<256x128xf32>, vector<128x160xf32>, vector<256x160xf32> -> vector<256x160xf32>
    %reshape3A_599 = vector.shape_cast %dot_general3A_598 : vector<256x160xf32> to vector<32x8x160xf32>
    %swap3A_600 = arith.constant 0 : index
    %swap3A_601 = arith.constant 200 : index
    %swap3A_602 = arith.constant 0 : index
    %swap3A_603 = vector.load %arg23[%swap3A_600, %swap3A_601, %swap3A_602] : memref<32x256x160xf32, #tpu.memory_space<vmem>>, vector<32x8x160xf32>
    tpu.vector_store %arg23[%swap3A_600, %swap3A_601, %swap3A_602], %reshape3A_599 {strides = array<i32>} : memref<32x256x160xf32, #tpu.memory_space<vmem>>, vector<32x8x160xf32>,
    %slice3A_604 = vector.extract_strided_slice %transpose3A {offsets = [0, 3328], sizes = [32, 128], strides = [1, 1]} : vector<32x4096xf32> to vector<32x128xf32>
    %broadcast_in_dim3A_605 = vector.shape_cast %slice3A_604 : vector<32x128xf32> to vector<32x1x128xf32>
    %broadcast_in_dim3A_606 = vector.shape_cast %broadcast_in_dim3A_605 : vector<32x1x128xf32> to vector<32x1x128xf32>
    %broadcast_in_dim3A_607 = vector.broadcast %broadcast_in_dim3A_606 : vector<32x1x128xf32> to vector<32x8x128xf32>
    %reshape3A_608 = vector.shape_cast %broadcast_in_dim3A_607 : vector<32x8x128xf32> to vector<256x128xf32>
    %jit3A_609 = arith.constant 0.000000e+00 : f32
    %broadcast_in_dim3A_610 = vector.broadcast %jit3A_609 : f32 to vector<256x128xf32>
    %select_n3A_611 = arith.select %eq3A_190, %reshape3A_608, %broadcast_in_dim3A_610 : vector<256x128xi1>, vector<256x128xf32>
    %slice3A_612 = vector.extract_strided_slice %concatenate3A {offsets = [3328, 0], sizes = [128, 160], strides = [1, 1]} : vector<4096x160xf32> to vector<128x160xf32>
    %dot_general3A_613 = arith.constant dense<0.000000e+00> : vector<256x160xf32>
    %dot_general3A_614 = tpu.matmul %select_n3A_611, %slice3A_612, %dot_general3A_613 {dimension_numbers = #tpu.dot_dimension_numbers<[1], [0], [0], [1], [0, 0, 1, 1], [], []>, transpose_lhs_hint = false} : vector<256x128xf32>, vector<128x160xf32>, vector<256x160xf32> -> vector<256x160xf32>
    %reshape3A_615 = vector.shape_cast %dot_general3A_614 : vector<256x160xf32> to vector<32x8x160xf32>
    %swap3A_616 = arith.constant 0 : index
    %swap3A_617 = arith.constant 208 : index
    %swap3A_618 = arith.constant 0 : index
    %swap3A_619 = vector.load %arg23[%swap3A_616, %swap3A_617, %swap3A_618] : memref<32x256x160xf32, #tpu.memory_space<vmem>>, vector<32x8x160xf32>
    tpu.vector_store %arg23[%swap3A_616, %swap3A_617, %swap3A_618], %reshape3A_615 {strides = array<i32>} : memref<32x256x160xf32, #tpu.memory_space<vmem>>, vector<32x8x160xf32>,
    %slice3A_620 = vector.extract_strided_slice %transpose3A {offsets = [0, 3456], sizes = [32, 128], strides = [1, 1]} : vector<32x4096xf32> to vector<32x128xf32>
    %broadcast_in_dim3A_621 = vector.shape_cast %slice3A_620 : vector<32x128xf32> to vector<32x1x128xf32>
    %broadcast_in_dim3A_622 = vector.shape_cast %broadcast_in_dim3A_621 : vector<32x1x128xf32> to vector<32x1x128xf32>
    %broadcast_in_dim3A_623 = vector.broadcast %broadcast_in_dim3A_622 : vector<32x1x128xf32> to vector<32x8x128xf32>
    %reshape3A_624 = vector.shape_cast %broadcast_in_dim3A_623 : vector<32x8x128xf32> to vector<256x128xf32>
    %jit3A_625 = arith.constant 0.000000e+00 : f32
    %broadcast_in_dim3A_626 = vector.broadcast %jit3A_625 : f32 to vector<256x128xf32>
    %select_n3A_627 = arith.select %eq3A_190, %reshape3A_624, %broadcast_in_dim3A_626 : vector<256x128xi1>, vector<256x128xf32>
    %slice3A_628 = vector.extract_strided_slice %concatenate3A {offsets = [3456, 0], sizes = [128, 160], strides = [1, 1]} : vector<4096x160xf32> to vector<128x160xf32>
    %dot_general3A_629 = arith.constant dense<0.000000e+00> : vector<256x160xf32>
    %dot_general3A_630 = tpu.matmul %select_n3A_627, %slice3A_628, %dot_general3A_629 {dimension_numbers = #tpu.dot_dimension_numbers<[1], [0], [0], [1], [0, 0, 1, 1], [], []>, transpose_lhs_hint = false} : vector<256x128xf32>, vector<128x160xf32>, vector<256x160xf32> -> vector<256x160xf32>
    %reshape3A_631 = vector.shape_cast %dot_general3A_630 : vector<256x160xf32> to vector<32x8x160xf32>
    %swap3A_632 = arith.constant 0 : index
    %swap3A_633 = arith.constant 216 : index
    %swap3A_634 = arith.constant 0 : index
    %swap3A_635 = vector.load %arg23[%swap3A_632, %swap3A_633, %swap3A_634] : memref<32x256x160xf32, #tpu.memory_space<vmem>>, vector<32x8x160xf32>
    tpu.vector_store %arg23[%swap3A_632, %swap3A_633, %swap3A_634], %reshape3A_631 {strides = array<i32>} : memref<32x256x160xf32, #tpu.memory_space<vmem>>, vector<32x8x160xf32>,
    %slice3A_636 = vector.extract_strided_slice %transpose3A {offsets = [0, 3584], sizes = [32, 128], strides = [1, 1]} : vector<32x4096xf32> to vector<32x128xf32>
    %broadcast_in_dim3A_637 = vector.shape_cast %slice3A_636 : vector<32x128xf32> to vector<32x1x128xf32>
    %broadcast_in_dim3A_638 = vector.shape_cast %broadcast_in_dim3A_637 : vector<32x1x128xf32> to vector<32x1x128xf32>
    %broadcast_in_dim3A_639 = vector.broadcast %broadcast_in_dim3A_638 : vector<32x1x128xf32> to vector<32x8x128xf32>
    %reshape3A_640 = vector.shape_cast %broadcast_in_dim3A_639 : vector<32x8x128xf32> to vector<256x128xf32>
    %jit3A_641 = arith.constant 0.000000e+00 : f32
    %broadcast_in_dim3A_642 = vector.broadcast %jit3A_641 : f32 to vector<256x128xf32>
    %select_n3A_643 = arith.select %eq3A_190, %reshape3A_640, %broadcast_in_dim3A_642 : vector<256x128xi1>, vector<256x128xf32>
    %slice3A_644 = vector.extract_strided_slice %concatenate3A {offsets = [3584, 0], sizes = [128, 160], strides = [1, 1]} : vector<4096x160xf32> to vector<128x160xf32>
    %dot_general3A_645 = arith.constant dense<0.000000e+00> : vector<256x160xf32>
    %dot_general3A_646 = tpu.matmul %select_n3A_643, %slice3A_644, %dot_general3A_645 {dimension_numbers = #tpu.dot_dimension_numbers<[1], [0], [0], [1], [0, 0, 1, 1], [], []>, transpose_lhs_hint = false} : vector<256x128xf32>, vector<128x160xf32>, vector<256x160xf32> -> vector<256x160xf32>
    %reshape3A_647 = vector.shape_cast %dot_general3A_646 : vector<256x160xf32> to vector<32x8x160xf32>
    %swap3A_648 = arith.constant 0 : index
    %swap3A_649 = arith.constant 224 : index
    %swap3A_650 = arith.constant 0 : index
    %swap3A_651 = vector.load %arg23[%swap3A_648, %swap3A_649, %swap3A_650] : memref<32x256x160xf32, #tpu.memory_space<vmem>>, vector<32x8x160xf32>
    tpu.vector_store %arg23[%swap3A_648, %swap3A_649, %swap3A_650], %reshape3A_647 {strides = array<i32>} : memref<32x256x160xf32, #tpu.memory_space<vmem>>, vector<32x8x160xf32>,
    %slice3A_652 = vector.extract_strided_slice %transpose3A {offsets = [0, 3712], sizes = [32, 128], strides = [1, 1]} : vector<32x4096xf32> to vector<32x128xf32>
    %broadcast_in_dim3A_653 = vector.shape_cast %slice3A_652 : vector<32x128xf32> to vector<32x1x128xf32>
    %broadcast_in_dim3A_654 = vector.shape_cast %broadcast_in_dim3A_653 : vector<32x1x128xf32> to vector<32x1x128xf32>
    %broadcast_in_dim3A_655 = vector.broadcast %broadcast_in_dim3A_654 : vector<32x1x128xf32> to vector<32x8x128xf32>
    %reshape3A_656 = vector.shape_cast %broadcast_in_dim3A_655 : vector<32x8x128xf32> to vector<256x128xf32>
    %jit3A_657 = arith.constant 0.000000e+00 : f32
    %broadcast_in_dim3A_658 = vector.broadcast %jit3A_657 : f32 to vector<256x128xf32>
    %select_n3A_659 = arith.select %eq3A_190, %reshape3A_656, %broadcast_in_dim3A_658 : vector<256x128xi1>, vector<256x128xf32>
    %slice3A_660 = vector.extract_strided_slice %concatenate3A {offsets = [3712, 0], sizes = [128, 160], strides = [1, 1]} : vector<4096x160xf32> to vector<128x160xf32>
    %dot_general3A_661 = arith.constant dense<0.000000e+00> : vector<256x160xf32>
    %dot_general3A_662 = tpu.matmul %select_n3A_659, %slice3A_660, %dot_general3A_661 {dimension_numbers = #tpu.dot_dimension_numbers<[1], [0], [0], [1], [0, 0, 1, 1], [], []>, transpose_lhs_hint = false} : vector<256x128xf32>, vector<128x160xf32>, vector<256x160xf32> -> vector<256x160xf32>
    %reshape3A_663 = vector.shape_cast %dot_general3A_662 : vector<256x160xf32> to vector<32x8x160xf32>
    %swap3A_664 = arith.constant 0 : index
    %swap3A_665 = arith.constant 232 : index
    %swap3A_666 = arith.constant 0 : index
    %swap3A_667 = vector.load %arg23[%swap3A_664, %swap3A_665, %swap3A_666] : memref<32x256x160xf32, #tpu.memory_space<vmem>>, vector<32x8x160xf32>
    tpu.vector_store %arg23[%swap3A_664, %swap3A_665, %swap3A_666], %reshape3A_663 {strides = array<i32>} : memref<32x256x160xf32, #tpu.memory_space<vmem>>, vector<32x8x160xf32>,
    %slice3A_668 = vector.extract_strided_slice %transpose3A {offsets = [0, 3840], sizes = [32, 128], strides = [1, 1]} : vector<32x4096xf32> to vector<32x128xf32>
    %broadcast_in_dim3A_669 = vector.shape_cast %slice3A_668 : vector<32x128xf32> to vector<32x1x128xf32>
    %broadcast_in_dim3A_670 = vector.shape_cast %broadcast_in_dim3A_669 : vector<32x1x128xf32> to vector<32x1x128xf32>
    %broadcast_in_dim3A_671 = vector.broadcast %broadcast_in_dim3A_670 : vector<32x1x128xf32> to vector<32x8x128xf32>
    %reshape3A_672 = vector.shape_cast %broadcast_in_dim3A_671 : vector<32x8x128xf32> to vector<256x128xf32>
    %jit3A_673 = arith.constant 0.000000e+00 : f32
    %broadcast_in_dim3A_674 = vector.broadcast %jit3A_673 : f32 to vector<256x128xf32>
    %select_n3A_675 = arith.select %eq3A_190, %reshape3A_672, %broadcast_in_dim3A_674 : vector<256x128xi1>, vector<256x128xf32>
    %slice3A_676 = vector.extract_strided_slice %concatenate3A {offsets = [3840, 0], sizes = [128, 160], strides = [1, 1]} : vector<4096x160xf32> to vector<128x160xf32>
    %dot_general3A_677 = arith.constant dense<0.000000e+00> : vector<256x160xf32>
    %dot_general3A_678 = tpu.matmul %select_n3A_675, %slice3A_676, %dot_general3A_677 {dimension_numbers = #tpu.dot_dimension_numbers<[1], [0], [0], [1], [0, 0, 1, 1], [], []>, transpose_lhs_hint = false} : vector<256x128xf32>, vector<128x160xf32>, vector<256x160xf32> -> vector<256x160xf32>
    %reshape3A_679 = vector.shape_cast %dot_general3A_678 : vector<256x160xf32> to vector<32x8x160xf32>
    %swap3A_680 = arith.constant 0 : index
    %swap3A_681 = arith.constant 240 : index
    %swap3A_682 = arith.constant 0 : index
    %swap3A_683 = vector.load %arg23[%swap3A_680, %swap3A_681, %swap3A_682] : memref<32x256x160xf32, #tpu.memory_space<vmem>>, vector<32x8x160xf32>
    tpu.vector_store %arg23[%swap3A_680, %swap3A_681, %swap3A_682], %reshape3A_679 {strides = array<i32>} : memref<32x256x160xf32, #tpu.memory_space<vmem>>, vector<32x8x160xf32>,
    %slice3A_684 = vector.extract_strided_slice %transpose3A {offsets = [0, 3968], sizes = [32, 128], strides = [1, 1]} : vector<32x4096xf32> to vector<32x128xf32>
    %broadcast_in_dim3A_685 = vector.shape_cast %slice3A_684 : vector<32x128xf32> to vector<32x1x128xf32>
    %broadcast_in_dim3A_686 = vector.shape_cast %broadcast_in_dim3A_685 : vector<32x1x128xf32> to vector<32x1x128xf32>
    %broadcast_in_dim3A_687 = vector.broadcast %broadcast_in_dim3A_686 : vector<32x1x128xf32> to vector<32x8x128xf32>
    %reshape3A_688 = vector.shape_cast %broadcast_in_dim3A_687 : vector<32x8x128xf32> to vector<256x128xf32>
    %jit3A_689 = arith.constant 0.000000e+00 : f32
    %broadcast_in_dim3A_690 = vector.broadcast %jit3A_689 : f32 to vector<256x128xf32>
    %select_n3A_691 = arith.select %eq3A_190, %reshape3A_688, %broadcast_in_dim3A_690 : vector<256x128xi1>, vector<256x128xf32>
    %slice3A_692 = vector.extract_strided_slice %concatenate3A {offsets = [3968, 0], sizes = [128, 160], strides = [1, 1]} : vector<4096x160xf32> to vector<128x160xf32>
    %dot_general3A_693 = arith.constant dense<0.000000e+00> : vector<256x160xf32>
    %dot_general3A_694 = tpu.matmul %select_n3A_691, %slice3A_692, %dot_general3A_693 {dimension_numbers = #tpu.dot_dimension_numbers<[1], [0], [0], [1], [0, 0, 1, 1], [], []>, transpose_lhs_hint = false} : vector<256x128xf32>, vector<128x160xf32>, vector<256x160xf32> -> vector<256x160xf32>
    %reshape3A_695 = vector.shape_cast %dot_general3A_694 : vector<256x160xf32> to vector<32x8x160xf32>
    %swap3A_696 = arith.constant 0 : index
    %swap3A_697 = arith.constant 248 : index
    %swap3A_698 = arith.constant 0 : index
    %swap3A_699 = vector.load %arg23[%swap3A_696, %swap3A_697, %swap3A_698] : memref<32x256x160xf32, #tpu.memory_space<vmem>>, vector<32x8x160xf32>
    tpu.vector_store %arg23[%swap3A_696, %swap3A_697, %swap3A_698], %reshape3A_695 {strides = array<i32>} : memref<32x256x160xf32, #tpu.memory_space<vmem>>, vector<32x8x160xf32>,
    %get3A_700 = arith.constant 0 : index
    %get3A_701 = vector.load %arg15[%get3A_700] : memref<128xf32, #tpu.memory_space<vmem>>, vector<128xf32>
    %broadcast_in_dim3A_702 = arith.constant 1.000000e+00 : f32
    %broadcast_in_dim3A_703 = vector.broadcast %broadcast_in_dim3A_702 : f32 to vector<256x128xf32>
    %broadcast_in_dim3A_704 = vector.shape_cast %get3A_701 : vector<128xf32> to vector<1x128xf32>
    %mul3A_705 = vector.broadcast %broadcast_in_dim3A_704 : vector<1x128xf32> to vector<256x128xf32>
    %mul3A_706 = arith.mulf %mul3A_705, %broadcast_in_dim3A_703 : vector<256x128xf32>
    %get3A_707 = arith.constant 0 : index
    %get3A_708 = arith.constant 0 : index
    %get3A_709 = arith.constant 0 : index
    %get3A_710 = vector.load %arg23[%get3A_707, %get3A_708, %get3A_709] : memref<32x256x160xf32, #tpu.memory_space<vmem>>, vector<1x256x160xf32>
    %get3A_711 = vector.shape_cast %get3A_710 : vector<1x256x160xf32> to vector<256x160xf32>
    %get3A_712 = arith.constant 0 : index
    %get3A_713 = arith.constant 0 : index
    %get3A_714 = arith.constant 0 : index
    %get3A_715 = vector.load %arg14[%get3A_712, %get3A_713, %get3A_714] : memref<32x160x128xf32, #tpu.memory_space<vmem>>, vector<1x160x128xf32>
    %get3A_716 = vector.shape_cast %get3A_715 : vector<1x160x128xf32> to vector<160x128xf32>
    %dot_general3A_717 = arith.constant dense<0.000000e+00> : vector<256x128xf32>
    %dot_general3A_718 = tpu.matmul %get3A_711, %get3A_716, %dot_general3A_717 {dimension_numbers = #tpu.dot_dimension_numbers<[1], [0], [0], [1], [0, 0, 1, 1], [], []>, transpose_lhs_hint = false} : vector<256x160xf32>, vector<160x128xf32>, vector<256x128xf32> -> vector<256x128xf32>
    %add3A_719 = arith.addf %mul3A_706, %dot_general3A_718 : vector<256x128xf32>
    %get3A_720 = arith.constant 1 : index
    %get3A_721 = arith.constant 0 : index
    %get3A_722 = arith.constant 0 : index
    %get3A_723 = vector.load %arg23[%get3A_720, %get3A_721, %get3A_722] : memref<32x256x160xf32, #tpu.memory_space<vmem>>, vector<1x256x160xf32>
    %get3A_724 = vector.shape_cast %get3A_723 : vector<1x256x160xf32> to vector<256x160xf32>
    %get3A_725 = arith.constant 1 : index
    %get3A_726 = arith.constant 0 : index
    %get3A_727 = arith.constant 0 : index
    %get3A_728 = vector.load %arg14[%get3A_725, %get3A_726, %get3A_727] : memref<32x160x128xf32, #tpu.memory_space<vmem>>, vector<1x160x128xf32>
    %get3A_729 = vector.shape_cast %get3A_728 : vector<1x160x128xf32> to vector<160x128xf32>
    %dot_general3A_730 = arith.constant dense<0.000000e+00> : vector<256x128xf32>
    %dot_general3A_731 = tpu.matmul %get3A_724, %get3A_729, %dot_general3A_730 {dimension_numbers = #tpu.dot_dimension_numbers<[1], [0], [0], [1], [0, 0, 1, 1], [], []>, transpose_lhs_hint = false} : vector<256x160xf32>, vector<160x128xf32>, vector<256x128xf32> -> vector<256x128xf32>
    %add3A_732 = arith.addf %add3A_719, %dot_general3A_731 : vector<256x128xf32>
    %get3A_733 = arith.constant 2 : index
    %get3A_734 = arith.constant 0 : index
    %get3A_735 = arith.constant 0 : index
    %get3A_736 = vector.load %arg23[%get3A_733, %get3A_734, %get3A_735] : memref<32x256x160xf32, #tpu.memory_space<vmem>>, vector<1x256x160xf32>
    %get3A_737 = vector.shape_cast %get3A_736 : vector<1x256x160xf32> to vector<256x160xf32>
    %get3A_738 = arith.constant 2 : index
    %get3A_739 = arith.constant 0 : index
    %get3A_740 = arith.constant 0 : index
    %get3A_741 = vector.load %arg14[%get3A_738, %get3A_739, %get3A_740] : memref<32x160x128xf32, #tpu.memory_space<vmem>>, vector<1x160x128xf32>
    %get3A_742 = vector.shape_cast %get3A_741 : vector<1x160x128xf32> to vector<160x128xf32>
    %dot_general3A_743 = arith.constant dense<0.000000e+00> : vector<256x128xf32>
    %dot_general3A_744 = tpu.matmul %get3A_737, %get3A_742, %dot_general3A_743 {dimension_numbers = #tpu.dot_dimension_numbers<[1], [0], [0], [1], [0, 0, 1, 1], [], []>, transpose_lhs_hint = false} : vector<256x160xf32>, vector<160x128xf32>, vector<256x128xf32> -> vector<256x128xf32>
    %add3A_745 = arith.addf %add3A_732, %dot_general3A_744 : vector<256x128xf32>
    %get3A_746 = arith.constant 3 : index
    %get3A_747 = arith.constant 0 : index
    %get3A_748 = arith.constant 0 : index
    %get3A_749 = vector.load %arg23[%get3A_746, %get3A_747, %get3A_748] : memref<32x256x160xf32, #tpu.memory_space<vmem>>, vector<1x256x160xf32>
    %get3A_750 = vector.shape_cast %get3A_749 : vector<1x256x160xf32> to vector<256x160xf32>
    %get3A_751 = arith.constant 3 : index
    %get3A_752 = arith.constant 0 : index
    %get3A_753 = arith.constant 0 : index
    %get3A_754 = vector.load %arg14[%get3A_751, %get3A_752, %get3A_753] : memref<32x160x128xf32, #tpu.memory_space<vmem>>, vector<1x160x128xf32>
    %get3A_755 = vector.shape_cast %get3A_754 : vector<1x160x128xf32> to vector<160x128xf32>
    %dot_general3A_756 = arith.constant dense<0.000000e+00> : vector<256x128xf32>
    %dot_general3A_757 = tpu.matmul %get3A_750, %get3A_755, %dot_general3A_756 {dimension_numbers = #tpu.dot_dimension_numbers<[1], [0], [0], [1], [0, 0, 1, 1], [], []>, transpose_lhs_hint = false} : vector<256x160xf32>, vector<160x128xf32>, vector<256x128xf32> -> vector<256x128xf32>
    %add3A_758 = arith.addf %add3A_745, %dot_general3A_757 : vector<256x128xf32>
    %get3A_759 = arith.constant 4 : index
    %get3A_760 = arith.constant 0 : index
    %get3A_761 = arith.constant 0 : index
    %get3A_762 = vector.load %arg23[%get3A_759, %get3A_760, %get3A_761] : memref<32x256x160xf32, #tpu.memory_space<vmem>>, vector<1x256x160xf32>
    %get3A_763 = vector.shape_cast %get3A_762 : vector<1x256x160xf32> to vector<256x160xf32>
    %get3A_764 = arith.constant 4 : index
    %get3A_765 = arith.constant 0 : index
    %get3A_766 = arith.constant 0 : index
    %get3A_767 = vector.load %arg14[%get3A_764, %get3A_765, %get3A_766] : memref<32x160x128xf32, #tpu.memory_space<vmem>>, vector<1x160x128xf32>
    %get3A_768 = vector.shape_cast %get3A_767 : vector<1x160x128xf32> to vector<160x128xf32>
    %dot_general3A_769 = arith.constant dense<0.000000e+00> : vector<256x128xf32>
    %dot_general3A_770 = tpu.matmul %get3A_763, %get3A_768, %dot_general3A_769 {dimension_numbers = #tpu.dot_dimension_numbers<[1], [0], [0], [1], [0, 0, 1, 1], [], []>, transpose_lhs_hint = false} : vector<256x160xf32>, vector<160x128xf32>, vector<256x128xf32> -> vector<256x128xf32>
    %add3A_771 = arith.addf %add3A_758, %dot_general3A_770 : vector<256x128xf32>
    %get3A_772 = arith.constant 5 : index
    %get3A_773 = arith.constant 0 : index
    %get3A_774 = arith.constant 0 : index
    %get3A_775 = vector.load %arg23[%get3A_772, %get3A_773, %get3A_774] : memref<32x256x160xf32, #tpu.memory_space<vmem>>, vector<1x256x160xf32>
    %get3A_776 = vector.shape_cast %get3A_775 : vector<1x256x160xf32> to vector<256x160xf32>
    %get3A_777 = arith.constant 5 : index
    %get3A_778 = arith.constant 0 : index
    %get3A_779 = arith.constant 0 : index
    %get3A_780 = vector.load %arg14[%get3A_777, %get3A_778, %get3A_779] : memref<32x160x128xf32, #tpu.memory_space<vmem>>, vector<1x160x128xf32>
    %get3A_781 = vector.shape_cast %get3A_780 : vector<1x160x128xf32> to vector<160x128xf32>
    %dot_general3A_782 = arith.constant dense<0.000000e+00> : vector<256x128xf32>
    %dot_general3A_783 = tpu.matmul %get3A_776, %get3A_781, %dot_general3A_782 {dimension_numbers = #tpu.dot_dimension_numbers<[1], [0], [0], [1], [0, 0, 1, 1], [], []>, transpose_lhs_hint = false} : vector<256x160xf32>, vector<160x128xf32>, vector<256x128xf32> -> vector<256x128xf32>
    %add3A_784 = arith.addf %add3A_771, %dot_general3A_783 : vector<256x128xf32>
    %get3A_785 = arith.constant 6 : index
    %get3A_786 = arith.constant 0 : index
    %get3A_787 = arith.constant 0 : index
    %get3A_788 = vector.load %arg23[%get3A_785, %get3A_786, %get3A_787] : memref<32x256x160xf32, #tpu.memory_space<vmem>>, vector<1x256x160xf32>
    %get3A_789 = vector.shape_cast %get3A_788 : vector<1x256x160xf32> to vector<256x160xf32>
    %get3A_790 = arith.constant 6 : index
    %get3A_791 = arith.constant 0 : index
    %get3A_792 = arith.constant 0 : index
    %get3A_793 = vector.load %arg14[%get3A_790, %get3A_791, %get3A_792] : memref<32x160x128xf32, #tpu.memory_space<vmem>>, vector<1x160x128xf32>
    %get3A_794 = vector.shape_cast %get3A_793 : vector<1x160x128xf32> to vector<160x128xf32>
    %dot_general3A_795 = arith.constant dense<0.000000e+00> : vector<256x128xf32>
    %dot_general3A_796 = tpu.matmul %get3A_789, %get3A_794, %dot_general3A_795 {dimension_numbers = #tpu.dot_dimension_numbers<[1], [0], [0], [1], [0, 0, 1, 1], [], []>, transpose_lhs_hint = false} : vector<256x160xf32>, vector<160x128xf32>, vector<256x128xf32> -> vector<256x128xf32>
    %add3A_797 = arith.addf %add3A_784, %dot_general3A_796 : vector<256x128xf32>
    %get3A_798 = arith.constant 7 : index
    %get3A_799 = arith.constant 0 : index
    %get3A_800 = arith.constant 0 : index
    %get3A_801 = vector.load %arg23[%get3A_798, %get3A_799, %get3A_800] : memref<32x256x160xf32, #tpu.memory_space<vmem>>, vector<1x256x160xf32>
    %get3A_802 = vector.shape_cast %get3A_801 : vector<1x256x160xf32> to vector<256x160xf32>
    %get3A_803 = arith.constant 7 : index
    %get3A_804 = arith.constant 0 : index
    %get3A_805 = arith.constant 0 : index
    %get3A_806 = vector.load %arg14[%get3A_803, %get3A_804, %get3A_805] : memref<32x160x128xf32, #tpu.memory_space<vmem>>, vector<1x160x128xf32>
    %get3A_807 = vector.shape_cast %get3A_806 : vector<1x160x128xf32> to vector<160x128xf32>
    %dot_general3A_808 = arith.constant dense<0.000000e+00> : vector<256x128xf32>
    %dot_general3A_809 = tpu.matmul %get3A_802, %get3A_807, %dot_general3A_808 {dimension_numbers = #tpu.dot_dimension_numbers<[1], [0], [0], [1], [0, 0, 1, 1], [], []>, transpose_lhs_hint = false} : vector<256x160xf32>, vector<160x128xf32>, vector<256x128xf32> -> vector<256x128xf32>
    %add3A_810 = arith.addf %add3A_797, %dot_general3A_809 : vector<256x128xf32>
    %get3A_811 = arith.constant 8 : index
    %get3A_812 = arith.constant 0 : index
    %get3A_813 = arith.constant 0 : index
    %get3A_814 = vector.load %arg23[%get3A_811, %get3A_812, %get3A_813] : memref<32x256x160xf32, #tpu.memory_space<vmem>>, vector<1x256x160xf32>
    %get3A_815 = vector.shape_cast %get3A_814 : vector<1x256x160xf32> to vector<256x160xf32>
    %get3A_816 = arith.constant 8 : index
    %get3A_817 = arith.constant 0 : index
    %get3A_818 = arith.constant 0 : index
    %get3A_819 = vector.load %arg14[%get3A_816, %get3A_817, %get3A_818] : memref<32x160x128xf32, #tpu.memory_space<vmem>>, vector<1x160x128xf32>
    %get3A_820 = vector.shape_cast %get3A_819 : vector<1x160x128xf32> to vector<160x128xf32>
    %dot_general3A_821 = arith.constant dense<0.000000e+00> : vector<256x128xf32>
    %dot_general3A_822 = tpu.matmul %get3A_815, %get3A_820, %dot_general3A_821 {dimension_numbers = #tpu.dot_dimension_numbers<[1], [0], [0], [1], [0, 0, 1, 1], [], []>, transpose_lhs_hint = false} : vector<256x160xf32>, vector<160x128xf32>, vector<256x128xf32> -> vector<256x128xf32>
    %add3A_823 = arith.addf %add3A_810, %dot_general3A_822 : vector<256x128xf32>
    %get3A_824 = arith.constant 9 : index
    %get3A_825 = arith.constant 0 : index
    %get3A_826 = arith.constant 0 : index
    %get3A_827 = vector.load %arg23[%get3A_824, %get3A_825, %get3A_826] : memref<32x256x160xf32, #tpu.memory_space<vmem>>, vector<1x256x160xf32>
    %get3A_828 = vector.shape_cast %get3A_827 : vector<1x256x160xf32> to vector<256x160xf32>
    %get3A_829 = arith.constant 9 : index
    %get3A_830 = arith.constant 0 : index
    %get3A_831 = arith.constant 0 : index
    %get3A_832 = vector.load %arg14[%get3A_829, %get3A_830, %get3A_831] : memref<32x160x128xf32, #tpu.memory_space<vmem>>, vector<1x160x128xf32>
    %get3A_833 = vector.shape_cast %get3A_832 : vector<1x160x128xf32> to vector<160x128xf32>
    %dot_general3A_834 = arith.constant dense<0.000000e+00> : vector<256x128xf32>
    %dot_general3A_835 = tpu.matmul %get3A_828, %get3A_833, %dot_general3A_834 {dimension_numbers = #tpu.dot_dimension_numbers<[1], [0], [0], [1], [0, 0, 1, 1], [], []>, transpose_lhs_hint = false} : vector<256x160xf32>, vector<160x128xf32>, vector<256x128xf32> -> vector<256x128xf32>
    %add3A_836 = arith.addf %add3A_823, %dot_general3A_835 : vector<256x128xf32>
    %get3A_837 = arith.constant 10 : index
    %get3A_838 = arith.constant 0 : index
    %get3A_839 = arith.constant 0 : index
    %get3A_840 = vector.load %arg23[%get3A_837, %get3A_838, %get3A_839] : memref<32x256x160xf32, #tpu.memory_space<vmem>>, vector<1x256x160xf32>
    %get3A_841 = vector.shape_cast %get3A_840 : vector<1x256x160xf32> to vector<256x160xf32>
    %get3A_842 = arith.constant 10 : index
    %get3A_843 = arith.constant 0 : index
    %get3A_844 = arith.constant 0 : index
    %get3A_845 = vector.load %arg14[%get3A_842, %get3A_843, %get3A_844] : memref<32x160x128xf32, #tpu.memory_space<vmem>>, vector<1x160x128xf32>
    %get3A_846 = vector.shape_cast %get3A_845 : vector<1x160x128xf32> to vector<160x128xf32>
    %dot_general3A_847 = arith.constant dense<0.000000e+00> : vector<256x128xf32>
    %dot_general3A_848 = tpu.matmul %get3A_841, %get3A_846, %dot_general3A_847 {dimension_numbers = #tpu.dot_dimension_numbers<[1], [0], [0], [1], [0, 0, 1, 1], [], []>, transpose_lhs_hint = false} : vector<256x160xf32>, vector<160x128xf32>, vector<256x128xf32> -> vector<256x128xf32>
    %add3A_849 = arith.addf %add3A_836, %dot_general3A_848 : vector<256x128xf32>
    %get3A_850 = arith.constant 11 : index
    %get3A_851 = arith.constant 0 : index
    %get3A_852 = arith.constant 0 : index
    %get3A_853 = vector.load %arg23[%get3A_850, %get3A_851, %get3A_852] : memref<32x256x160xf32, #tpu.memory_space<vmem>>, vector<1x256x160xf32>
    %get3A_854 = vector.shape_cast %get3A_853 : vector<1x256x160xf32> to vector<256x160xf32>
    %get3A_855 = arith.constant 11 : index
    %get3A_856 = arith.constant 0 : index
    %get3A_857 = arith.constant 0 : index
    %get3A_858 = vector.load %arg14[%get3A_855, %get3A_856, %get3A_857] : memref<32x160x128xf32, #tpu.memory_space<vmem>>, vector<1x160x128xf32>
    %get3A_859 = vector.shape_cast %get3A_858 : vector<1x160x128xf32> to vector<160x128xf32>
    %dot_general3A_860 = arith.constant dense<0.000000e+00> : vector<256x128xf32>
    %dot_general3A_861 = tpu.matmul %get3A_854, %get3A_859, %dot_general3A_860 {dimension_numbers = #tpu.dot_dimension_numbers<[1], [0], [0], [1], [0, 0, 1, 1], [], []>, transpose_lhs_hint = false} : vector<256x160xf32>, vector<160x128xf32>, vector<256x128xf32> -> vector<256x128xf32>
    %add3A_862 = arith.addf %add3A_849, %dot_general3A_861 : vector<256x128xf32>
    %get3A_863 = arith.constant 12 : index
    %get3A_864 = arith.constant 0 : index
    %get3A_865 = arith.constant 0 : index
    %get3A_866 = vector.load %arg23[%get3A_863, %get3A_864, %get3A_865] : memref<32x256x160xf32, #tpu.memory_space<vmem>>, vector<1x256x160xf32>
    %get3A_867 = vector.shape_cast %get3A_866 : vector<1x256x160xf32> to vector<256x160xf32>
    %get3A_868 = arith.constant 12 : index
    %get3A_869 = arith.constant 0 : index
    %get3A_870 = arith.constant 0 : index
    %get3A_871 = vector.load %arg14[%get3A_868, %get3A_869, %get3A_870] : memref<32x160x128xf32, #tpu.memory_space<vmem>>, vector<1x160x128xf32>
    %get3A_872 = vector.shape_cast %get3A_871 : vector<1x160x128xf32> to vector<160x128xf32>
    %dot_general3A_873 = arith.constant dense<0.000000e+00> : vector<256x128xf32>
    %dot_general3A_874 = tpu.matmul %get3A_867, %get3A_872, %dot_general3A_873 {dimension_numbers = #tpu.dot_dimension_numbers<[1], [0], [0], [1], [0, 0, 1, 1], [], []>, transpose_lhs_hint = false} : vector<256x160xf32>, vector<160x128xf32>, vector<256x128xf32> -> vector<256x128xf32>
    %add3A_875 = arith.addf %add3A_862, %dot_general3A_874 : vector<256x128xf32>
    %get3A_876 = arith.constant 13 : index
    %get3A_877 = arith.constant 0 : index
    %get3A_878 = arith.constant 0 : index
    %get3A_879 = vector.load %arg23[%get3A_876, %get3A_877, %get3A_878] : memref<32x256x160xf32, #tpu.memory_space<vmem>>, vector<1x256x160xf32>
    %get3A_880 = vector.shape_cast %get3A_879 : vector<1x256x160xf32> to vector<256x160xf32>
    %get3A_881 = arith.constant 13 : index
    %get3A_882 = arith.constant 0 : index
    %get3A_883 = arith.constant 0 : index
    %get3A_884 = vector.load %arg14[%get3A_881, %get3A_882, %get3A_883] : memref<32x160x128xf32, #tpu.memory_space<vmem>>, vector<1x160x128xf32>
    %get3A_885 = vector.shape_cast %get3A_884 : vector<1x160x128xf32> to vector<160x128xf32>
    %dot_general3A_886 = arith.constant dense<0.000000e+00> : vector<256x128xf32>
    %dot_general3A_887 = tpu.matmul %get3A_880, %get3A_885, %dot_general3A_886 {dimension_numbers = #tpu.dot_dimension_numbers<[1], [0], [0], [1], [0, 0, 1, 1], [], []>, transpose_lhs_hint = false} : vector<256x160xf32>, vector<160x128xf32>, vector<256x128xf32> -> vector<256x128xf32>
    %add3A_888 = arith.addf %add3A_875, %dot_general3A_887 : vector<256x128xf32>
    %get3A_889 = arith.constant 14 : index
    %get3A_890 = arith.constant 0 : index
    %get3A_891 = arith.constant 0 : index
    %get3A_892 = vector.load %arg23[%get3A_889, %get3A_890, %get3A_891] : memref<32x256x160xf32, #tpu.memory_space<vmem>>, vector<1x256x160xf32>
    %get3A_893 = vector.shape_cast %get3A_892 : vector<1x256x160xf32> to vector<256x160xf32>
    %get3A_894 = arith.constant 14 : index
    %get3A_895 = arith.constant 0 : index
    %get3A_896 = arith.constant 0 : index
    %get3A_897 = vector.load %arg14[%get3A_894, %get3A_895, %get3A_896] : memref<32x160x128xf32, #tpu.memory_space<vmem>>, vector<1x160x128xf32>
    %get3A_898 = vector.shape_cast %get3A_897 : vector<1x160x128xf32> to vector<160x128xf32>
    %dot_general3A_899 = arith.constant dense<0.000000e+00> : vector<256x128xf32>
    %dot_general3A_900 = tpu.matmul %get3A_893, %get3A_898, %dot_general3A_899 {dimension_numbers = #tpu.dot_dimension_numbers<[1], [0], [0], [1], [0, 0, 1, 1], [], []>, transpose_lhs_hint = false} : vector<256x160xf32>, vector<160x128xf32>, vector<256x128xf32> -> vector<256x128xf32>
    %add3A_901 = arith.addf %add3A_888, %dot_general3A_900 : vector<256x128xf32>
    %get3A_902 = arith.constant 15 : index
    %get3A_903 = arith.constant 0 : index
    %get3A_904 = arith.constant 0 : index
    %get3A_905 = vector.load %arg23[%get3A_902, %get3A_903, %get3A_904] : memref<32x256x160xf32, #tpu.memory_space<vmem>>, vector<1x256x160xf32>
    %get3A_906 = vector.shape_cast %get3A_905 : vector<1x256x160xf32> to vector<256x160xf32>
    %get3A_907 = arith.constant 15 : index
    %get3A_908 = arith.constant 0 : index
    %get3A_909 = arith.constant 0 : index
    %get3A_910 = vector.load %arg14[%get3A_907, %get3A_908, %get3A_909] : memref<32x160x128xf32, #tpu.memory_space<vmem>>, vector<1x160x128xf32>
    %get3A_911 = vector.shape_cast %get3A_910 : vector<1x160x128xf32> to vector<160x128xf32>
    %dot_general3A_912 = arith.constant dense<0.000000e+00> : vector<256x128xf32>
    %dot_general3A_913 = tpu.matmul %get3A_906, %get3A_911, %dot_general3A_912 {dimension_numbers = #tpu.dot_dimension_numbers<[1], [0], [0], [1], [0, 0, 1, 1], [], []>, transpose_lhs_hint = false} : vector<256x160xf32>, vector<160x128xf32>, vector<256x128xf32> -> vector<256x128xf32>
    %add3A_914 = arith.addf %add3A_901, %dot_general3A_913 : vector<256x128xf32>
    %get3A_915 = arith.constant 16 : index
    %get3A_916 = arith.constant 0 : index
    %get3A_917 = arith.constant 0 : index
    %get3A_918 = vector.load %arg23[%get3A_915, %get3A_916, %get3A_917] : memref<32x256x160xf32, #tpu.memory_space<vmem>>, vector<1x256x160xf32>
    %get3A_919 = vector.shape_cast %get3A_918 : vector<1x256x160xf32> to vector<256x160xf32>
    %get3A_920 = arith.constant 16 : index
    %get3A_921 = arith.constant 0 : index
    %get3A_922 = arith.constant 0 : index
    %get3A_923 = vector.load %arg14[%get3A_920, %get3A_921, %get3A_922] : memref<32x160x128xf32, #tpu.memory_space<vmem>>, vector<1x160x128xf32>
    %get3A_924 = vector.shape_cast %get3A_923 : vector<1x160x128xf32> to vector<160x128xf32>
    %dot_general3A_925 = arith.constant dense<0.000000e+00> : vector<256x128xf32>
    %dot_general3A_926 = tpu.matmul %get3A_919, %get3A_924, %dot_general3A_925 {dimension_numbers = #tpu.dot_dimension_numbers<[1], [0], [0], [1], [0, 0, 1, 1], [], []>, transpose_lhs_hint = false} : vector<256x160xf32>, vector<160x128xf32>, vector<256x128xf32> -> vector<256x128xf32>
    %add3A_927 = arith.addf %add3A_914, %dot_general3A_926 : vector<256x128xf32>
    %get3A_928 = arith.constant 17 : index
    %get3A_929 = arith.constant 0 : index
    %get3A_930 = arith.constant 0 : index
    %get3A_931 = vector.load %arg23[%get3A_928, %get3A_929, %get3A_930] : memref<32x256x160xf32, #tpu.memory_space<vmem>>, vector<1x256x160xf32>
    %get3A_932 = vector.shape_cast %get3A_931 : vector<1x256x160xf32> to vector<256x160xf32>
    %get3A_933 = arith.constant 17 : index
    %get3A_934 = arith.constant 0 : index
    %get3A_935 = arith.constant 0 : index
    %get3A_936 = vector.load %arg14[%get3A_933, %get3A_934, %get3A_935] : memref<32x160x128xf32, #tpu.memory_space<vmem>>, vector<1x160x128xf32>
    %get3A_937 = vector.shape_cast %get3A_936 : vector<1x160x128xf32> to vector<160x128xf32>
    %dot_general3A_938 = arith.constant dense<0.000000e+00> : vector<256x128xf32>
    %dot_general3A_939 = tpu.matmul %get3A_932, %get3A_937, %dot_general3A_938 {dimension_numbers = #tpu.dot_dimension_numbers<[1], [0], [0], [1], [0, 0, 1, 1], [], []>, transpose_lhs_hint = false} : vector<256x160xf32>, vector<160x128xf32>, vector<256x128xf32> -> vector<256x128xf32>
    %add3A_940 = arith.addf %add3A_927, %dot_general3A_939 : vector<256x128xf32>
    %get3A_941 = arith.constant 18 : index
    %get3A_942 = arith.constant 0 : index
    %get3A_943 = arith.constant 0 : index
    %get3A_944 = vector.load %arg23[%get3A_941, %get3A_942, %get3A_943] : memref<32x256x160xf32, #tpu.memory_space<vmem>>, vector<1x256x160xf32>
    %get3A_945 = vector.shape_cast %get3A_944 : vector<1x256x160xf32> to vector<256x160xf32>
    %get3A_946 = arith.constant 18 : index
    %get3A_947 = arith.constant 0 : index
    %get3A_948 = arith.constant 0 : index
    %get3A_949 = vector.load %arg14[%get3A_946, %get3A_947, %get3A_948] : memref<32x160x128xf32, #tpu.memory_space<vmem>>, vector<1x160x128xf32>
    %get3A_950 = vector.shape_cast %get3A_949 : vector<1x160x128xf32> to vector<160x128xf32>
    %dot_general3A_951 = arith.constant dense<0.000000e+00> : vector<256x128xf32>
    %dot_general3A_952 = tpu.matmul %get3A_945, %get3A_950, %dot_general3A_951 {dimension_numbers = #tpu.dot_dimension_numbers<[1], [0], [0], [1], [0, 0, 1, 1], [], []>, transpose_lhs_hint = false} : vector<256x160xf32>, vector<160x128xf32>, vector<256x128xf32> -> vector<256x128xf32>
    %add3A_953 = arith.addf %add3A_940, %dot_general3A_952 : vector<256x128xf32>
    %get3A_954 = arith.constant 19 : index
    %get3A_955 = arith.constant 0 : index
    %get3A_956 = arith.constant 0 : index
    %get3A_957 = vector.load %arg23[%get3A_954, %get3A_955, %get3A_956] : memref<32x256x160xf32, #tpu.memory_space<vmem>>, vector<1x256x160xf32>
    %get3A_958 = vector.shape_cast %get3A_957 : vector<1x256x160xf32> to vector<256x160xf32>
    %get3A_959 = arith.constant 19 : index
    %get3A_960 = arith.constant 0 : index
    %get3A_961 = arith.constant 0 : index
    %get3A_962 = vector.load %arg14[%get3A_959, %get3A_960, %get3A_961] : memref<32x160x128xf32, #tpu.memory_space<vmem>>, vector<1x160x128xf32>
    %get3A_963 = vector.shape_cast %get3A_962 : vector<1x160x128xf32> to vector<160x128xf32>
    %dot_general3A_964 = arith.constant dense<0.000000e+00> : vector<256x128xf32>
    %dot_general3A_965 = tpu.matmul %get3A_958, %get3A_963, %dot_general3A_964 {dimension_numbers = #tpu.dot_dimension_numbers<[1], [0], [0], [1], [0, 0, 1, 1], [], []>, transpose_lhs_hint = false} : vector<256x160xf32>, vector<160x128xf32>, vector<256x128xf32> -> vector<256x128xf32>
    %add3A_966 = arith.addf %add3A_953, %dot_general3A_965 : vector<256x128xf32>
    %get3A_967 = arith.constant 20 : index
    %get3A_968 = arith.constant 0 : index
    %get3A_969 = arith.constant 0 : index
    %get3A_970 = vector.load %arg23[%get3A_967, %get3A_968, %get3A_969] : memref<32x256x160xf32, #tpu.memory_space<vmem>>, vector<1x256x160xf32>
    %get3A_971 = vector.shape_cast %get3A_970 : vector<1x256x160xf32> to vector<256x160xf32>
    %get3A_972 = arith.constant 20 : index
    %get3A_973 = arith.constant 0 : index
    %get3A_974 = arith.constant 0 : index
    %get3A_975 = vector.load %arg14[%get3A_972, %get3A_973, %get3A_974] : memref<32x160x128xf32, #tpu.memory_space<vmem>>, vector<1x160x128xf32>
    %get3A_976 = vector.shape_cast %get3A_975 : vector<1x160x128xf32> to vector<160x128xf32>
    %dot_general3A_977 = arith.constant dense<0.000000e+00> : vector<256x128xf32>
    %dot_general3A_978 = tpu.matmul %get3A_971, %get3A_976, %dot_general3A_977 {dimension_numbers = #tpu.dot_dimension_numbers<[1], [0], [0], [1], [0, 0, 1, 1], [], []>, transpose_lhs_hint = false} : vector<256x160xf32>, vector<160x128xf32>, vector<256x128xf32> -> vector<256x128xf32>
    %add3A_979 = arith.addf %add3A_966, %dot_general3A_978 : vector<256x128xf32>
    %get3A_980 = arith.constant 21 : index
    %get3A_981 = arith.constant 0 : index
    %get3A_982 = arith.constant 0 : index
    %get3A_983 = vector.load %arg23[%get3A_980, %get3A_981, %get3A_982] : memref<32x256x160xf32, #tpu.memory_space<vmem>>, vector<1x256x160xf32>
    %get3A_984 = vector.shape_cast %get3A_983 : vector<1x256x160xf32> to vector<256x160xf32>
    %get3A_985 = arith.constant 21 : index
    %get3A_986 = arith.constant 0 : index
    %get3A_987 = arith.constant 0 : index
    %get3A_988 = vector.load %arg14[%get3A_985, %get3A_986, %get3A_987] : memref<32x160x128xf32, #tpu.memory_space<vmem>>, vector<1x160x128xf32>
    %get3A_989 = vector.shape_cast %get3A_988 : vector<1x160x128xf32> to vector<160x128xf32>
    %dot_general3A_990 = arith.constant dense<0.000000e+00> : vector<256x128xf32>
    %dot_general3A_991 = tpu.matmul %get3A_984, %get3A_989, %dot_general3A_990 {dimension_numbers = #tpu.dot_dimension_numbers<[1], [0], [0], [1], [0, 0, 1, 1], [], []>, transpose_lhs_hint = false} : vector<256x160xf32>, vector<160x128xf32>, vector<256x128xf32> -> vector<256x128xf32>
    %add3A_992 = arith.addf %add3A_979, %dot_general3A_991 : vector<256x128xf32>
    %get3A_993 = arith.constant 22 : index
    %get3A_994 = arith.constant 0 : index
    %get3A_995 = arith.constant 0 : index
    %get3A_996 = vector.load %arg23[%get3A_993, %get3A_994, %get3A_995] : memref<32x256x160xf32, #tpu.memory_space<vmem>>, vector<1x256x160xf32>
    %get3A_997 = vector.shape_cast %get3A_996 : vector<1x256x160xf32> to vector<256x160xf32>
    %get3A_998 = arith.constant 22 : index
    %get3A_999 = arith.constant 0 : index
    %get3A_1000 = arith.constant 0 : index
    %get3A_1001 = vector.load %arg14[%get3A_998, %get3A_999, %get3A_1000] : memref<32x160x128xf32, #tpu.memory_space<vmem>>, vector<1x160x128xf32>
    %get3A_1002 = vector.shape_cast %get3A_1001 : vector<1x160x128xf32> to vector<160x128xf32>
    %dot_general3A_1003 = arith.constant dense<0.000000e+00> : vector<256x128xf32>
    %dot_general3A_1004 = tpu.matmul %get3A_997, %get3A_1002, %dot_general3A_1003 {dimension_numbers = #tpu.dot_dimension_numbers<[1], [0], [0], [1], [0, 0, 1, 1], [], []>, transpose_lhs_hint = false} : vector<256x160xf32>, vector<160x128xf32>, vector<256x128xf32> -> vector<256x128xf32>
    %add3A_1005 = arith.addf %add3A_992, %dot_general3A_1004 : vector<256x128xf32>
    %get3A_1006 = arith.constant 23 : index
    %get3A_1007 = arith.constant 0 : index
    %get3A_1008 = arith.constant 0 : index
    %get3A_1009 = vector.load %arg23[%get3A_1006, %get3A_1007, %get3A_1008] : memref<32x256x160xf32, #tpu.memory_space<vmem>>, vector<1x256x160xf32>
    %get3A_1010 = vector.shape_cast %get3A_1009 : vector<1x256x160xf32> to vector<256x160xf32>
    %get3A_1011 = arith.constant 23 : index
    %get3A_1012 = arith.constant 0 : index
    %get3A_1013 = arith.constant 0 : index
    %get3A_1014 = vector.load %arg14[%get3A_1011, %get3A_1012, %get3A_1013] : memref<32x160x128xf32, #tpu.memory_space<vmem>>, vector<1x160x128xf32>
    %get3A_1015 = vector.shape_cast %get3A_1014 : vector<1x160x128xf32> to vector<160x128xf32>
    %dot_general3A_1016 = arith.constant dense<0.000000e+00> : vector<256x128xf32>
    %dot_general3A_1017 = tpu.matmul %get3A_1010, %get3A_1015, %dot_general3A_1016 {dimension_numbers = #tpu.dot_dimension_numbers<[1], [0], [0], [1], [0, 0, 1, 1], [], []>, transpose_lhs_hint = false} : vector<256x160xf32>, vector<160x128xf32>, vector<256x128xf32> -> vector<256x128xf32>
    %add3A_1018 = arith.addf %add3A_1005, %dot_general3A_1017 : vector<256x128xf32>
    %get3A_1019 = arith.constant 24 : index
    %get3A_1020 = arith.constant 0 : index
    %get3A_1021 = arith.constant 0 : index
    %get3A_1022 = vector.load %arg23[%get3A_1019, %get3A_1020, %get3A_1021] : memref<32x256x160xf32, #tpu.memory_space<vmem>>, vector<1x256x160xf32>
    %get3A_1023 = vector.shape_cast %get3A_1022 : vector<1x256x160xf32> to vector<256x160xf32>
    %get3A_1024 = arith.constant 24 : index
    %get3A_1025 = arith.constant 0 : index
    %get3A_1026 = arith.constant 0 : index
    %get3A_1027 = vector.load %arg14[%get3A_1024, %get3A_1025, %get3A_1026] : memref<32x160x128xf32, #tpu.memory_space<vmem>>, vector<1x160x128xf32>
    %get3A_1028 = vector.shape_cast %get3A_1027 : vector<1x160x128xf32> to vector<160x128xf32>
    %dot_general3A_1029 = arith.constant dense<0.000000e+00> : vector<256x128xf32>
    %dot_general3A_1030 = tpu.matmul %get3A_1023, %get3A_1028, %dot_general3A_1029 {dimension_numbers = #tpu.dot_dimension_numbers<[1], [0], [0], [1], [0, 0, 1, 1], [], []>, transpose_lhs_hint = false} : vector<256x160xf32>, vector<160x128xf32>, vector<256x128xf32> -> vector<256x128xf32>
    %add3A_1031 = arith.addf %add3A_1018, %dot_general3A_1030 : vector<256x128xf32>
    %get3A_1032 = arith.constant 25 : index
    %get3A_1033 = arith.constant 0 : index
    %get3A_1034 = arith.constant 0 : index
    %get3A_1035 = vector.load %arg23[%get3A_1032, %get3A_1033, %get3A_1034] : memref<32x256x160xf32, #tpu.memory_space<vmem>>, vector<1x256x160xf32>
    %get3A_1036 = vector.shape_cast %get3A_1035 : vector<1x256x160xf32> to vector<256x160xf32>
    %get3A_1037 = arith.constant 25 : index
    %get3A_1038 = arith.constant 0 : index
    %get3A_1039 = arith.constant 0 : index
    %get3A_1040 = vector.load %arg14[%get3A_1037, %get3A_1038, %get3A_1039] : memref<32x160x128xf32, #tpu.memory_space<vmem>>, vector<1x160x128xf32>
    %get3A_1041 = vector.shape_cast %get3A_1040 : vector<1x160x128xf32> to vector<160x128xf32>
    %dot_general3A_1042 = arith.constant dense<0.000000e+00> : vector<256x128xf32>
    %dot_general3A_1043 = tpu.matmul %get3A_1036, %get3A_1041, %dot_general3A_1042 {dimension_numbers = #tpu.dot_dimension_numbers<[1], [0], [0], [1], [0, 0, 1, 1], [], []>, transpose_lhs_hint = false} : vector<256x160xf32>, vector<160x128xf32>, vector<256x128xf32> -> vector<256x128xf32>
    %add3A_1044 = arith.addf %add3A_1031, %dot_general3A_1043 : vector<256x128xf32>
    %get3A_1045 = arith.constant 26 : index
    %get3A_1046 = arith.constant 0 : index
    %get3A_1047 = arith.constant 0 : index
    %get3A_1048 = vector.load %arg23[%get3A_1045, %get3A_1046, %get3A_1047] : memref<32x256x160xf32, #tpu.memory_space<vmem>>, vector<1x256x160xf32>
    %get3A_1049 = vector.shape_cast %get3A_1048 : vector<1x256x160xf32> to vector<256x160xf32>
    %get3A_1050 = arith.constant 26 : index
    %get3A_1051 = arith.constant 0 : index
    %get3A_1052 = arith.constant 0 : index
    %get3A_1053 = vector.load %arg14[%get3A_1050, %get3A_1051, %get3A_1052] : memref<32x160x128xf32, #tpu.memory_space<vmem>>, vector<1x160x128xf32>
    %get3A_1054 = vector.shape_cast %get3A_1053 : vector<1x160x128xf32> to vector<160x128xf32>
    %dot_general3A_1055 = arith.constant dense<0.000000e+00> : vector<256x128xf32>
    %dot_general3A_1056 = tpu.matmul %get3A_1049, %get3A_1054, %dot_general3A_1055 {dimension_numbers = #tpu.dot_dimension_numbers<[1], [0], [0], [1], [0, 0, 1, 1], [], []>, transpose_lhs_hint = false} : vector<256x160xf32>, vector<160x128xf32>, vector<256x128xf32> -> vector<256x128xf32>
    %add3A_1057 = arith.addf %add3A_1044, %dot_general3A_1056 : vector<256x128xf32>
    %get3A_1058 = arith.constant 27 : index
    %get3A_1059 = arith.constant 0 : index
    %get3A_1060 = arith.constant 0 : index
    %get3A_1061 = vector.load %arg23[%get3A_1058, %get3A_1059, %get3A_1060] : memref<32x256x160xf32, #tpu.memory_space<vmem>>, vector<1x256x160xf32>
    %get3A_1062 = vector.shape_cast %get3A_1061 : vector<1x256x160xf32> to vector<256x160xf32>
    %get3A_1063 = arith.constant 27 : index
    %get3A_1064 = arith.constant 0 : index
    %get3A_1065 = arith.constant 0 : index
    %get3A_1066 = vector.load %arg14[%get3A_1063, %get3A_1064, %get3A_1065] : memref<32x160x128xf32, #tpu.memory_space<vmem>>, vector<1x160x128xf32>
    %get3A_1067 = vector.shape_cast %get3A_1066 : vector<1x160x128xf32> to vector<160x128xf32>
    %dot_general3A_1068 = arith.constant dense<0.000000e+00> : vector<256x128xf32>
    %dot_general3A_1069 = tpu.matmul %get3A_1062, %get3A_1067, %dot_general3A_1068 {dimension_numbers = #tpu.dot_dimension_numbers<[1], [0], [0], [1], [0, 0, 1, 1], [], []>, transpose_lhs_hint = false} : vector<256x160xf32>, vector<160x128xf32>, vector<256x128xf32> -> vector<256x128xf32>
    %add3A_1070 = arith.addf %add3A_1057, %dot_general3A_1069 : vector<256x128xf32>
    %get3A_1071 = arith.constant 28 : index
    %get3A_1072 = arith.constant 0 : index
    %get3A_1073 = arith.constant 0 : index
    %get3A_1074 = vector.load %arg23[%get3A_1071, %get3A_1072, %get3A_1073] : memref<32x256x160xf32, #tpu.memory_space<vmem>>, vector<1x256x160xf32>
    %get3A_1075 = vector.shape_cast %get3A_1074 : vector<1x256x160xf32> to vector<256x160xf32>
    %get3A_1076 = arith.constant 28 : index
    %get3A_1077 = arith.constant 0 : index
    %get3A_1078 = arith.constant 0 : index
    %get3A_1079 = vector.load %arg14[%get3A_1076, %get3A_1077, %get3A_1078] : memref<32x160x128xf32, #tpu.memory_space<vmem>>, vector<1x160x128xf32>
    %get3A_1080 = vector.shape_cast %get3A_1079 : vector<1x160x128xf32> to vector<160x128xf32>
    %dot_general3A_1081 = arith.constant dense<0.000000e+00> : vector<256x128xf32>
    %dot_general3A_1082 = tpu.matmul %get3A_1075, %get3A_1080, %dot_general3A_1081 {dimension_numbers = #tpu.dot_dimension_numbers<[1], [0], [0], [1], [0, 0, 1, 1], [], []>, transpose_lhs_hint = false} : vector<256x160xf32>, vector<160x128xf32>, vector<256x128xf32> -> vector<256x128xf32>
    %add3A_1083 = arith.addf %add3A_1070, %dot_general3A_1082 : vector<256x128xf32>
    %get3A_1084 = arith.constant 29 : index
    %get3A_1085 = arith.constant 0 : index
    %get3A_1086 = arith.constant 0 : index
    %get3A_1087 = vector.load %arg23[%get3A_1084, %get3A_1085, %get3A_1086] : memref<32x256x160xf32, #tpu.memory_space<vmem>>, vector<1x256x160xf32>
    %get3A_1088 = vector.shape_cast %get3A_1087 : vector<1x256x160xf32> to vector<256x160xf32>
    %get3A_1089 = arith.constant 29 : index
    %get3A_1090 = arith.constant 0 : index
    %get3A_1091 = arith.constant 0 : index
    %get3A_1092 = vector.load %arg14[%get3A_1089, %get3A_1090, %get3A_1091] : memref<32x160x128xf32, #tpu.memory_space<vmem>>, vector<1x160x128xf32>
    %get3A_1093 = vector.shape_cast %get3A_1092 : vector<1x160x128xf32> to vector<160x128xf32>
    %dot_general3A_1094 = arith.constant dense<0.000000e+00> : vector<256x128xf32>
    %dot_general3A_1095 = tpu.matmul %get3A_1088, %get3A_1093, %dot_general3A_1094 {dimension_numbers = #tpu.dot_dimension_numbers<[1], [0], [0], [1], [0, 0, 1, 1], [], []>, transpose_lhs_hint = false} : vector<256x160xf32>, vector<160x128xf32>, vector<256x128xf32> -> vector<256x128xf32>
    %add3A_1096 = arith.addf %add3A_1083, %dot_general3A_1095 : vector<256x128xf32>
    %get3A_1097 = arith.constant 30 : index
    %get3A_1098 = arith.constant 0 : index
    %get3A_1099 = arith.constant 0 : index
    %get3A_1100 = vector.load %arg23[%get3A_1097, %get3A_1098, %get3A_1099] : memref<32x256x160xf32, #tpu.memory_space<vmem>>, vector<1x256x160xf32>
    %get3A_1101 = vector.shape_cast %get3A_1100 : vector<1x256x160xf32> to vector<256x160xf32>
    %get3A_1102 = arith.constant 30 : index
    %get3A_1103 = arith.constant 0 : index
    %get3A_1104 = arith.constant 0 : index
    %get3A_1105 = vector.load %arg14[%get3A_1102, %get3A_1103, %get3A_1104] : memref<32x160x128xf32, #tpu.memory_space<vmem>>, vector<1x160x128xf32>
    %get3A_1106 = vector.shape_cast %get3A_1105 : vector<1x160x128xf32> to vector<160x128xf32>
    %dot_general3A_1107 = arith.constant dense<0.000000e+00> : vector<256x128xf32>
    %dot_general3A_1108 = tpu.matmul %get3A_1101, %get3A_1106, %dot_general3A_1107 {dimension_numbers = #tpu.dot_dimension_numbers<[1], [0], [0], [1], [0, 0, 1, 1], [], []>, transpose_lhs_hint = false} : vector<256x160xf32>, vector<160x128xf32>, vector<256x128xf32> -> vector<256x128xf32>
    %add3A_1109 = arith.addf %add3A_1096, %dot_general3A_1108 : vector<256x128xf32>
    %get3A_1110 = arith.constant 31 : index
    %get3A_1111 = arith.constant 0 : index
    %get3A_1112 = arith.constant 0 : index
    %get3A_1113 = vector.load %arg23[%get3A_1110, %get3A_1111, %get3A_1112] : memref<32x256x160xf32, #tpu.memory_space<vmem>>, vector<1x256x160xf32>
    %get3A_1114 = vector.shape_cast %get3A_1113 : vector<1x256x160xf32> to vector<256x160xf32>
    %get3A_1115 = arith.constant 31 : index
    %get3A_1116 = arith.constant 0 : index
    %get3A_1117 = arith.constant 0 : index
    %get3A_1118 = vector.load %arg14[%get3A_1115, %get3A_1116, %get3A_1117] : memref<32x160x128xf32, #tpu.memory_space<vmem>>, vector<1x160x128xf32>
    %get3A_1119 = vector.shape_cast %get3A_1118 : vector<1x160x128xf32> to vector<160x128xf32>
    %dot_general3A_1120 = arith.constant dense<0.000000e+00> : vector<256x128xf32>
    %dot_general3A_1121 = tpu.matmul %get3A_1114, %get3A_1119, %dot_general3A_1120 {dimension_numbers = #tpu.dot_dimension_numbers<[1], [0], [0], [1], [0, 0, 1, 1], [], []>, transpose_lhs_hint = false} : vector<256x160xf32>, vector<160x128xf32>, vector<256x128xf32> -> vector<256x128xf32>
    %add3A_1122 = arith.addf %add3A_1109, %dot_general3A_1121 : vector<256x128xf32>
    %get3A_1123 = arith.constant 0 : index
    %get3A_1124 = vector.load %arg16[%get3A_1123] : memref<128xf32, #tpu.memory_space<vmem>>, vector<128xf32>
    %get3A_1125 = arith.constant 0 : index
    %get3A_1126 = vector.load %arg17[%get3A_1125] : memref<128xf32, #tpu.memory_space<vmem>>, vector<128xf32>
    %reduce_sum3A_1127 = arith.constant dense<0.000000e+00> : vector<256xf32>
    %reduce_sum3A_1128 = vector.multi_reduction <add>, %add3A_1122, %reduce_sum3A_1127 [1] : vector<256x128xf32> to vector<256xf32>
    %broadcast_in_dim3A_1129 = vector.shape_cast %reduce_sum3A_1128 : vector<256xf32> to vector<256x1xf32>
    %div3A_1130 = arith.constant 1.280000e+02 : f32
    %div3A_1131 = vector.broadcast %div3A_1130 : f32 to vector<256x1xf32>
    %div3A_1132 = arith.divf %broadcast_in_dim3A_1129, %div3A_1131 : vector<256x1xf32>
    %sub3A_1133 = vector.broadcast %div3A_1132 : vector<256x1xf32> to vector<256x128xf32>
    %sub3A_1134 = arith.subf %add3A_1122, %sub3A_1133 : vector<256x128xf32>
    %mul3A_1135 = arith.mulf %sub3A_1134, %sub3A_1134 : vector<256x128xf32>
    %reduce_sum3A_1136 = arith.constant dense<0.000000e+00> : vector<256xf32>
    %reduce_sum3A_1137 = vector.multi_reduction <add>, %mul3A_1135, %reduce_sum3A_1136 [1] : vector<256x128xf32> to vector<256xf32>
    %broadcast_in_dim3A_1138 = vector.shape_cast %reduce_sum3A_1137 : vector<256xf32> to vector<256x1xf32>
    %div3A_1139 = arith.constant 1.280000e+02 : f32
    %div3A_1140 = vector.broadcast %div3A_1139 : f32 to vector<256x1xf32>
    %div3A_1141 = arith.divf %broadcast_in_dim3A_1138, %div3A_1140 : vector<256x1xf32>
    %add3A_1142 = arith.constant 9.99999974E-6 : f32
    %add3A_1143 = vector.broadcast %add3A_1142 : f32 to vector<256x1xf32>
    %add3A_1144 = arith.addf %div3A_1141, %add3A_1143 : vector<256x1xf32>
    %sqrt3A_1145 = math.sqrt %add3A_1144 : vector<256x1xf32>
    %div3A_1146 = vector.broadcast %sqrt3A_1145 : vector<256x1xf32> to vector<256x128xf32>
    %div3A_1147 = arith.divf %sub3A_1134, %div3A_1146 : vector<256x128xf32>
    %broadcast_in_dim3A_1148 = vector.shape_cast %get3A_1124 : vector<128xf32> to vector<1x128xf32>
    %mul3A_1149 = vector.broadcast %broadcast_in_dim3A_1148 : vector<1x128xf32> to vector<256x128xf32>
    %mul3A_1150 = arith.mulf %div3A_1147, %mul3A_1149 : vector<256x128xf32>
    %broadcast_in_dim3A_1151 = vector.shape_cast %get3A_1126 : vector<128xf32> to vector<1x128xf32>
    %add3A_1152 = vector.broadcast %broadcast_in_dim3A_1151 : vector<1x128xf32> to vector<256x128xf32>
    %add3A_1153 = arith.addf %mul3A_1150, %add3A_1152 : vector<256x128xf32>
    %swap3A_1154 = arith.constant 0 : index
    %swap3A_1155 = arith.constant 0 : index
    %swap3A_1156 = vector.load %arg20[%swap3A_1154, %swap3A_1155] : memref<256x128xf32, #tpu.memory_space<vmem>>, vector<256x128xf32>
    tpu.vector_store %arg20[%swap3A_1154, %swap3A_1155], %add3A_1153 {strides = array<i32>} : memref<256x128xf32, #tpu.memory_space<vmem>>, vector<256x128xf32>,
    %get3A_1157 = arith.constant 0 : index
    %get3A_1158 = arith.constant 0 : index
    %get3A_1159 = vector.load %arg18[%get3A_1157, %get3A_1158] : memref<128x32xf32, #tpu.memory_space<vmem>>, vector<128x32xf32>
    %dot_general3A_1160 = arith.constant dense<0.000000e+00> : vector<256x32xf32>
    %dot_general3A_1161 = tpu.matmul %add3A_1153, %get3A_1159, %dot_general3A_1160 {dimension_numbers = #tpu.dot_dimension_numbers<[1], [0], [0], [1], [0, 0, 1, 1], [], []>, transpose_lhs_hint = false} : vector<256x128xf32>, vector<128x32xf32>, vector<256x32xf32> -> vector<256x32xf32>
    %get3A_1162 = arith.constant 0 : index
    %get3A_1163 = vector.load %arg19[%get3A_1162] : memref<32xf32, #tpu.memory_space<vmem>>, vector<32xf32>
    %broadcast_in_dim3A_1164 = vector.shape_cast %get3A_1163 : vector<32xf32> to vector<1x32xf32>
    %add3A_1165 = vector.broadcast %broadcast_in_dim3A_1164 : vector<1x32xf32> to vector<256x32xf32>
    %add3A_1166 = arith.addf %dot_general3A_1161, %add3A_1165 : vector<256x32xf32>
    %get3A_1167 = arith.constant 0 : index
    %get3A_1168 = arith.constant 0 : index
    %get3A_1169 = vector.load %arg22[%get3A_1167, %get3A_1168] : memref<1x32xf32, #tpu.memory_space<vmem>>, vector<1x32xf32>
    %reduce_max3A = arith.constant dense<0xFF800000> : vector<32xf32>
    %reduce_max3A_1170 = vector.multi_reduction <maximumf>, %add3A_1166, %reduce_max3A [0] : vector<256x32xf32> to vector<32xf32>
    %broadcast_in_dim3A_1171 = vector.shape_cast %reduce_max3A_1170 : vector<32xf32> to vector<1x32xf32>
    %max3A_1172 = arith.maximumf %get3A_1169, %broadcast_in_dim3A_1171 : vector<1x32xf32>
    %swap3A_1173 = arith.constant 0 : index
    %swap3A_1174 = arith.constant 0 : index
    %swap3A_1175 = vector.load %arg22[%swap3A_1173, %swap3A_1174] : memref<1x32xf32, #tpu.memory_space<vmem>>, vector<1x32xf32>
    tpu.vector_store %arg22[%swap3A_1173, %swap3A_1174], %max3A_1172 {strides = array<i32>} : memref<1x32xf32, #tpu.memory_space<vmem>>, vector<1x32xf32>,
    %get3A_1176 = arith.constant 0 : index
    %get3A_1177 = arith.constant 0 : index
    %get3A_1178 = vector.load %arg22[%get3A_1176, %get3A_1177] : memref<1x32xf32, #tpu.memory_space<vmem>>, vector<1x32xf32>
    %reshape3A_1179 = vector.shape_cast %get3A_1178 : vector<1x32xf32> to vector<1x1x32xf32>
    %swap3A_1180 = arith.constant 0 : index
    %swap3A_1181 = arith.constant 0 : index
    %swap3A_1182 = arith.constant 0 : index
    %swap3A_1183 = vector.load %arg21[%swap3A_1180, %swap3A_1181, %swap3A_1182] : memref<1x1x32xf32, #tpu.memory_space<vmem>>, vector<1x1x32xf32>
    tpu.vector_store %arg21[%swap3A_1180, %swap3A_1181, %swap3A_1182], %reshape3A_1179 {strides = array<i32>} : memref<1x1x32xf32, #tpu.memory_space<vmem>>, vector<1x1x32xf32>,
    return
  }
  func.func @transform_0(%arg0: i32) -> (i32, i32) {
    %c0_i32 = arith.constant 0 : i32
    %c0_i32_0 = arith.constant 0 : i32
    return %arg0, %c0_i32 : i32, i32
  }
  func.func @transform_1(%arg0: i32) -> (i32, i32) {
    %c0_i32 = arith.constant 0 : i32
    %c0_i32_0 = arith.constant 0 : i32
    return %arg0, %c0_i32 : i32, i32
  }
  func.func @transform_2(%arg0: i32) -> (i32, i32, i32) {
    %c0_i32 = arith.constant 0 : i32
    %c0_i32_0 = arith.constant 0 : i32
    %c0_i32_1 = arith.constant 0 : i32
    %c0_i32_2 = arith.constant 0 : i32
    return %c0_i32, %c0_i32_0, %c0_i32_1 : i32, i32, i32
  }
  func.func @transform_3(%arg0: i32) -> (i32, i32) {
    %c0_i32 = arith.constant 0 : i32
    %c0_i32_0 = arith.constant 0 : i32
    %c0_i32_1 = arith.constant 0 : i32
    return %c0_i32, %c0_i32_0 : i32, i32
  }
  func.func @transform_4(%arg0: i32) -> i32 {
    %c0_i32 = arith.constant 0 : i32
    %c0_i32_0 = arith.constant 0 : i32
    return %c0_i32 : i32
  }
  func.func @transform_5(%arg0: i32) -> i32 {
    %c0_i32 = arith.constant 0 : i32
    %c0_i32_0 = arith.constant 0 : i32
    return %c0_i32 : i32
  }
  func.func @transform_6(%arg0: i32) -> i32 {
    %c0_i32 = arith.constant 0 : i32
    %c0_i32_0 = arith.constant 0 : i32
    return %c0_i32 : i32
  }
  func.func @transform_7(%arg0: i32) -> (i32, i32) {
    %c0_i32 = arith.constant 0 : i32
    %c0_i32_0 = arith.constant 0 : i32
    %c0_i32_1 = arith.constant 0 : i32
    return %c0_i32, %c0_i32_0 : i32, i32
  }
  func.func @transform_8(%arg0: i32) -> i32 {
    %c0_i32 = arith.constant 0 : i32
    %c0_i32_0 = arith.constant 0 : i32
    return %c0_i32 : i32
  }
  func.func @transform_9(%arg0: i32) -> i32 {
    %c0_i32 = arith.constant 0 : i32
    %c0_i32_0 = arith.constant 0 : i32
    return %c0_i32 : i32
  }
  func.func @transform_10(%arg0: i32) -> i32 {
    %c0_i32 = arith.constant 0 : i32
    %c0_i32_0 = arith.constant 0 : i32
    return %c0_i32 : i32
  }
  func.func @transform_11(%arg0: i32) -> (i32, i32) {
    %c0_i32 = arith.constant 0 : i32
    %c0_i32_0 = arith.constant 0 : i32
    %c0_i32_1 = arith.constant 0 : i32
    return %c0_i32, %c0_i32_0 : i32, i32
  }
  func.func @transform_12(%arg0: i32) -> i32 {
    %c0_i32 = arith.constant 0 : i32
    %c0_i32_0 = arith.constant 0 : i32
    return %c0_i32 : i32
  }
  func.func @transform_13(%arg0: i32) -> (i32, i32, i32) {
    %c0_i32 = arith.constant 0 : i32
    %c0_i32_0 = arith.constant 0 : i32
    %c0_i32_1 = arith.constant 0 : i32
    %c0_i32_2 = arith.constant 0 : i32
    return %c0_i32, %c0_i32_0, %c0_i32_1 : i32, i32, i32
  }
  func.func @transform_14(%arg0: i32) -> i32 {
    %c0_i32 = arith.constant 0 : i32
    %c0_i32_0 = arith.constant 0 : i32
    return %c0_i32 : i32
  }
  func.func @transform_15(%arg0: i32) -> i32 {
    %c0_i32 = arith.constant 0 : i32
    %c0_i32_0 = arith.constant 0 : i32
    return %c0_i32 : i32
  }
  func.func @transform_16(%arg0: i32) -> i32 {
    %c0_i32 = arith.constant 0 : i32
    %c0_i32_0 = arith.constant 0 : i32
    return %c0_i32 : i32
  }
  func.func @transform_17(%arg0: i32) -> (i32, i32) {
    %c0_i32 = arith.constant 0 : i32
    %c0_i32_0 = arith.constant 0 : i32
    %c0_i32_1 = arith.constant 0 : i32
    return %c0_i32, %c0_i32_0 : i32, i32
  }
  func.func @transform_18(%arg0: i32) -> i32 {
    %c0_i32 = arith.constant 0 : i32
    %c0_i32_0 = arith.constant 0 : i32
    return %c0_i32 : i32
  }
  func.func @transform_19(%arg0: i32) -> (i32, i32) {
    %c0_i32 = arith.constant 0 : i32
    %c0_i32_0 = arith.constant 0 : i32
    return %arg0, %c0_i32 : i32, i32
  }
  func.func @transform_20(%arg0: i32) -> (i32, i32, i32) {
    %jit3A = arith.constant 8 : i32
    %div3A = arith.divsi %arg0, %jit3A : i32
    %sign3A = arith.constant 0 : i32
    %sign3A_0 = arith.cmpi sgt, %arg0, %sign3A : i32
    %sign3A_1 = arith.extui %sign3A_0 : i1 to i32
    %sign3A_2 = arith.constant 0 : i32
    %sign3A_3 = arith.cmpi slt, %arg0, %sign3A_2 : i32
    %sign3A_4 = arith.extui %sign3A_3 : i1 to i32
    %sign3A_5 = arith.subi %sign3A_1, %sign3A_4 : i32
    %sign3A_6 = arith.constant 0 : i32
    %sign3A_7 = arith.cmpi sgt, %jit3A, %sign3A_6 : i32
    %sign3A_8 = arith.extui %sign3A_7 : i1 to i32
    %sign3A_9 = arith.constant 0 : i32
    %sign3A_10 = arith.cmpi slt, %jit3A, %sign3A_9 : i32
    %sign3A_11 = arith.extui %sign3A_10 : i1 to i32
    %sign3A_12 = arith.subi %sign3A_8, %sign3A_11 : i32
    %ne3A = arith.cmpi ne, %sign3A_5, %sign3A_12 : i32
    %rem3A = arith.remsi %arg0, %jit3A : i32
    %ne3A_13 = arith.constant 0 : i32
    %ne3A_14 = arith.cmpi ne, %rem3A, %ne3A_13 : i32
    %and3A = arith.andi %ne3A, %ne3A_14 : i1
    %sub3A = arith.constant 1 : i32
    %sub3A_15 = arith.subi %div3A, %sub3A : i32
    %select_n3A = arith.select %and3A, %sub3A_15, %div3A : i32
    %c0_i32 = arith.constant 0 : i32
    %c0_i32_16 = arith.constant 0 : i32
    %c0_i32_17 = arith.constant 0 : i32
    return %select_n3A, %c0_i32, %c0_i32_16 : i32, i32, i32
  }
}

module attributes {stable_mosaic.version = 14 : i64} {
  func.func @_concat_body(%arg0: i32, %arg1: memref<256x128xf32, #tpu.memory_space<vmem>>, %arg2: memref<1x1x32xf32, #tpu.memory_space<vmem>>, %arg3: memref<256x160xf32, #tpu.memory_space<vmem>>) attributes {dimension_semantics = [#tpu.dimension_semantics<arbitrary>], iteration_bounds = array<i64: 32>, scalar_prefetch = 0 : i64, scratch_operands = 0 : i64, tpu.core_type = #tpu.core_type<tc>, window_params = [{transform_indices = @transform_0, window_bounds = array<i64: 256, 128>}, {transform_indices = @transform_1, window_bounds = array<i64: 1, 1, 32>}, {transform_indices = @transform_2, window_bounds = array<i64: 256, 160>}]} {
    %get3A = arith.constant 0 : index
    %get3A_0 = arith.constant 0 : index
    %get3A_1 = arith.constant 0 : index
    %get3A_2 = vector.load %arg2[%get3A, %get3A_0, %get3A_1] : memref<1x1x32xf32, #tpu.memory_space<vmem>>, vector<1x1x32xf32>
    %reshape3A = vector.shape_cast %get3A_2 : vector<1x1x32xf32> to vector<1x32xf32>
    %get3A_3 = arith.constant 0 : index
    %get3A_4 = arith.constant 0 : index
    %get3A_5 = vector.load %arg1[%get3A_3, %get3A_4] : memref<256x128xf32, #tpu.memory_space<vmem>>, vector<256x128xf32>
    %broadcast_in_dim3A = vector.shape_cast %reshape3A : vector<1x32xf32> to vector<1x32xf32>
    %broadcast_in_dim3A_6 = vector.broadcast %broadcast_in_dim3A : vector<1x32xf32> to vector<256x32xf32>
    %concatenate3A = tpu.concatenate %get3A_5, %broadcast_in_dim3A_6 in 1 : vector<256x128xf32>, vector<256x32xf32> -> vector<256x160xf32>
    %swap3A = arith.constant 0 : index
    %swap3A_7 = arith.constant 0 : index
    %swap3A_8 = vector.load %arg3[%swap3A, %swap3A_7] : memref<256x160xf32, #tpu.memory_space<vmem>>, vector<256x160xf32>
    tpu.vector_store %arg3[%swap3A, %swap3A_7], %concatenate3A {strides = array<i32>} : memref<256x160xf32, #tpu.memory_space<vmem>>, vector<256x160xf32>,
    return
  }
  func.func @transform_0(%arg0: i32) -> (i32, i32) {
    %c0_i32 = arith.constant 0 : i32
    %c0_i32_0 = arith.constant 0 : i32
    return %arg0, %c0_i32 : i32, i32
  }
  func.func @transform_1(%arg0: i32) -> (i32, i32, i32) {
    %jit3A = arith.constant 8 : i32
    %div3A = arith.divsi %arg0, %jit3A : i32
    %sign3A = arith.constant 0 : i32
    %sign3A_0 = arith.cmpi sgt, %arg0, %sign3A : i32
    %sign3A_1 = arith.extui %sign3A_0 : i1 to i32
    %sign3A_2 = arith.constant 0 : i32
    %sign3A_3 = arith.cmpi slt, %arg0, %sign3A_2 : i32
    %sign3A_4 = arith.extui %sign3A_3 : i1 to i32
    %sign3A_5 = arith.subi %sign3A_1, %sign3A_4 : i32
    %sign3A_6 = arith.constant 0 : i32
    %sign3A_7 = arith.cmpi sgt, %jit3A, %sign3A_6 : i32
    %sign3A_8 = arith.extui %sign3A_7 : i1 to i32
    %sign3A_9 = arith.constant 0 : i32
    %sign3A_10 = arith.cmpi slt, %jit3A, %sign3A_9 : i32
    %sign3A_11 = arith.extui %sign3A_10 : i1 to i32
    %sign3A_12 = arith.subi %sign3A_8, %sign3A_11 : i32
    %ne3A = arith.cmpi ne, %sign3A_5, %sign3A_12 : i32
    %rem3A = arith.remsi %arg0, %jit3A : i32
    %ne3A_13 = arith.constant 0 : i32
    %ne3A_14 = arith.cmpi ne, %rem3A, %ne3A_13 : i32
    %and3A = arith.andi %ne3A, %ne3A_14 : i1
    %sub3A = arith.constant 1 : i32
    %sub3A_15 = arith.subi %div3A, %sub3A : i32
    %select_n3A = arith.select %and3A, %sub3A_15, %div3A : i32
    %c0_i32 = arith.constant 0 : i32
    %c0_i32_16 = arith.constant 0 : i32
    %c0_i32_17 = arith.constant 0 : i32
    return %select_n3A, %c0_i32, %c0_i32_16 : i32, i32, i32
  }
  func.func @transform_2(%arg0: i32) -> (i32, i32) {
    %c0_i32 = arith.constant 0 : i32
    %c0_i32_0 = arith.constant 0 : i32
    return %arg0, %c0_i32 : i32, i32
  }
}

</mosaic_0001>

<sc_bundles>
// kernel: kernel.11.cloned.1.call-start
scs
__scs_entry_jumppad:
0x0: {  	(pc) =	sbr.rel $0x88, $3  }
0x1: {  	(tag) =	ssettag $0x0;
	lr =	simm.s32 $0x1  }
0x2: {  	[smem:$0x3F7E] =	sst lr;
	_ =	strace $0xD0000000  }
0x3: {  	_ = 	snop  }
0x4: {  	_ = 	snop  }
0x5: {  	_ = 	snop  }
0x6: {  	_ = 	snop  }
0x7: {  	_ = 	snop  }
__scs_overlays_trampoline_lowered:
0x8: {  	[smem:$0x3F8D] =	sst s0  }
0x9: {  	[smem:$0x3F8E] =	sst s1  }
0xa: {  	[smem:$0x3F8F] =	sst s2  }
0xb: {  	[smem:$0x3F90] =	sst s3  }
0xc: {  	[smem:$0x3F91] =	sst s4  }
0xd: {  	[smem:$0x3F92] =	sst s5  }
0xe: {  	[smem:$0x3F93] =	sst s6  }
0xf: {  	[smem:$0x3F94] =	sst s7  }
0x10: {  	[smem:$0x3F95] =	sst s8  }
0x11: {  	[smem:$0x3F96] =	sst s9;
	s0 =	simm.s32 @!p0 $0x0  }
0x12: {  	s1 =	sld [smem:$0x3F7C];
	s0 =	simm.s32 @p0 $0x1  }
0x13: {  	[smem:$0x3F97] =	sst s0;
	s0 =	simm.s32 @!p1 $0x0  }
0x14: {  	s2 =	sld [smem:$0x3F7B];
	s0 =	simm.s32 @p1 $0x1  }
0x15: {  	[smem:$0x3F98] =	sst s0;
	s0 =	simm.s32 @!p2 $0x0  }
0x16: {  	s3 =	sld [smem:$0x3FDB];
	s0 =	simm.s32 @p2 $0x1  }
0x17: {  	s4 =	simm.s32 $0x1BF5;
	[smem:$0x3F9A] =	sst s0  }
0x18: {  	s0 =	sld [smem:$0x3F7D];
	_ =	swait.ge [sflag:s4], $0x0  }
0x19: {  	s7 =	sld [smem:$0x3F7E]  }
0x1a: {  	s8 =	sadd.s32 $0xFFFFE003, lr  }
0x1b: {  	s9 =	sadd.s32 $0xFFFFFEF7, lr;
	s5 =	simm.s32 $0xFFFFFFFF;
	p2 =	slt.u32 s8, $0xFFFFF086  }
0x1c: {  	p1 =	slt.u32 s9, $0xF7A;
	s5 =	simm.s32 @!p2 $0x0  }
0x1d: {  	s5 =	simm.s32 @p1 $0x1;
	p0 =	seq.s32 s7, s2  }
0x1e: {  	s7 =	smul.u32 @!p0 $0xF7A, s2;
	p2 =	seq.s32 @!p0 s5, $0x0  }
0x1f: {  	s9 =	smul.u32 $0xF7A, s1;
	s8 =	simm.s32 @!p0 $0x1BF5;
	p2 =	por !p2, p0  }
0x20: {  	[sflag:s8] =	ssyncset.s32 @!p0 $0xFFFFF086;
	s6 =	sadd.s32 @!p0 s3, s7;
	s7 =	simm.s32 @!p0 $0x108  }
0x21: {  	s3 =	sadd.s32 s3, s9;
	s6 =	sadd.s32 @!p0 $0x88, s6;
	s7 =	simm.s32 @p2 $0x1082  }
0x22: {  	[simem:s7], [sflag:s8] =	dma.local @!p0 [hbm:s6], $0xF7A  }
0x23: {  	s9 =	sor.u32 $0xD0000000, s2;
	s6 =	simm.s32 $0x108;
	_ =	swait.ge @!p0 [sflag:s8], $0x0  }
0x24: {  	s3 =	sadd.s32 $0x88, s3;
	s6 =	simm.s32 @!p1 $0x1082;
	[sflag:s4] =	ssyncset.s32 $0xFFFFF086  }
0x25: {  	[simem:s6], [sflag:s4] =	dma.local [hbm:s3], $0xF7A  }
0x26: {  	[smem:$0x3F7E] =	sst s1;
	(tag) =	ssettag s2;
	_ =	strace s9  }
0x27: {  	s1 =	sld [smem:$0x3F8E]  }
0x28: {  	s2 =	sld [smem:$0x3F8F]  }
0x29: {  	s4 =	sld [smem:$0x3F91]  }
0x2a: {  	p0 =	seq.s32 s5, $0x0;
	s5 =	sld [smem:$0x3F92]  }
0x2b: {  	s6 =	sld [smem:$0x3F93]  }
0x2c: {  	s7 =	sld [smem:$0x3F94]  }
0x2d: {  	s3 =	simm.s32 $0x108;
	s8 =	sld [smem:$0x3F95]  }
0x2e: {  	s3 =	simm.s32 @!p0 $0x1082;
	s9 =	sld [smem:$0x3F96]  }
0x2f: {  	lr =	sadd.s32 s0, s3;
	s0 =	sld [smem:$0x3F8D]  }
0x30: {  	s3 =	sld [smem:$0x3F90]  }
0x31: {  	[smem:$0x3F99] =	sst s10  }
0x32: {  	s10 =	sld [smem:$0x3F97];
	_ =	sdelay $0x3  }
0x33: {  	p0 =	seq.s32 s10, $0x1;
	s10 =	sld [smem:$0x3F99];
	_ =	sdelay $0x3  }
0x34: {  	[smem:$0x3F99] =	sst s10  }
0x35: {  	s10 =	sld [smem:$0x3F98];
	_ =	sdelay $0x3  }
0x36: {  	p1 =	seq.s32 s10, $0x1;
	s10 =	sld [smem:$0x3F99];
	_ =	sdelay $0x3  }
0x37: {  	[smem:$0x3F99] =	sst s10  }
0x38: {  	s10 =	sld [smem:$0x3F9A]  }
0x39: {  	_ = 	snop;
	(pc) =	sbr.ind lr, $3  }
0x3a: {  	_ = 	snop  }
0x3b: {  	_ = 	snop  }
0x3c: {  	p2 =	seq.s32 s10, $0x1;
	s10 =	sld [smem:$0x3F99]  }
0x3d: {  	_ =	shalt  }
0x3e: {  	_ =	shalt  }
0x3f: {  	_ =	shalt  }
0x40: {  	_ =	shalt  }
0x41: {  	_ =	shalt  }
0x42: {  	_ =	shalt  }
0x43: {  	_ =	shalt  }
0x44: {  	_ =	shalt  }
0x45: {  	_ =	shalt  }
0x46: {  	_ =	shalt  }
0x47: {  	_ =	shalt  }
0x48: {  	_ =	shalt  }
0x49: {  	_ =	shalt  }
0x4a: {  	_ =	shalt  }
0x4b: {  	_ =	shalt  }
0x4c: {  	_ =	shalt  }
0x4d: {  	_ =	shalt  }
0x4e: {  	_ =	shalt  }
0x4f: {  	_ =	shalt  }
0x50: {  	_ =	shalt  }
0x51: {  	_ =	shalt  }
0x52: {  	_ =	shalt  }
0x53: {  	_ =	shalt  }
0x54: {  	_ =	shalt  }
0x55: {  	_ =	shalt  }
0x56: {  	_ =	shalt  }
0x57: {  	_ =	shalt  }
0x58: {  	_ =	shalt  }
0x59: {  	_ =	shalt  }
0x5a: {  	_ =	shalt  }
0x5b: {  	_ =	shalt  }
0x5c: {  	_ =	shalt  }
0x5d: {  	_ =	shalt  }
0x5e: {  	_ =	shalt  }
0x5f: {  	_ =	shalt  }
0x60: {  	_ =	shalt  }
0x61: {  	_ =	shalt  }
0x62: {  	_ =	shalt  }
0x63: {  	_ =	shalt  }
0x64: {  	_ =	shalt  }
0x65: {  	_ =	shalt  }
0x66: {  	_ =	shalt  }
0x67: {  	_ =	shalt  }
0x68: {  	_ =	shalt  }
0x69: {  	_ =	shalt  }
0x6a: {  	_ =	shalt  }
0x6b: {  	_ =	shalt  }
0x6c: {  	_ =	shalt  }
0x6d: {  	_ =	shalt  }
0x6e: {  	_ =	shalt  }
0x6f: {  	_ =	shalt  }
0x70: {  	_ =	shalt  }
0x71: {  	_ =	shalt  }
0x72: {  	_ =	shalt  }
0x73: {  	_ =	shalt  }
0x74: {  	_ =	shalt  }
0x75: {  	_ =	shalt  }
0x76: {  	_ =	shalt  }
0x77: {  	_ =	shalt  }
0x78: {  	_ =	shalt  }
0x79: {  	_ =	shalt  }
0x7a: {  	_ =	shalt  }
0x7b: {  	_ =	shalt  }
0x7c: {  	_ =	shalt  }
0x7d: {  	_ =	shalt  }
0x7e: {  	_ =	shalt  }
0x7f: {  	_ =	shalt  }
0x80: {  	_ =	shalt  }
0x81: {  	_ =	shalt  }
0x82: {  	_ =	shalt  }
0x83: {  	_ =	shalt  }
0x84: {  	_ =	shalt  }
0x85: {  	_ =	shalt  }
0x86: {  	_ =	shalt  }
0x87: {  	_ =	shalt  }
.Lfunc_end0:
.L_simem_size_0:
called_computation.1_lowered:
.L_overlay_start_0:
0x88: {  	s2 =	sld [smem:$0x3FD9]  }
0x89: {  	s3 =	sld [smem:$0x3FFE];
	_ =	sdelay $0x1  }
0x8a: {  	s1 =	srdreg.scid  }
0x8b: {  	s0 =	sand.u32 $0x1, s1  }
0x8c: {  	s17 =	sshll.u32 s0, $0xA;
	s2 =	sadd.s32 s3, s2  }
0x8d: {  	s2 =	sadd.s32 s2, s17  }
0x8e: {  	[smem:$0x3FA5] =	sst s2  }
0x8f: {  	_ = 	snop  }
0x90: {  	s2 =	sld [smem:$0x3FD0];
	(tm) =	ssettm $0x1  }
0x91: {  	s18 =	sld [smem:$0x3FFB];
	_ =	sdelay $0x3  }
0x92: {  	_ =	strace s18  }
0x93: {  	s3 =	sld [smem:$0x3FFC];
	_ =	sdelay $0x3  }
0x94: {  	_ =	strace s3  }
0x95: {  	s3 =	sld [smem:$0x3FFD];
	_ =	sdelay $0x3  }
0x96: {  	_ =	strace s3  }
0x97: {  	_ =	strace $0x8FFFFFFF  }
0x98: {  	s19 =	sld [smem:$0x3FDB];
	_ =	sdelay $0x1  }
0x99: {  	s4 =	simm.s32 $_scs_section_size  }
0x9a: {  	s5 =	simm.s32 $_size__tile_overlayer_lowered;
	s6 =	simm.s32 $_tile_overlayer_lowered  }
0x9b: {  	s22 =	simm.s32 $0x1BFF;
	s21 =	sshll.u32 s6, $0x1;
	s3 =	sadd.s32 s4, s19  }
0x9c: {  	s7 =	simm.s32 $0x0;
	s20 =	sshll.u32 s5, $0x1;
	s5 =	sadd.s32 s21, s3  }
0x9d: {  	[timem:s7], [sflag:s22] =	dma.local [hbm:s5], s20  }
0x9e: {  	_ =	swait.ge [sflag:s22], s20  }
0x9f: {  	s4 =	ssub.s32 $0x0, s20;
	[sflag:s22] =	ssyncset.done $0x0  }
0xa0: {  	[sflag:s22] =	ssyncadd.s32 s4;
	_ =	sdelay $0x1  }
0xa1: {  	s23 =	simm.s32 $0x1B8B  }
0xa2: {  	_ =	swait.ge [sflag:s23], $0x1  }
0xa3: {  	[sflag:s23] =	ssyncset.done $0x0  }
0xa4: {  	s25 =	simm.s32 $0x1B8E;
	s24 =	sld [smem:$0x3FFE];
	[sflag:s23] =	ssyncadd.s32 $0xFFFFFFFF  }
0xa5: {  	s26 =	simm.s32 $execute0_lowered;
	[smem:$0x3FD2] =	sst s25  }
0xa6: {  	s5 =	sshll.u32 s26, $0x1;
	_ =	strace $0x80000049;
	[dreg:$0x1] =	wrdreg $0xFFFFFFFF  }
0xa7: {  	s28 =	simm.s32 $_size_execute0_lowered;
	s3 =	sadd.s32 s3, s5;
	[dreg:$0x0] =	wrdreg $0x0  }
0xa8: {  	s5 =	sshll.u32 s28, $0x1;
	[dreg:$0x2] =	wrdreg s3  }
0xa9: {  	[dreg:$0x3] =	wrdreg s5  }
0xaa: {  	[dreg:$0x4] =	wrdreg $0xC0  }
0xab: {  	_ =	task [dreg:s7], $0x5FFFF  }
0xac: {  	[dreg:$0x1] =	wrdreg $0xFFFFFFFF  }
0xad: {  	[dreg:$0x0] =	wrdreg $0x60  }
0xae: {  	[dreg:$0x2] =	wrdreg s2  }
0xaf: {  	[dreg:$0x3] =	wrdreg s24  }
0xb0: {  	[dreg:$0x4] =	wrdreg $0x9  }
0xb1: {  	_ =	task.clear_ibuf [dreg:s7], $0x5FFFF;
	_ =	strace $0x90000049  }
0xb2: {  	s29 =	simm.s32 $0x9;
	_ =	strace $0x8000004B  }
0xb3: {  	_ =	swait.ge [sflag:s29], $0x1  }
0xb4: {  	[sflag:s29] =	ssyncadd.s32 $0xFFFFFFFF  }
0xb5: {  	_ =	strace $0x9000004B  }
0xb6: {  	_ =	sfence  }
0xb7: {  	s30 =	sld [smem:$0x0];
	_ =	sdelay $0x2  }
0xb8: {  	s31 =	sshll.u32 s1, $0xD;
	s1 =	sshrl.u32 s1, $0x2  }
0xb9: {  	s3 =	sand.u32 $0x4000, s31;
	s1 =	sadd.s32 s1, s30  }
0xba: {  	s0 =	sor.u32 s3, s0;
	s1 =	sshll.u32 s1, $0x11  }
0xbb: {  	s0 =	sor.u32 s1, s0  }
0xbc: {  	s0 =	sadd.s32 $0x8F2B, s0  }
0xbd: {  	[sflag:s0] =	ssyncadd.remote.s32 $0x1  }
0xbe: {  	_ =	sfence.sel $0xFFFF  }
0xbf: {  	[dreg:$0x0] =	wrdreg $0xFFFFFFFF;
	(pc) =	sbr.abs _section_cstart, $3  }
0xc0: {  	[dreg:$0x1] =	wrdreg $0xFFFFFFFF  }
0xc1: {  	_ =	task.clear_ibuf [dreg:s7], $0x2FFFF;
	_ =	strace $0x9FFFFFFF  }
0xc2: {  	(tm) =	ssettm $0x7FFFFFFF  }
0xc3: {  	_ =	shalt  }
tec
execute0_lowered:
.L_overlay_start_1:
0x0: {  	(tag) =	ssettag $0x1  }
0x1: {  	s2 =	rddreg [dreg:$0x0]  }
0x2: {  	s4 =	rddreg [dreg:$0x1]  }
0x3: {  	s0 =	rddreg [dreg:$0x2]  }
0x4: {  	s5 =	srdreg.scid;
	s1 =	stileid.u32  }
0x5: {  	s3 =	simm.s32 $0x0;
	s11 =	simm.s32 $0x80;
	s12 =	simm.s32 $0x5000  }
0x6: {  	s13 =	simm.s32 $0x0;
	s5 =	sand.u32 $0x1, s5;
	s6 =	sshll.u32 s1, $0x1  }
0x7: {  	[smem:$0x7FF] =	sst s3;
	s10 =	sadd.s32 $0x20F200, s4;
	s30 =	sshll.u32 s1, $0x11  }
0x8: {  	s6 =	sor.u32 s5, s6;
	s7 =	ssub.s32 $0x2, s5;
	_ =	strace $0x8000004A  }
0x9: {  	s31 =	sshll.u32 s5, $0x10;
	s8 =	sshll.u32 s6, $0x9;
	s9 =	sshrl.u32 s7, $0x1  }
0xa: {  	s6 =	sshll.u32 s6, $0x10;
	s8 =	sadd.s32 s8, s4;
	s7 =	ssub.s32 s7, s9  }
0xb: {  	s6 =	sadd.s32 s10, s6;
	s9 =	simm.s32 $0x1000;
	s4 =	sadd.s32 $0xB200, s8  }
0xc: {  	s8 =	sadd.s32 s30, s10;
	s5 =	smax.u32 s7, $0x1;
	s6 =	sadd.s32 $0xF800, s6  }
0xd: {  	s10 =	simm.s32 $0x1;
	s7 =	sadd.s32 s31, s8;
	s8 =	simm.s32 $0x2  }
.LBB2_1:
0xe: {  	[tilespmem:s3], [sflag:$0x2] =	stream.linear.gather [hbm4b:s4+s3], $0x1000, $0x38;
	[tilespmem:$0x9000] =	vst v63  }
0xf: {  	_ =	swait.ge [sflag:s8], $0x1000  }
0x10: {  	[sflag:s8] =	ssyncset.done $0x0  }
0x11: {  	s14 =	simm.s32 $0x10000;
	[sflag:s8] =	ssyncadd.s32 $0xFFFFF000  }
0x12: {  	[tilespmem:s9], [sflag:$0x1] =	stream.indirect.gather [hbm4b:s2+s11], $0x80, s3, s11, $0xb8;
	[tilespmem:$0x9000] =	vst v63  }
0x13: {  	s15 =	simm.s32 $0x0;
	s14 =	sand.u32 $0x10000, s14;
	_ =	swait.ge [sflag:s10], $0x4000  }
0x14: {  	s15 =	sand.u32 $0x10000, s15;
	s14 =	sshrl.u32 s14, $0x2;
	[sflag:s10] =	ssyncset.done $0x0  }
0x15: {  	s31 =	sshrl.u32 s15, $0x2;
	s14 =	sor.u32 $0x1000, s14;
	[sflag:s10] =	ssyncadd.s32 $0xFFFFC000  }
0x16: {  	[tilespmem:s14], [sflag:$0x1] =	stream.indirect.gather [hbm4b:s2+s11], $0x80, s11, s11, $0xb8;
	[tilespmem:$0x9000] =	vst v63  }
0x17: {  	s16 =	simm.s32 $0x80;
	s14 =	sor.u32 $0x1000, s31  }
0x18: {  	[hbm4b:s7+s3] =	stream.linear.scatter [tilespmem:s14], [sflag:$0x2], $0x4000, $0x38;
	[tilespmem:$0x9000] =	vst v63  }
0x19: {  	s15 =	smov.u32 s7;
	s14 =	simm.s32 $0x20000;
	_ =	swait.ge [sflag:s8], $0x4000  }
.LBB2_2:
0x1a: {  	[sflag:s8] =	ssyncset.done $0x0  }
0x1b: {  	s15 =	sadd.s32 $0x800, s15;
	s16 =	sadd.s32 $0x80, s16;
	s17 =	smov.u32 s14  }
0x1c: {  	p0 =	sne.s32 s14, $0x1F0000;
	s14 =	sadd.s32 $0x10000, s14;
	[sflag:s8] =	ssyncadd.s32 $0xFFFFC000  }
0x1d: {  	s18 =	sand.u32 $0x10000, s17;
	_ =	swait.ge [sflag:s10], $0x4000  }
0x1e: {  	s17 =	sadd.s32 $0xFFFF0000, s17;
	s18 =	sshrl.u32 s18, $0x2;
	[sflag:s10] =	ssyncset.done $0x0  }
0x1f: {  	s17 =	sand.u32 $0x10000, s17;
	s18 =	sor.u32 $0x1000, s18;
	[sflag:s10] =	ssyncadd.s32 $0xFFFFC000  }
0x20: {  	[tilespmem:s18], [sflag:$0x1] =	stream.indirect.gather [hbm4b:s2+s11], $0x80, s16, s11, $0xb8;
	[tilespmem:$0x9000] =	vst v63  }
.Ltmp0:
0x21: {  	_ = 	snop;
	(pc) =	sbr.rel @p0 .LBB2_2-.Ltmp0, $4  }
0x22: {  	s17 =	sshrl.u32 s17, $0x2  }
0x23: {  	s17 =	sor.u32 $0x1000, s17  }
0x24: {  	[hbm4b:s15+s3] =	stream.linear.scatter [tilespmem:s17], [sflag:$0x2], $0x4000, $0x38;
	[tilespmem:$0x9000] =	vst v63  }
0x25: {  	_ =	swait.ge [sflag:s8], $0x4000  }
0x26: {  	[sflag:s8] =	ssyncset.done $0x0  }
0x27: {  	[sflag:s8] =	ssyncadd.s32 $0xFFFFC000  }
0x28: {  	s13 =	sadd.s32 $0x1, s13;
	_ =	swait.ge [sflag:s10], $0x4000  }
0x29: {  	p0 =	sne.s32 s13, s5;
	[sflag:s10] =	ssyncset.done $0x0  }
.Ltmp1:
0x2a: {  	[sflag:s10] =	ssyncadd.s32 $0xFFFFC000;
	(pc) =	sbr.rel @p0 .LBB2_1-.Ltmp1, $4  }
0x2b: {  	[hbm4b:s6+s3] =	stream.linear.scatter [tilespmem:s12], [sflag:$0x2], $0x4000, $0x38;
	[tilespmem:$0x9000] =	vst v63  }
0x2c: {  	_ =	swait.ge [sflag:s8], $0x4000  }
0x2d: {  	[sflag:s8] =	ssyncset.done $0x0  }
0x2e: {  	[sflag:s8] =	ssyncadd.s32 $0xFFFFC000  }
0x2f: {  	_ =	sfence.sel $0x180000  }
0x30: {  	[bflag:$0x0] =	sbarrier.arrive $0xFFFF  }
0x31: {  	p0 =	sne.s32 s1, $0x0;
	_ =	strace $0x9000004A  }
0x32: {  	s0 =	sadd.s32 @!p0 $0x100000, s0;
	[bflag:$0x2] =	sbarrier.arrive $0xFFFF  }
0x33: {  	[sflag:s0] =	ssyncadd.tile.s32 @!p0 $0x1;
	_ =	shalt  }
.Lfunc_end2:
_tile_overlayer_lowered:
.L_overlay_start_2:
0x34: {  	(tag) =	ssettag $0x2  }
0x35: {  	s0 =	rddreg [dreg:$0x0];
	s2 =	stileid.u32  }
0x36: {  	s1 =	rddreg [dreg:$0x1];
	p0 =	sne.s32 s2, $0x0  }
0x37: {  	s3 =	rddreg [dreg:$0x2];
	[bflag:$0x3] =	sbarrier.arrive $0xFFFF;
	s2 =	simm.s32 @!p0 $0x1C02  }
0x38: {  	[timem:s3], [sflag:s2] =	dma.local @!p0 [hbm:s0], s1  }
0x39: {  	s0 =	simm.s32 @!p0 $0x2  }
0x3a: {  	_ =	swait.ge @!p0 [sflag:s0], s1  }
0x3b: {  	s1 =	ssub.s32 @!p0 $0x0, s1;
	[sflag:s0] =	ssyncset.done @!p0 $0x0  }
0x3c: {  	[sflag:s0] =	ssyncadd.s32 @!p0 s1  }
0x3d: {  	[bflag:$0x3] =	sbarrier.arrive $0xFFFF  }
0x3e: {  	_ =	shalt  }

// kernel: kernel.8.cloned.1.call-start
scs
__scs_entry_jumppad:
0x0: {  	(pc) =	sbr.rel $0x88, $3  }
0x1: {  	(tag) =	ssettag $0x0;
	lr =	simm.s32 $0x1  }
0x2: {  	[smem:$0x3F7E] =	sst lr;
	_ =	strace $0xD0000000  }
0x3: {  	_ = 	snop  }
0x4: {  	_ = 	snop  }
0x5: {  	_ = 	snop  }
0x6: {  	_ = 	snop  }
0x7: {  	_ = 	snop  }
__scs_overlays_trampoline_lowered:
0x8: {  	[smem:$0x3F8D] =	sst s0  }
0x9: {  	[smem:$0x3F8E] =	sst s1  }
0xa: {  	[smem:$0x3F8F] =	sst s2  }
0xb: {  	[smem:$0x3F90] =	sst s3  }
0xc: {  	[smem:$0x3F91] =	sst s4  }
0xd: {  	[smem:$0x3F92] =	sst s5  }
0xe: {  	[smem:$0x3F93] =	sst s6  }
0xf: {  	[smem:$0x3F94] =	sst s7  }
0x10: {  	[smem:$0x3F95] =	sst s8  }
0x11: {  	[smem:$0x3F96] =	sst s9;
	s0 =	simm.s32 @!p0 $0x0  }
0x12: {  	s1 =	sld [smem:$0x3F7C];
	s0 =	simm.s32 @p0 $0x1  }
0x13: {  	[smem:$0x3F97] =	sst s0;
	s0 =	simm.s32 @!p1 $0x0  }
0x14: {  	s2 =	sld [smem:$0x3F7B];
	s0 =	simm.s32 @p1 $0x1  }
0x15: {  	[smem:$0x3F98] =	sst s0;
	s0 =	simm.s32 @!p2 $0x0  }
0x16: {  	s3 =	sld [smem:$0x3FDB];
	s0 =	simm.s32 @p2 $0x1  }
0x17: {  	s4 =	simm.s32 $0x1BF5;
	[smem:$0x3F9A] =	sst s0  }
0x18: {  	s0 =	sld [smem:$0x3F7D];
	_ =	swait.ge [sflag:s4], $0x0  }
0x19: {  	s7 =	sld [smem:$0x3F7E]  }
0x1a: {  	s8 =	sadd.s32 $0xFFFFE003, lr  }
0x1b: {  	s9 =	sadd.s32 $0xFFFFFEF7, lr;
	s5 =	simm.s32 $0xFFFFFFFF;
	p2 =	slt.u32 s8, $0xFFFFF086  }
0x1c: {  	p1 =	slt.u32 s9, $0xF7A;
	s5 =	simm.s32 @!p2 $0x0  }
0x1d: {  	s5 =	simm.s32 @p1 $0x1;
	p0 =	seq.s32 s7, s2  }
0x1e: {  	s7 =	smul.u32 @!p0 $0xF7A, s2;
	p2 =	seq.s32 @!p0 s5, $0x0  }
0x1f: {  	s9 =	smul.u32 $0xF7A, s1;
	s8 =	simm.s32 @!p0 $0x1BF5;
	p2 =	por !p2, p0  }
0x20: {  	[sflag:s8] =	ssyncset.s32 @!p0 $0xFFFFF086;
	s6 =	sadd.s32 @!p0 s3, s7;
	s7 =	simm.s32 @!p0 $0x108  }
0x21: {  	s3 =	sadd.s32 s3, s9;
	s6 =	sadd.s32 @!p0 $0x88, s6;
	s7 =	simm.s32 @p2 $0x1082  }
0x22: {  	[simem:s7], [sflag:s8] =	dma.local @!p0 [hbm:s6], $0xF7A  }
0x23: {  	s9 =	sor.u32 $0xD0000000, s2;
	s6 =	simm.s32 $0x108;
	_ =	swait.ge @!p0 [sflag:s8], $0x0  }
0x24: {  	s3 =	sadd.s32 $0x88, s3;
	s6 =	simm.s32 @!p1 $0x1082;
	[sflag:s4] =	ssyncset.s32 $0xFFFFF086  }
0x25: {  	[simem:s6], [sflag:s4] =	dma.local [hbm:s3], $0xF7A  }
0x26: {  	[smem:$0x3F7E] =	sst s1;
	(tag) =	ssettag s2;
	_ =	strace s9  }
0x27: {  	s1 =	sld [smem:$0x3F8E]  }
0x28: {  	s2 =	sld [smem:$0x3F8F]  }
0x29: {  	s4 =	sld [smem:$0x3F91]  }
0x2a: {  	p0 =	seq.s32 s5, $0x0;
	s5 =	sld [smem:$0x3F92]  }
0x2b: {  	s6 =	sld [smem:$0x3F93]  }
0x2c: {  	s7 =	sld [smem:$0x3F94]  }
0x2d: {  	s3 =	simm.s32 $0x108;
	s8 =	sld [smem:$0x3F95]  }
0x2e: {  	s3 =	simm.s32 @!p0 $0x1082;
	s9 =	sld [smem:$0x3F96]  }
0x2f: {  	lr =	sadd.s32 s0, s3;
	s0 =	sld [smem:$0x3F8D]  }
0x30: {  	s3 =	sld [smem:$0x3F90]  }
0x31: {  	[smem:$0x3F99] =	sst s10  }
0x32: {  	s10 =	sld [smem:$0x3F97];
	_ =	sdelay $0x3  }
0x33: {  	p0 =	seq.s32 s10, $0x1;
	s10 =	sld [smem:$0x3F99];
	_ =	sdelay $0x3  }
0x34: {  	[smem:$0x3F99] =	sst s10  }
0x35: {  	s10 =	sld [smem:$0x3F98];
	_ =	sdelay $0x3  }
0x36: {  	p1 =	seq.s32 s10, $0x1;
	s10 =	sld [smem:$0x3F99];
	_ =	sdelay $0x3  }
0x37: {  	[smem:$0x3F99] =	sst s10  }
0x38: {  	s10 =	sld [smem:$0x3F9A]  }
0x39: {  	_ = 	snop;
	(pc) =	sbr.ind lr, $3  }
0x3a: {  	_ = 	snop  }
0x3b: {  	_ = 	snop  }
0x3c: {  	p2 =	seq.s32 s10, $0x1;
	s10 =	sld [smem:$0x3F99]  }
0x3d: {  	_ =	shalt  }
0x3e: {  	_ =	shalt  }
0x3f: {  	_ =	shalt  }
0x40: {  	_ =	shalt  }
0x41: {  	_ =	shalt  }
0x42: {  	_ =	shalt  }
0x43: {  	_ =	shalt  }
0x44: {  	_ =	shalt  }
0x45: {  	_ =	shalt  }
0x46: {  	_ =	shalt  }
0x47: {  	_ =	shalt  }
0x48: {  	_ =	shalt  }
0x49: {  	_ =	shalt  }
0x4a: {  	_ =	shalt  }
0x4b: {  	_ =	shalt  }
0x4c: {  	_ =	shalt  }
0x4d: {  	_ =	shalt  }
0x4e: {  	_ =	shalt  }
0x4f: {  	_ =	shalt  }
0x50: {  	_ =	shalt  }
0x51: {  	_ =	shalt  }
0x52: {  	_ =	shalt  }
0x53: {  	_ =	shalt  }
0x54: {  	_ =	shalt  }
0x55: {  	_ =	shalt  }
0x56: {  	_ =	shalt  }
0x57: {  	_ =	shalt  }
0x58: {  	_ =	shalt  }
0x59: {  	_ =	shalt  }
0x5a: {  	_ =	shalt  }
0x5b: {  	_ =	shalt  }
0x5c: {  	_ =	shalt  }
0x5d: {  	_ =	shalt  }
0x5e: {  	_ =	shalt  }
0x5f: {  	_ =	shalt  }
0x60: {  	_ =	shalt  }
0x61: {  	_ =	shalt  }
0x62: {  	_ =	shalt  }
0x63: {  	_ =	shalt  }
0x64: {  	_ =	shalt  }
0x65: {  	_ =	shalt  }
0x66: {  	_ =	shalt  }
0x67: {  	_ =	shalt  }
0x68: {  	_ =	shalt  }
0x69: {  	_ =	shalt  }
0x6a: {  	_ =	shalt  }
0x6b: {  	_ =	shalt  }
0x6c: {  	_ =	shalt  }
0x6d: {  	_ =	shalt  }
0x6e: {  	_ =	shalt  }
0x6f: {  	_ =	shalt  }
0x70: {  	_ =	shalt  }
0x71: {  	_ =	shalt  }
0x72: {  	_ =	shalt  }
0x73: {  	_ =	shalt  }
0x74: {  	_ =	shalt  }
0x75: {  	_ =	shalt  }
0x76: {  	_ =	shalt  }
0x77: {  	_ =	shalt  }
0x78: {  	_ =	shalt  }
0x79: {  	_ =	shalt  }
0x7a: {  	_ =	shalt  }
0x7b: {  	_ =	shalt  }
0x7c: {  	_ =	shalt  }
0x7d: {  	_ =	shalt  }
0x7e: {  	_ =	shalt  }
0x7f: {  	_ =	shalt  }
0x80: {  	_ =	shalt  }
0x81: {  	_ =	shalt  }
0x82: {  	_ =	shalt  }
0x83: {  	_ =	shalt  }
0x84: {  	_ =	shalt  }
0x85: {  	_ =	shalt  }
0x86: {  	_ =	shalt  }
0x87: {  	_ =	shalt  }
.Lfunc_end0:
.L_simem_size_0:
called_computation_lowered:
.L_overlay_start_0:
0x88: {  	s2 =	sld [smem:$0x3FD9]  }
0x89: {  	s3 =	sld [smem:$0x3FFE];
	_ =	sdelay $0x1  }
0x8a: {  	s1 =	srdreg.scid  }
0x8b: {  	s0 =	sand.u32 $0x1, s1  }
0x8c: {  	s17 =	sshll.u32 s0, $0xA;
	s2 =	sadd.s32 s3, s2  }
0x8d: {  	s2 =	sadd.s32 s2, s17  }
0x8e: {  	[smem:$0x3FA5] =	sst s2  }
0x8f: {  	_ = 	snop  }
0x90: {  	s2 =	sld [smem:$0x3FD0];
	(tm) =	ssettm $0x1  }
0x91: {  	s18 =	sld [smem:$0x3FFB];
	_ =	sdelay $0x3  }
0x92: {  	_ =	strace s18  }
0x93: {  	s3 =	sld [smem:$0x3FFC];
	_ =	sdelay $0x3  }
0x94: {  	_ =	strace s3  }
0x95: {  	s3 =	sld [smem:$0x3FFD];
	_ =	sdelay $0x3  }
0x96: {  	_ =	strace s3  }
0x97: {  	_ =	strace $0x8FFFFFFF  }
0x98: {  	s19 =	sld [smem:$0x3FDB];
	_ =	sdelay $0x1  }
0x99: {  	s4 =	simm.s32 $_scs_section_size  }
0x9a: {  	s5 =	simm.s32 $_size__tile_overlayer_lowered;
	s6 =	simm.s32 $_tile_overlayer_lowered  }
0x9b: {  	s22 =	simm.s32 $0x1BFF;
	s21 =	sshll.u32 s6, $0x1;
	s3 =	sadd.s32 s4, s19  }
0x9c: {  	s7 =	simm.s32 $0x0;
	s20 =	sshll.u32 s5, $0x1;
	s5 =	sadd.s32 s21, s3  }
0x9d: {  	[timem:s7], [sflag:s22] =	dma.local [hbm:s5], s20  }
0x9e: {  	_ =	swait.ge [sflag:s22], s20  }
0x9f: {  	s4 =	ssub.s32 $0x0, s20;
	[sflag:s22] =	ssyncset.done $0x0  }
0xa0: {  	[sflag:s22] =	ssyncadd.s32 s4;
	_ =	sdelay $0x1  }
0xa1: {  	s23 =	simm.s32 $0x1B8B  }
0xa2: {  	_ =	swait.ge [sflag:s23], $0x1  }
0xa3: {  	[sflag:s23] =	ssyncset.done $0x0  }
0xa4: {  	s25 =	simm.s32 $0x1B8E;
	s24 =	sld [smem:$0x3FFE];
	[sflag:s23] =	ssyncadd.s32 $0xFFFFFFFF  }
0xa5: {  	s26 =	simm.s32 $execute0_lowered;
	[smem:$0x3FD2] =	sst s25  }
0xa6: {  	s5 =	sshll.u32 s26, $0x1;
	_ =	strace $0x80000046;
	[dreg:$0x1] =	wrdreg $0xFFFFFFFF  }
0xa7: {  	s28 =	simm.s32 $_size_execute0_lowered;
	s3 =	sadd.s32 s3, s5;
	[dreg:$0x0] =	wrdreg $0x0  }
0xa8: {  	s5 =	sshll.u32 s28, $0x1;
	[dreg:$0x2] =	wrdreg s3  }
0xa9: {  	[dreg:$0x3] =	wrdreg s5  }
0xaa: {  	[dreg:$0x4] =	wrdreg $0xC0  }
0xab: {  	_ =	task [dreg:s7], $0x5FFFF  }
0xac: {  	[dreg:$0x1] =	wrdreg $0xFFFFFFFF  }
0xad: {  	[dreg:$0x0] =	wrdreg $0x60  }
0xae: {  	[dreg:$0x2] =	wrdreg s24  }
0xaf: {  	[dreg:$0x3] =	wrdreg s2  }
0xb0: {  	[dreg:$0x4] =	wrdreg $0x9  }
0xb1: {  	_ =	task.clear_ibuf [dreg:s7], $0x5FFFF;
	_ =	strace $0x90000046  }
0xb2: {  	s29 =	simm.s32 $0x9;
	_ =	strace $0x80000048  }
0xb3: {  	_ =	swait.ge [sflag:s29], $0x1  }
0xb4: {  	[sflag:s29] =	ssyncadd.s32 $0xFFFFFFFF  }
0xb5: {  	_ =	strace $0x90000048  }
0xb6: {  	_ =	sfence  }
0xb7: {  	s30 =	sld [smem:$0x0];
	_ =	sdelay $0x2  }
0xb8: {  	s31 =	sshll.u32 s1, $0xD;
	s1 =	sshrl.u32 s1, $0x2  }
0xb9: {  	s3 =	sand.u32 $0x4000, s31;
	s1 =	sadd.s32 s1, s30  }
0xba: {  	s0 =	sor.u32 s3, s0;
	s1 =	sshll.u32 s1, $0x11  }
0xbb: {  	s0 =	sor.u32 s1, s0  }
0xbc: {  	s0 =	sadd.s32 $0x8F2B, s0  }
0xbd: {  	[sflag:s0] =	ssyncadd.remote.s32 $0x1  }
0xbe: {  	_ =	sfence.sel $0xFFFF  }
0xbf: {  	[dreg:$0x0] =	wrdreg $0xFFFFFFFF;
	(pc) =	sbr.abs _section_cstart, $3  }
0xc0: {  	[dreg:$0x1] =	wrdreg $0xFFFFFFFF  }
0xc1: {  	_ =	task.clear_ibuf [dreg:s7], $0x2FFFF;
	_ =	strace $0x9FFFFFFF  }
0xc2: {  	(tm) =	ssettm $0x7FFFFFFF  }
0xc3: {  	_ =	shalt  }
tec
execute0_lowered:
.L_overlay_start_1:
0x0: {  	(tag) =	ssettag $0x1  }
0x1: {  	s3 =	rddreg [dreg:$0x0];
	s1 =	srdreg.scid  }
0x2: {  	s0 =	stileid.u32;
	s5 =	rddreg [dreg:$0x1]  }
0x3: {  	s2 =	simm.s32 $0x0;
	s6 =	sand.u32 $0x1, s1;
	s1 =	rddreg [dreg:$0x2]  }
0x4: {  	s4 =	sshll.u32 s0, $0x1;
	[smem:$0x7FF] =	sst s2  }
0x5: {  	v0 =	vlaneseq.u32;
	s31 =	sshll.u32 s0, $0xC;
	s7 =	sor.u32 s6, s4;
	s8 =	ssub.s32 $0x2, s6  }
0x6: {  	v0 =	vmul.u32 $0x8, v0;
	_ =	strace $0x80000047;
	s10 =	sshll.u32 s6, $0xB;
	s4 =	sshll.u32 s7, $0x9  }
0x7: {  	s9 =	sshrl.u32 s8, $0x1;
	s7 =	sshll.u32 s7, $0xC;
	s4 =	sadd.s32 s4, s3  }
0x8: {  	v8 =	vimm.f32 $0.0e+00;
	v1 =	vor.u32 $0x1, v0;
	s3 =	sadd.s32 $0x9200, s3;
	s8 =	ssub.s32 s8, s9;
	s5 =	sadd.s32 s5, s7  }
0x9: {  	v2 =	vor.u32 $0x2, v0;
	v3 =	vor.u32 $0x3, v0;
	v4 =	vor.u32 $0x4, v0;
	s7 =	sor.u32 s10, s31;
	s9 =	simm.s32 $0x11000;
	s10 =	simm.s32 $0x0  }
0xa: {  	v5 =	vor.u32 $0x5, v0;
	v6 =	vor.u32 $0x6, v0;
	v7 =	vor.u32 $0x7, v0;
	s4 =	sadd.s32 $0x5200, s4;
	s6 =	smax.u32 s8, $0x1;
	s8 =	simm.s32 $0x1  }
.LBB2_1:
0xb: {  	[tilespmem:s2], [sflag:$0x1] =	stream.linear.gather [hbm4b:s3+s2], $0x10000, $0x38;
	[tilespmem:$0x19000] =	vst v63  }
0xc: {  	_ =	swait.ge [sflag:s8], $0x10000  }
0xd: {  	[sflag:s8] =	ssyncset.done $0x0  }
0xe: {  	s11 =	simm.s32 $0x10000;
	[sflag:s8] =	ssyncadd.s32 $0xFFFF0000  }
0xf: {  	[tilespmem:s11], [sflag:$0x1] =	stream.linear.gather [hbm4b:s4+s2], $0x1000, $0x38;
	[tilespmem:$0x19000] =	vst v63  }
0x10: {  	_ =	swait.ge [sflag:s8], $0x1000  }
0x11: {  	[sflag:s8] =	ssyncset.done $0x0  }
0x12: {  	[sflag:s8] =	ssyncadd.s32 $0xFFFFF000  }
0x13: {  	v9 =	vld [tilespmem:s11+$0x0];
	_ =	sdelay $0x4  }
0x14: {  	v9 =	vshll.u32 v9, $0x3  }
0x15: {  	v10 =	vor.u32 $0x1, v9;
	_ =	sdelay $0x1  }
0x16: {  	v11 =	vor.u32 $0x2, v9  }
0x17: {  	s25 =	sadd.s32 $0x0, s7  }
0x18: {  	s12 =	sadd.s32 $0x1, s25;
	v14 =	vmov s25;
	v13 =	vld.idx.msk [tilespmem:v9+s2+$0x0], $0xffff  }
0x19: {  	s26 =	sadd.s32 $0x2, s25;
	v12 =	vmov s12;
	v14 =	vand.u32 $0xFFFFFFF8, v14;
	v10 =	vld.idx.msk [tilespmem:v10+s2+$0x0], $0xffff  }
0x1a: {  	v15 =	vmov s26;
	v12 =	vand.u32 $0xFFFFFFF9, v12;
	v14 =	vbroadcast v14, $0x0  }
0x1b: {  	v15 =	vand.u32 $0xFFFFFFFA, v15;
	v12 =	vbroadcast v12, $0x0;
	v11 =	vld.idx.msk [tilespmem:v11+s2+$0x0], $0xffff  }
0x1c: {  	v15 =	vbroadcast v15, $0x0  }
0x1d: {  	(xrf2) =	vadd.scan.msk.f32 $0xffff, v13  }
0x1e: {  	(xrf2) =	vadd.scan.msk.f32 $0xffff, v10;
	_ =	sdelay $0x1  }
0x1f: {  	v14 =	vld.idx.msk [tilespmem:v14+s2+$0x0], $0xffff;
	(xrf2) =	vadd.scan.msk.f32 $0xffff, v11  }
0x20: {  	v12 =	vld.idx.msk [tilespmem:v12+s2+$0x0], $0xffff  }
0x21: {  	v15 =	vld.idx.msk [tilespmem:v15+s2+$0x0], $0xffff;
	_ =	sdelay $0x3  }
0x22: {  	v17 =	vsub.f32 v13, v14;
	v16 =	vsub.f32 v10, v12  }
0x23: {  	v20 =	vsub.f32 v11, v15;
	v19, _, _ =	vpop (xrf2)  }
0x24: {  	v21 =	vmul.f32 v17, v17;
	v18 =	vmul.f32 v16, v16;
	(v2sf) =	vpush v19, $0xF;
	v19, _, _ =	vpop (xrf2)  }
0x25: {  	(v2sf) =	vpush v19, $0xF  }
0x26: {  	v18 =	vadd.f32 v18, v21;
	v19 =	vmul.f32 v20, v20;
	v34, _, _ =	vpop (xrf2)  }
0x27: {  	(v2sf) =	vpush v34, $0xF  }
0x28: {  	v18 =	vadd.f32 v19, v18;
	_ =	sdelay $0x1  }
0x29: {  	v19 =	vshra.s32 v18, $0x1  }
0x2a: {  	v19 =	vadd.s32 $0x1FBD1DF6, v19  }
0x2b: {  	(erf) = vrcp.f32 v19;
	_ =	sdelay $0x6  }
0x2c: {  	s28 =	spop (v2sf)  }
0x2d: {  	s12 =	smul.f32 $6.250000000e-02, s28;
	s13 =	spop (v2sf)  }
0x2e: {  	v35 =	vpop (erf);
	s13 =	smul.f32 $6.250000000e-02, s13  }
0x2f: {  	v21 =	vmul.f32 v35, v18;
	s14 =	spop (v2sf);
	v13 =	vsub.f32 s12, v13  }
0x30: {  	v22 =	vmov s12;
	s29 =	smul.f32 $6.250000000e-02, s14;
	v23 =	vmov s13;
	v10 =	vsub.f32 s13, v10  }
0x31: {  	v14 =	vsub.f32 v14, v22;
	v36 =	vmul.f32 v13, v13;
	v12 =	vsub.f32 v12, v23  }
0x32: {  	v37 =	vmov s29;
	v11 =	vsub.f32 s29, v11;
	v24 =	vmul.f32 v10, v10  }
0x33: {  	v15 =	vsub.f32 v15, v37;
	v38 =	vmul.f32 v14, v14;
	v25 =	vmul.f32 v12, v12  }
0x34: {  	v26 =	vmul.f32 v11, v11;
	v22 =	vadd.f32 v24, v36  }
0x35: {  	v19 =	vadd.f32 v19, v21;
	v39 =	vmul.f32 v15, v15;
	v23 =	vadd.f32 v25, v38  }
0x36: {  	v22 =	vadd.f32 v26, v22  }
0x37: {  	v19 =	vmul.f32 $5.000000000e-01, v19;
	v21 =	vadd.f32 v39, v23  }
0x38: {  	v40 =	vshra.s32 v22, $0x1  }
0x39: {  	(erf) = vrcp.f32 v19;
	v23 =	vadd.s32 $0x1FBD1DF6, v40;
	v41 =	vshra.s32 v21, $0x1  }
0x3a: {  	v24 =	vadd.s32 $0x1FBD1DF6, v41;
	(erf) = vrcp.f32 v23  }
0x3b: {  	(erf) = vrcp.f32 v24;
	_ =	sdelay $0x6  }
0x3c: {  	v42 =	vpop (erf)  }
0x3d: {  	v25 =	vmul.f32 v42, v18;
	v43 =	vpop (erf)  }
0x3e: {  	v26 =	vmul.f32 v43, v22;
	v27 =	vpop (erf)  }
0x3f: {  	v19 =	vadd.f32 v25, v19;
	v44 =	vmul.f32 v27, v21  }
0x40: {  	v23 =	vadd.f32 v23, v26  }
0x41: {  	v19 =	vmul.f32 $5.000000000e-01, v19;
	v24 =	vadd.f32 v24, v44  }
0x42: {  	v23 =	vmul.f32 $5.000000000e-01, v23  }
0x43: {  	(erf) = vrcp.f32 v19;
	v24 =	vmul.f32 $5.000000000e-01, v24  }
0x44: {  	(erf) = vrcp.f32 v23  }
0x45: {  	(erf) = vrcp.f32 v24;
	_ =	sdelay $0x6  }
0x46: {  	v45 =	vpop (erf)  }
0x47: {  	v46 =	vpop (erf)  }
0x48: {  	v26 =	vmul.f32 v46, v22;
	v47 =	vpop (erf)  }
0x49: {  	v27 =	vmul.f32 v47, v21  }
0x4a: {  	v23 =	vadd.f32 v26, v23  }
0x4b: {  	v24 =	vadd.f32 v27, v24  }
0x4c: {  	v23 =	vmul.f32 $5.000000000e-01, v23  }
0x4d: {  	v24 =	vmul.f32 $5.000000000e-01, v24  }
0x4e: {  	(erf) = vrcp.f32 v23  }
0x4f: {  	(erf) = vrcp.f32 v24;
	_ =	sdelay $0x7  }
0x50: {  	v48 =	vpop (erf)  }
0x51: {  	s30 =	sadd.s32 $0x3, s25;
	v18 =	vmul.f32 v45, v18;
	v22 =	vmul.f32 v48, v22;
	v49 =	vpop (erf)  }
0x52: {  	v50 =	vmov s30;
	v21 =	vmul.f32 v49, v21  }
0x53: {  	s31 =	sadd.s32 $0x4, s25;
	v51 =	vand.u32 $0xFFFFFFFB, v50;
	v18 =	vadd.f32 v18, v19;
	v19 =	vadd.f32 v22, v23  }
0x54: {  	v52 =	vmov s31;
	v53 =	vbroadcast v51, $0x0;
	s11 =	sadd.s32 $0x5, s25;
	v21 =	vadd.f32 v21, v24  }
0x55: {  	v54 =	vmov s11;
	v18 =	vmul.f32 $5.000000000e-01, v18;
	v19 =	vmul.f32 $5.000000000e-01, v19  }
0x56: {  	v56 =	vor.u32 $0x4, v9;
	v28 =	vor.u32 $0x3, v9;
	v21 =	vmul.f32 $5.000000000e-01, v21  }
0x57: {  	v30 =	vmul.f32 v17, v13;
	v22 =	vand.u32 $0xFFFFFFFC, v52;
	v55 =	vmul.f32 v18, v19  }
0x58: {  	v9 =	vor.u32 $0x5, v9;
	v22 =	vbroadcast v22, $0x0;
	v57 =	vmul.f32 v21, v18  }
0x59: {  	v24 =	vand.u32 $0xFFFFFFFD, v54;
	v29 =	vmul.f32 v19, v21;
	v25 =	vadd.f32 $1.000000010e-07, v55  }
0x5a: {  	v17 =	vmul.f32 v14, v17;
	v24 =	vbroadcast v24, $0x0;
	v27 =	vadd.f32 $1.000000010e-07, v57  }
0x5b: {  	v59 =	vld.idx.msk [tilespmem:v28+s2+$0x0], $0xffff;
	v13 =	vmul.f32 v13, v14;
	v29 =	vadd.f32 $1.000000010e-07, v29;
	(erf) = vrcp.f32 v25  }
0x5c: {  	v14 =	vld.idx.msk [tilespmem:v56+s2+$0x0], $0xffff;
	v58 =	vmul.f32 v16, v10;
	(erf) = vrcp.f32 v27  }
0x5d: {  	v16 =	vmul.f32 v12, v16;
	v23 =	vld.idx.msk [tilespmem:v53+s2+$0x0], $0xffff;
	(erf) = vrcp.f32 v29  }
0x5e: {  	v10 =	vmul.f32 v10, v12;
	v12 =	vor.u32 s2, v0;
	v22 =	vld.idx.msk [tilespmem:v22+s2+$0x0], $0xffff  }
0x5f: {  	v61 =	vld.idx.msk [tilespmem:v9+s2+$0x0], $0xffff;
	v16 =	vadd.f32 v16, v17;
	v17 =	vor.u32 s2, v1  }
0x60: {  	v62 =	vor.u32 s2, v2;
	v60 =	vmul.f32 v20, v11;
	v24 =	vld.idx.msk [tilespmem:v24+s2+$0x0], $0xffff  }
0x61: {  	v20 =	vmul.f32 v15, v20;
	v13 =	vadd.f32 v10, v13;
	v25 =	vadd.f32 v58, v30  }
0x62: {  	v9 =	vor.u32 s2, v4;
	v15 =	vmul.f32 v11, v15;
	v63 =	vmul.f32 v23, v59  }
0x63: {  	v11 =	vor.u32 s2, v3;
	[tilespmem:v12+s9+$0x0] =	vst.idx.msk $0xffff, v19;
	v25 =	vadd.f32 v60, v25;
	v14 =	vmul.f32 v22, v14  }
0x64: {  	v10 =	vor.u32 s2, v5;
	v20 =	vadd.f32 v20, v16;
	v15 =	vadd.f32 v15, v13;
	[tilespmem:v17+s9+$0x0] =	vst.idx.msk $0xffff, v18;
	v12 =	vpop (erf)  }
0x65: {  	v18 =	vmul.f32 v24, v61;
	v14 =	vadd.f32 v14, v63;
	v16 =	vmul.f32 v12, v25;
	v13 =	vpop (erf)  }
0x66: {  	s11 =	simm.s32 $0x10010;
	s14 =	simm.s32 $0x8;
	s12 =	simm.s32 $0x0;
	[tilespmem:v62+s9+$0x0] =	vst.idx.msk $0xffff, v21;
	v12 =	vor.u32 s2, v6;
	v17 =	vmul.f32 v13, v20;
	v13 =	vor.u32 s2, v7;
	v19 =	vpop (erf)  }
.LBB2_2:
0x67: {  	s13 =	smov.u32 s14  }
0x68: {  	s15 =	sadd.s32 s14, s7;
	v15 =	vmul.f32 v19, v15;
	[tilespmem:v11+s9+$0x0] =	vst.idx.msk $0xffff, v16;
	s12 =	sadd.s32 $0x80, s12;
	s13 =	sadd.s32 $0x8, s14  }
0x69: {  	v11 =	vmov s15;
	s16 =	sadd.s32 $0x1, s15;
	s17 =	sadd.s32 $0x2, s15;
	s18 =	sadd.s32 $0x4, s15;
	v14 =	vadd.f32 v18, v14;
	[tilespmem:v9+s9+$0x0] =	vst.idx.msk $0xffff, v17  }
0x6a: {  	p0 =	sne.s32 s14, $0x7F8;
	v9 =	vand.u32 $0xFFFFFFF8, v11;
	v11 =	vmov s16;
	v16 =	vmov s17;
	s16 =	sadd.s32 $0x3, s15;
	s15 =	sadd.s32 $0x5, s15;
	[tilespmem:v10+s9+$0x0] =	vst.idx.msk $0xffff, v15  }
0x6b: {  	v15 =	vbroadcast v9, $0x0;
	v9 =	vand.u32 $0xFFFFFFF9, v11;
	v10 =	vand.u32 $0xFFFFFFFA, v16;
	[tilespmem:v12+s9+$0x0] =	vst.idx.msk $0xffff, v14  }
0x6c: {  	v16 =	vbroadcast v9, $0x0;
	v17 =	vbroadcast v10, $0x0;
	v9 =	vmov s18;
	[tilespmem:v13+s9+$0x0] =	vst.idx.msk $0xffff, v8  }
0x6d: {  	v10 =	vmov s16;
	v12 =	vmov s15;
	v9 =	vand.u32 $0xFFFFFFFC, v9;
	v11 =	vld [tilespmem:s11+$0x0]  }
0x6e: {  	v13 =	vand.u32 $0xFFFFFFFB, v10;
	v10 =	vbroadcast v9, $0x0;
	v9 =	vand.u32 $0xFFFFFFFD, v12  }
0x6f: {  	v13 =	vbroadcast v13, $0x0;
	v9 =	vbroadcast v9, $0x0;
	_ =	sdelay $0x2  }
0x70: {  	v18 =	vshll.u32 v11, $0x3  }
0x71: {  	v19 =	vor.u32 $0x1, v18;
	v20 =	vor.u32 $0x2, v18;
	v12 =	vor.u32 $0x3, v18  }
0x72: {  	v14 =	vor.u32 $0x4, v18;
	v11 =	vor.u32 $0x5, v18;
	_ =	sdelay $0x1  }
0x73: {  	v16 =	vld.idx.msk [tilespmem:v16+s2+$0x0], $0xffff  }
0x74: {  	v18 =	vld.idx.msk [tilespmem:v18+s2+$0x0], $0xffff  }
0x75: {  	v19 =	vld.idx.msk [tilespmem:v19+s2+$0x0], $0xffff  }
0x76: {  	v15 =	vld.idx.msk [tilespmem:v15+s2+$0x0], $0xffff  }
0x77: {  	v17 =	vld.idx.msk [tilespmem:v17+s2+$0x0], $0xffff  }
0x78: {  	v20 =	vld.idx.msk [tilespmem:v20+s2+$0x0], $0xffff;
	_ =	sdelay $0x1  }
0x79: {  	(xrf2) =	vadd.scan.msk.f32 $0xffff, v18  }
0x7a: {  	v21 =	vsub.f32 v19, v16  }
0x7b: {  	v22 =	vsub.f32 v18, v15  }
0x7c: {  	v23 =	vmul.f32 v21, v21;
	(xrf2) =	vadd.scan.msk.f32 $0xffff, v19  }
0x7d: {  	v24 =	vsub.f32 v20, v17;
	v25 =	vmul.f32 v22, v22;
	_ =	sdelay $0x1  }
0x7e: {  	v23 =	vadd.f32 v23, v25;
	v25 =	vmul.f32 v24, v24;
	(xrf2) =	vadd.scan.msk.f32 $0xffff, v20;
	_ =	sdelay $0x1  }
0x7f: {  	v23 =	vadd.f32 v25, v23;
	_ =	sdelay $0x1  }
0x80: {  	v25 =	vshra.s32 v23, $0x1;
	v26, _, _ =	vpop (xrf2)  }
0x81: {  	v25 =	vadd.s32 $0x1FBD1DF6, v25;
	(v2sf) =	vpush v26, $0xF  }
0x82: {  	(erf) = vrcp.f32 v25  }
0x83: {  	v26, _, _ =	vpop (xrf2);
	_ =	sdelay $0x2  }
0x84: {  	(v2sf) =	vpush v26, $0xF;
	v26, _, _ =	vpop (xrf2)  }
0x85: {  	(v2sf) =	vpush v26, $0xF;
	_ =	sdelay $0x3  }
0x86: {  	v26 =	vpop (erf)  }
0x87: {  	v26 =	vmul.f32 v26, v23;
	_ =	sdelay $0x1  }
0x88: {  	v25 =	vadd.f32 v25, v26;
	_ =	sdelay $0x1  }
0x89: {  	v25 =	vmul.f32 $5.000000000e-01, v25;
	s14 =	spop (v2sf)  }
0x8a: {  	s14 =	smul.f32 $6.250000000e-02, s14  }
0x8b: {  	(erf) = vrcp.f32 v25  }
0x8c: {  	v26 =	vmov s14;
	v18 =	vsub.f32 s14, v18  }
0x8d: {  	v15 =	vsub.f32 v15, v26  }
0x8e: {  	v26 =	vmul.f32 v22, v18;
	s14 =	spop (v2sf)  }
0x8f: {  	s14 =	smul.f32 $6.250000000e-02, s14;
	v22 =	vmul.f32 v15, v22;
	v27 =	vmul.f32 v18, v15;
	s15 =	spop (v2sf)  }
0x90: {  	s15 =	smul.f32 $6.250000000e-02, s15  }
0x91: {  	v18 =	vmul.f32 v18, v18;
	v28 =	vmov s14;
	v19 =	vsub.f32 s14, v19  }
0x92: {  	v29 =	vmov s15;
	v20 =	vsub.f32 s15, v20;
	v16 =	vsub.f32 v16, v28  }
0x93: {  	v15 =	vmul.f32 v15, v15;
	v17 =	vsub.f32 v17, v29;
	v28 =	vmul.f32 v19, v19  }
0x94: {  	v29 =	vmul.f32 v20, v20;
	v30 =	vmul.f32 v16, v16;
	v31 =	vpop (erf)  }
0x95: {  	v18 =	vadd.f32 v28, v18;
	v28 =	vmul.f32 v31, v23;
	v31 =	vmul.f32 v17, v17  }
0x96: {  	v32 =	vmul.f32 v21, v19;
	v21 =	vmul.f32 v16, v21;
	v30 =	vadd.f32 v30, v15  }
0x97: {  	v15 =	vmul.f32 v24, v20;
	v18 =	vadd.f32 v29, v18;
	v25 =	vadd.f32 v28, v25  }
0x98: {  	v16 =	vmul.f32 v19, v16;
	v26 =	vadd.f32 v32, v26;
	v28 =	vadd.f32 v31, v30  }
0x99: {  	v21 =	vadd.f32 v21, v22;
	v19 =	vshra.s32 v18, $0x1;
	v25 =	vmul.f32 $5.000000000e-01, v25  }
0x9a: {  	v24 =	vmul.f32 v17, v24;
	v19 =	vadd.s32 $0x1FBD1DF6, v19;
	v22 =	vshra.s32 v28, $0x1  }
0x9b: {  	v16 =	vadd.f32 v16, v27;
	v22 =	vadd.s32 $0x1FBD1DF6, v22;
	(erf) = vrcp.f32 v19  }
0x9c: {  	v17 =	vmul.f32 v20, v17;
	(erf) = vrcp.f32 v22  }
0x9d: {  	(erf) = vrcp.f32 v25;
	_ =	sdelay $0x6  }
0x9e: {  	v20 =	vpop (erf)  }
0x9f: {  	v20 =	vmul.f32 v20, v18;
	v27 =	vpop (erf)  }
0xa0: {  	v27 =	vmul.f32 v27, v28;
	v29 =	vpop (erf)  }
0xa1: {  	v19 =	vadd.f32 v19, v20;
	v20 =	vmul.f32 v29, v23  }
0xa2: {  	v22 =	vadd.f32 v22, v27  }
0xa3: {  	v19 =	vmul.f32 $5.000000000e-01, v19;
	v20 =	vadd.f32 v20, v25  }
0xa4: {  	v22 =	vmul.f32 $5.000000000e-01, v22  }
0xa5: {  	(erf) = vrcp.f32 v19  }
0xa6: {  	(erf) = vrcp.f32 v22;
	_ =	sdelay $0x7  }
0xa7: {  	v23 =	vpop (erf)  }
0xa8: {  	v23 =	vmul.f32 v23, v18;
	v25 =	vpop (erf)  }
0xa9: {  	v25 =	vmul.f32 v25, v28  }
0xaa: {  	v19 =	vadd.f32 v23, v19  }
0xab: {  	v22 =	vadd.f32 v25, v22  }
0xac: {  	v19 =	vmul.f32 $5.000000000e-01, v19  }
0xad: {  	v22 =	vmul.f32 $5.000000000e-01, v22  }
0xae: {  	(erf) = vrcp.f32 v19  }
0xaf: {  	(erf) = vrcp.f32 v22;
	_ =	sdelay $0x7  }
0xb0: {  	v23 =	vpop (erf)  }
0xb1: {  	v18 =	vmul.f32 v23, v18;
	v23 =	vpop (erf)  }
0xb2: {  	v23 =	vmul.f32 v23, v28  }
0xb3: {  	v18 =	vadd.f32 v18, v19  }
0xb4: {  	v19 =	vmul.f32 $5.000000000e-01, v20;
	v20 =	vadd.f32 v23, v22  }
0xb5: {  	v18 =	vmul.f32 $5.000000000e-01, v18  }
0xb6: {  	v20 =	vmul.f32 $5.000000000e-01, v20  }
0xb7: {  	v22 =	vmul.f32 v19, v18  }
0xb8: {  	v23 =	vmul.f32 v20, v19;
	v25 =	vmul.f32 v18, v20  }
0xb9: {  	v22 =	vadd.f32 $1.000000010e-07, v22  }
0xba: {  	v13 =	vld.idx.msk [tilespmem:v13+s2+$0x0], $0xffff;
	v23 =	vadd.f32 $1.000000010e-07, v23;
	v25 =	vadd.f32 $1.000000010e-07, v25  }
0xbb: {  	v10 =	vld.idx.msk [tilespmem:v10+s2+$0x0], $0xffff;
	(erf) = vrcp.f32 v22  }
0xbc: {  	v14 =	vld.idx.msk [tilespmem:v14+s2+$0x0], $0xffff;
	(erf) = vrcp.f32 v23  }
0xbd: {  	v12 =	vld.idx.msk [tilespmem:v12+s2+$0x0], $0xffff;
	(erf) = vrcp.f32 v25  }
0xbe: {  	v22 =	vor.u32 s12, v0  }
0xbf: {  	v25 =	vor.u32 s12, v1;
	v23 =	vld.idx.msk [tilespmem:v11+s2+$0x0], $0xffff  }
0xc0: {  	v28 =	vor.u32 s12, v2;
	v27 =	vld.idx.msk [tilespmem:v9+s2+$0x0], $0xffff  }
0xc1: {  	v11 =	vor.u32 s12, v3  }
.Ltmp0:
0xc2: {  	v26 =	vadd.f32 v15, v26;
	v9 =	vor.u32 s12, v4;
	v14 =	vmul.f32 v10, v14;
	(pc) =	sbr.rel @p0 .LBB2_2-.Ltmp0, $4  }
0xc3: {  	v21 =	vadd.f32 v24, v21;
	v10 =	vor.u32 s12, v5;
	v12 =	vmul.f32 v13, v12;
	[tilespmem:v22+s9+$0x0] =	vst.idx.msk $0xffff, v18  }
0xc4: {  	v15 =	vadd.f32 v17, v16;
	[tilespmem:v25+s9+$0x0] =	vst.idx.msk $0xffff, v19;
	v13 =	vpop (erf)  }
0xc5: {  	v14 =	vadd.f32 v14, v12;
	v12 =	vor.u32 s12, v6;
	v16 =	vmul.f32 v13, v26;
	[tilespmem:v28+s9+$0x0] =	vst.idx.msk $0xffff, v20;
	v13 =	vpop (erf)  }
0xc6: {  	s11 =	sadd.s32 $0x10, s11;
	s14 =	smov.u32 s13;
	v18 =	vmul.f32 v27, v23;
	v17 =	vmul.f32 v13, v21;
	v13 =	vor.u32 s12, v7;
	v19 =	vpop (erf)  }
0xc7: {  	_ =	sdelay $0x3  }
0xc8: {  	v15 =	vmul.f32 v19, v15;
	[tilespmem:v11+s9+$0x0] =	vst.idx.msk $0xffff, v16  }
0xc9: {  	v11 =	vadd.f32 v18, v14;
	[tilespmem:v9+s9+$0x0] =	vst.idx.msk $0xffff, v17  }
0xca: {  	s10 =	sadd.s32 $0x1, s10;
	[tilespmem:v10+s9+$0x0] =	vst.idx.msk $0xffff, v15  }
0xcb: {  	p0 =	sne.s32 s10, s6;
	[tilespmem:v12+s9+$0x0] =	vst.idx.msk $0xffff, v11  }
.Ltmp1:
0xcc: {  	[tilespmem:v13+s9+$0x0] =	vst.idx.msk $0xffff, v8;
	(pc) =	sbr.rel @p0 .LBB2_1-.Ltmp1, $4  }
0xcd: {  	[hbm4b:s5+s2] =	stream.linear.scatter [tilespmem:s9], [sflag:$0x1], $0x8000, $0x38;
	[tilespmem:$0x19000] =	vst v63  }
0xce: {  	_ =	swait.ge [sflag:s8], $0x8000  }
0xcf: {  	[sflag:s8] =	ssyncset.done $0x0  }
0xd0: {  	[sflag:s8] =	ssyncadd.s32 $0xFFFF8000  }
0xd1: {  	_ =	sfence.sel $0x180000  }
0xd2: {  	[bflag:$0x0] =	sbarrier.arrive $0xFFFF  }
0xd3: {  	p0 =	sne.s32 s0, $0x0;
	_ =	strace $0x90000047  }
0xd4: {  	s0 =	sadd.s32 @!p0 $0x100000, s1;
	[bflag:$0x2] =	sbarrier.arrive $0xFFFF  }
0xd5: {  	[sflag:s0] =	ssyncadd.tile.s32 @!p0 $0x1;
	_ =	shalt  }
.Lfunc_end2:
_tile_overlayer_lowered:
.L_overlay_start_2:
0xd6: {  	(tag) =	ssettag $0x2  }
0xd7: {  	s0 =	rddreg [dreg:$0x0];
	s2 =	stileid.u32  }
0xd8: {  	s1 =	rddreg [dreg:$0x1];
	p0 =	sne.s32 s2, $0x0  }
0xd9: {  	s3 =	rddreg [dreg:$0x2];
	[bflag:$0x3] =	sbarrier.arrive $0xFFFF;
	s2 =	simm.s32 @!p0 $0x1C01  }
0xda: {  	[timem:s3], [sflag:s2] =	dma.local @!p0 [hbm:s0], s1  }
0xdb: {  	s0 =	simm.s32 @!p0 $0x1  }
0xdc: {  	_ =	swait.ge @!p0 [sflag:s0], s1  }
0xdd: {  	s1 =	ssub.s32 @!p0 $0x0, s1;
	[sflag:s0] =	ssyncset.done @!p0 $0x0  }
0xde: {  	[sflag:s0] =	ssyncadd.s32 @!p0 s1  }
0xdf: {  	[bflag:$0x3] =	sbarrier.arrive $0xFFFF  }
0xe0: {  	_ =	shalt  }

</sc_bundles>
